<compile_context>
chip_gen: v7x
topology: tpu7x:2x2x1
jax: 0.10.2.dev20260603
libtpu: 0.0.44.dev20260713+nightly
codegen_flags: <defaults>
</compile_context>

<pallas_src>
import functools

import jax
import jax.numpy as jnp
from jax import lax
from jax.experimental import pallas as pl
from jax.experimental.pallas import tpu as pltpu
from jax.experimental.pallas import tpu_sc as plsc

_N = 10000
_D = 128
_DH = 256
_DHALF = _D // 2

_NC = 2
_NS = 16
_NW = _NC * _NS
_NCH = 125
_C = 80
_NB = 5
_RPS = 640
_NR = _NS * _RPS

_mesh = plsc.VectorSubcoreMesh(core_axis_name="c", subcore_axis_name="s")


@functools.partial(
    pl.kernel,
    out_type=jax.ShapeDtypeStruct((_NC * _NR,), jnp.float32),
    mesh=_mesh,
    scratch_types=[
        pltpu.VMEM((_NCH, _C), jnp.int32),
        pltpu.VMEM((_C,), jnp.float32),
        pltpu.VMEM((_RPS,), jnp.float32),
        pltpu.VMEM_SHARED((_NR,), jnp.float32),
    ],
    compiler_params=pltpu.CompilerParams(use_tc_tiling_on_sc=False),
)
def _deg_sc(dst_hbm, out_hbm, dst_v, ones_v, z_v, acc_sh):
    c = lax.axis_index("c")
    s = lax.axis_index("s")
    wid = c * _NS + s
    pltpu.sync_copy(dst_hbm.at[wid], dst_v)
    for i in range(_C // 16):
        ones_v[pl.ds(i * 16, 16)] = jnp.ones((16,), jnp.float32)
    for i in range(_RPS // 16):
        z_v[pl.ds(i * 16, 16)] = jnp.zeros((16,), jnp.float32)
    pltpu.sync_copy(z_v, acc_sh.at[pl.ds(s * _RPS, _RPS)])
    plsc.subcore_barrier()

    def body(j, carry):
        pltpu.sync_copy(ones_v.at[pl.ds(0, _C)], acc_sh.at[dst_v.at[j]], add=True)
        return carry

    lax.fori_loop(0, _NCH, body, 0)
    plsc.subcore_barrier()
    pltpu.sync_copy(acc_sh.at[pl.ds(s * _RPS, _RPS)],
                    out_hbm.at[pl.ds(c * _NR + s * _RPS, _RPS)])


@functools.partial(
    pl.kernel,
    out_type=jax.ShapeDtypeStruct((_NC, _NR, _D), jnp.bfloat16),
    mesh=_mesh,
    scratch_types=[
        pltpu.VMEM((_NCH, _C), jnp.int32),
        pltpu.VMEM((_NCH, _C), jnp.int32),
        pltpu.VMEM((_NB, _C, _D), jnp.bfloat16),
        pltpu.VMEM_SHARED((_NR, _D), jnp.bfloat16),
    ] + [pltpu.SemaphoreType.DMA] * _NB,
    compiler_params=pltpu.CompilerParams(use_tc_tiling_on_sc=False),
)
def _prop_sc(tab, src_hbm, dst_hbm, out_hbm, src_v, dst_v, rows_v, acc_sh, *sems):
    c = lax.axis_index("c")
    s = lax.axis_index("s")
    wid = c * _NS + s
    pltpu.sync_copy(src_hbm.at[wid], src_v)
    pltpu.sync_copy(dst_hbm.at[wid], dst_v)
    rs = s * _RPS
    pltpu.sync_copy(tab.at[pl.ds(rs, _RPS)], acc_sh.at[pl.ds(rs, _RPS)])
    plsc.subcore_barrier()

    for b in range(_NB):
        pltpu.async_copy(tab.at[src_v.at[b]], rows_v.at[b], sems[b])

    def round_body(r, carry):
        for b in range(_NB):
            g = r * _NB + b
            pltpu.make_async_copy(tab.at[src_v.at[g]], rows_v.at[b],
                                  sems[b]).wait()
            pltpu.sync_copy(rows_v.at[b], acc_sh.at[dst_v.at[g]], add=True)

            @pl.when(r < _NCH // _NB - 1)
            def _():
                pltpu.async_copy(tab.at[src_v.at[g + _NB]], rows_v.at[b],
                                 sems[b])
        return carry

    lax.fori_loop(0, _NCH // _NB, round_body, 0)
    plsc.subcore_barrier()
    pltpu.sync_copy(acc_sh.at[pl.ds(rs, _RPS)], out_hbm.at[c, pl.ds(rs, _RPS)])


_BN = 2000
_GRID = _N // _BN


def _dinv_of(deg_ref):
    i = pl.program_id(0)
    blk = deg_ref[pl.ds(i * _BN, _BN), :]
    d = blk[:, 0:1] + blk[:, 1:2] + 1.0
    return lax.rsqrt(d)


def _scale_body(deg_ref, x_ref, o_ref):
    dinv = _dinv_of(deg_ref)
    o_ref[...] = (x_ref[...] * dinv).astype(jnp.bfloat16)


def _mid_body(deg_ref, g_ref, xs_ref, w1_ref, b1_ref, w2_ref, o_ref):
    dinv = _dinv_of(deg_ref)
    gsum = (g_ref[0].astype(jnp.float32) + g_ref[1].astype(jnp.float32)
            - xs_ref[...].astype(jnp.float32))
    p = gsum * dinv
    h = jnp.maximum(
        jnp.dot(p, w1_ref[...], preferred_element_type=jnp.float32)
        + b1_ref[...], 0.0)
    h2 = jnp.dot(h, w2_ref[...], preferred_element_type=jnp.float32)
    o_ref[...] = (h2 * dinv).astype(jnp.bfloat16)


def _final_body(deg_ref, q_ref, hs_ref, b2_ref, o_ref):
    dinv = _dinv_of(deg_ref)
    qsum = (q_ref[0].astype(jnp.float32) + q_ref[1].astype(jnp.float32)
            - hs_ref[...].astype(jnp.float32))
    o = qsum * dinv + b2_ref[...]
    m = jnp.max(o, axis=1, keepdims=True)
    lse = jnp.log(jnp.sum(jnp.exp(o - m), axis=1, keepdims=True))
    o_ref[...] = o - m - lse


_deg_spec = pl.BlockSpec((_NR, _NC), lambda i: (0, 0))
_row_spec = pl.BlockSpec((_BN, _D), lambda i: (i, 0))
_par_spec = pl.BlockSpec((_NC, _BN, _D), lambda i: (0, i, 0))
_tab_out = jax.ShapeDtypeStruct((_NR, _D), jnp.bfloat16)

_scale_tc = pl.pallas_call(
    _scale_body,
    grid=(_GRID,),
    in_specs=[_deg_spec, _row_spec],
    out_specs=_row_spec,
    out_shape=_tab_out,
)

_mid_tc = pl.pallas_call(
    _mid_body,
    grid=(_GRID,),
    in_specs=[
        _deg_spec,
        _par_spec,
        _row_spec,
        pl.BlockSpec((_D, _DH), lambda i: (0, 0)),
        pl.BlockSpec((1, _DH), lambda i: (0, 0)),
        pl.BlockSpec((_DH, _D), lambda i: (0, 0)),
    ],
    out_specs=_row_spec,
    out_shape=_tab_out,
)

_final_tc = pl.pallas_call(
    _final_body,
    grid=(_GRID,),
    in_specs=[_deg_spec, _par_spec, _row_spec,
              pl.BlockSpec((1, _D), lambda i: (0, 0))],
    out_specs=_row_spec,
    out_shape=jax.ShapeDtypeStruct((_N, _D), jnp.float32),
)


def kernel(x, edge_index, W1, b1, W2, b2):
    src = edge_index[0].reshape(_NW, _NCH, _C)
    dst = edge_index[1].reshape(_NW, _NCH, _C)
    deg = _deg_sc(dst).reshape(_NC, _NR)
    deg_nt = deg.T
    xs = _scale_tc(deg_nt, x)
    g = _prop_sc(xs, src, dst)
    h2s = _mid_tc(deg_nt, g, xs, W1, b1.reshape(1, _DH), W2)
    q = _prop_sc(h2s, src, dst)
    return _final_tc(deg_nt, q, h2s, b2.reshape(1, _D))

# --- scband reference (transcript-rebuilt; emitter-appended) ---
"""Pipeline reference for scband-my-gcn-23854248362839 (READ-ONLY COPY).

The authoritative reference and input builder live on the scoring server;
editing this copy changes nothing except your own understanding.
"""

import jax, jax.numpy as jnp
import numpy as np

N = 10000
E = 320000
D_IN = 128
D_H = 256
D_OUT = 128


def gcn_conv(x, edge_index, W, b):
    n = x.shape[0]
    loop = jnp.arange(n, dtype=edge_index.dtype)
    src = jnp.concatenate([edge_index[0], loop])
    dst = jnp.concatenate([edge_index[1], loop])
    deg = jnp.zeros((n,), x.dtype).at[dst].add(1.0)
    dinv = jax.lax.rsqrt(jnp.maximum(deg, 1e-12))
    norm = dinv[src] * dinv[dst]
    h = x @ W
    msg = h[src] * norm[:, None]
    out = jnp.zeros((n, W.shape[1]), x.dtype).at[dst].add(msg)
    return out + b


def setup_inputs(seed: int = 0) -> dict:
    key = jax.random.key(seed)
    k1, k2, k3, k4, k5, k6 = jax.random.split(key, 6)
    x = jax.random.normal(k1, (N, D_IN), dtype=jnp.float32)
    edge_index = jax.random.randint(k2, (2, E), 0, N, dtype=jnp.int32)
    W1 = jax.random.normal(k3, (D_IN, D_H), dtype=jnp.float32) * (1.0 / np.sqrt(D_IN))
    b1 = jnp.zeros((D_H,), dtype=jnp.float32)
    W2 = jax.random.normal(k4, (D_H, D_OUT), dtype=jnp.float32) * (1.0 / np.sqrt(D_H))
    b2 = jnp.zeros((D_OUT,), dtype=jnp.float32)
    return {"x": x, "edge_index": edge_index, "W1": W1, "b1": b1, "W2": W2, "b2": b2}


def reference(x, edge_index, W1, b1, W2, b2):
    h = jax.nn.relu(gcn_conv(x, edge_index, W1, b1))
    h = gcn_conv(h, edge_index, W2, b2)
    return jax.nn.log_softmax(h, axis=1)

if __name__ == "__main__":
    import jax
    _d = setup_inputs()
    print(jax.jit(kernel)(*tuple(_d.values())))

</pallas_src>

<mosaic_0001>
#map = affine_map<(d0, d1) -> (0, 0)>
#map1 = affine_map<(d0, d1) -> (0, 0, 0)>
module attributes {stable_mosaic.version = 14 : i64} {
  func.func @_prop_sc(%arg0: i32, %arg1: i32, %arg2: memref<10240x128xbf16, #tpu.memory_space<hbm>>, %arg3: memref<32x125x80xi32, #tpu.memory_space<hbm>>, %arg4: memref<32x125x80xi32, #tpu.memory_space<hbm>>, %arg5: memref<2x10240x128xbf16, #tpu.memory_space<hbm>>, %arg6: memref<125x80xi32, #tpu.memory_space<vmem>>, %arg7: memref<125x80xi32, #tpu.memory_space<vmem>>, %arg8: memref<5x80x128xbf16, #tpu.memory_space<vmem>>, %arg9: memref<10240x128xbf16, #tpu.memory_space<vmem_shared>>, %arg10: memref<!tpu.dma_semaphore, #tpu.memory_space<semaphore_mem>>, %arg11: memref<!tpu.dma_semaphore, #tpu.memory_space<semaphore_mem>>, %arg12: memref<!tpu.dma_semaphore, #tpu.memory_space<semaphore_mem>>, %arg13: memref<!tpu.dma_semaphore, #tpu.memory_space<semaphore_mem>>, %arg14: memref<!tpu.dma_semaphore, #tpu.memory_space<semaphore_mem>>) attributes {dimension_semantics = [#tpu.dimension_semantics<core_parallel>, #tpu.dimension_semantics<subcore_parallel>], iteration_bounds = array<i64: 2, 16>, scalar_prefetch = 0 : i64, scratch_operands = 9 : i64, tpu.core_type = #tpu.core_type<sc_vector_subcore>, window_params = [{transform_indices = #map}, {transform_indices = #map1}, {transform_indices = #map1}, {transform_indices = #map1}]} {
    %mul3A = arith.constant 16 : i32
    %mul3A_0 = arith.muli %arg0, %mul3A : i32
    %add3A = arith.addi %mul3A_0, %arg1 : i32
    "tpu.region"() ({
      %run_scoped3A = tpu.sem_alloc : memref<!tpu.dma_semaphore, #tpu.memory_space<semaphore_mem>>
      %dma_start3A_68 = arith.constant 0 : i32
      %dma_start3A_69 = arith.constant 0 : i32
      %dma_start3A_70 = tpu.memref_slice %arg3[%add3A, %dma_start3A_68, %dma_start3A_69] : memref<32x125x80xi32, #tpu.memory_space<hbm>> -> memref<1x125x80xi32, #tpu.memory_space<hbm>>
      %dma_start3A_71 = tpu.memref_squeeze %dma_start3A_70 : memref<1x125x80xi32, #tpu.memory_space<hbm>> -> memref<125x80xi32, #tpu.memory_space<hbm>>
      %dma_start3A_72 = arith.constant 0 : i32
      %dma_start3A_73 = arith.constant 0 : i32
      %dma_start3A_74 = tpu.memref_slice %arg3[%add3A, %dma_start3A_72, %dma_start3A_73] : memref<32x125x80xi32, #tpu.memory_space<hbm>> -> memref<1x125x80xi32, #tpu.memory_space<hbm>>
      %dma_start3A_75 = tpu.memref_squeeze %dma_start3A_74 : memref<1x125x80xi32, #tpu.memory_space<hbm>> -> memref<125x80xi32, #tpu.memory_space<hbm>>
      tpu.enqueue_dma source(%dma_start3A_75 : memref<125x80xi32, #tpu.memory_space<hbm>>) target(%arg6 : memref<125x80xi32, #tpu.memory_space<vmem>>) target_semaphore(%run_scoped3A : memref<!tpu.dma_semaphore, #tpu.memory_space<semaphore_mem>>)
      %dma_wait3A = arith.constant 0 : i32
      %dma_wait3A_76 = arith.constant 0 : i32
      %dma_wait3A_77 = tpu.memref_slice %arg3[%add3A, %dma_wait3A, %dma_wait3A_76] : memref<32x125x80xi32, #tpu.memory_space<hbm>> -> memref<1x125x80xi32, #tpu.memory_space<hbm>>
      %dma_wait3A_78 = tpu.memref_squeeze %dma_wait3A_77 : memref<1x125x80xi32, #tpu.memory_space<hbm>> -> memref<125x80xi32, #tpu.memory_space<hbm>>
      %dma_wait3A_79 = arith.constant 0 : i32
      %dma_wait3A_80 = arith.constant 0 : i32
      %dma_wait3A_81 = tpu.memref_slice %arg3[%add3A, %dma_wait3A_79, %dma_wait3A_80] : memref<32x125x80xi32, #tpu.memory_space<hbm>> -> memref<1x125x80xi32, #tpu.memory_space<hbm>>
      %dma_wait3A_82 = tpu.memref_squeeze %dma_wait3A_81 : memref<1x125x80xi32, #tpu.memory_space<hbm>> -> memref<125x80xi32, #tpu.memory_space<hbm>>
      tpu.wait_dma2 semaphore(%run_scoped3A : memref<!tpu.dma_semaphore, #tpu.memory_space<semaphore_mem>>) src(%dma_wait3A_82 : memref<125x80xi32, #tpu.memory_space<hbm>>) dst(%arg6 : memref<125x80xi32, #tpu.memory_space<vmem>>)
      tpu.yield
    }) : () -> ()
    "tpu.region"() ({
      %run_scoped3A = tpu.sem_alloc : memref<!tpu.dma_semaphore, #tpu.memory_space<semaphore_mem>>
      %dma_start3A_68 = arith.constant 0 : i32
      %dma_start3A_69 = arith.constant 0 : i32
      %dma_start3A_70 = tpu.memref_slice %arg4[%add3A, %dma_start3A_68, %dma_start3A_69] : memref<32x125x80xi32, #tpu.memory_space<hbm>> -> memref<1x125x80xi32, #tpu.memory_space<hbm>>
      %dma_start3A_71 = tpu.memref_squeeze %dma_start3A_70 : memref<1x125x80xi32, #tpu.memory_space<hbm>> -> memref<125x80xi32, #tpu.memory_space<hbm>>
      %dma_start3A_72 = arith.constant 0 : i32
      %dma_start3A_73 = arith.constant 0 : i32
      %dma_start3A_74 = tpu.memref_slice %arg4[%add3A, %dma_start3A_72, %dma_start3A_73] : memref<32x125x80xi32, #tpu.memory_space<hbm>> -> memref<1x125x80xi32, #tpu.memory_space<hbm>>
      %dma_start3A_75 = tpu.memref_squeeze %dma_start3A_74 : memref<1x125x80xi32, #tpu.memory_space<hbm>> -> memref<125x80xi32, #tpu.memory_space<hbm>>
      tpu.enqueue_dma source(%dma_start3A_75 : memref<125x80xi32, #tpu.memory_space<hbm>>) target(%arg7 : memref<125x80xi32, #tpu.memory_space<vmem>>) target_semaphore(%run_scoped3A : memref<!tpu.dma_semaphore, #tpu.memory_space<semaphore_mem>>)
      %dma_wait3A = arith.constant 0 : i32
      %dma_wait3A_76 = arith.constant 0 : i32
      %dma_wait3A_77 = tpu.memref_slice %arg4[%add3A, %dma_wait3A, %dma_wait3A_76] : memref<32x125x80xi32, #tpu.memory_space<hbm>> -> memref<1x125x80xi32, #tpu.memory_space<hbm>>
      %dma_wait3A_78 = tpu.memref_squeeze %dma_wait3A_77 : memref<1x125x80xi32, #tpu.memory_space<hbm>> -> memref<125x80xi32, #tpu.memory_space<hbm>>
      %dma_wait3A_79 = arith.constant 0 : i32
      %dma_wait3A_80 = arith.constant 0 : i32
      %dma_wait3A_81 = tpu.memref_slice %arg4[%add3A, %dma_wait3A_79, %dma_wait3A_80] : memref<32x125x80xi32, #tpu.memory_space<hbm>> -> memref<1x125x80xi32, #tpu.memory_space<hbm>>
      %dma_wait3A_82 = tpu.memref_squeeze %dma_wait3A_81 : memref<1x125x80xi32, #tpu.memory_space<hbm>> -> memref<125x80xi32, #tpu.memory_space<hbm>>
      tpu.wait_dma2 semaphore(%run_scoped3A : memref<!tpu.dma_semaphore, #tpu.memory_space<semaphore_mem>>) src(%dma_wait3A_82 : memref<125x80xi32, #tpu.memory_space<hbm>>) dst(%arg7 : memref<125x80xi32, #tpu.memory_space<vmem>>)
      tpu.yield
    }) : () -> ()
    %mul3A_1 = arith.constant 640 : i32
    %mul3A_2 = arith.muli %arg1, %mul3A_1 : i32
    "tpu.region"() ({
      %run_scoped3A = tpu.sem_alloc : memref<!tpu.dma_semaphore, #tpu.memory_space<semaphore_mem>>
      %dma_start3A_68 = arith.constant 0 : i32
      %dma_start3A_69 = tpu.memref_slice %arg9[%mul3A_2, %dma_start3A_68] : memref<10240x128xbf16, #tpu.memory_space<vmem_shared>> -> memref<640x128xbf16, #tpu.memory_space<vmem_shared>>
      %dma_start3A_70 = arith.constant 0 : i32
      %dma_start3A_71 = tpu.memref_slice %arg2[%mul3A_2, %dma_start3A_70] : memref<10240x128xbf16, #tpu.memory_space<hbm>> -> memref<640x128xbf16, #tpu.memory_space<hbm>>
      tpu.enqueue_dma source(%dma_start3A_71 : memref<640x128xbf16, #tpu.memory_space<hbm>>) target(%dma_start3A_69 : memref<640x128xbf16, #tpu.memory_space<vmem_shared>>) target_semaphore(%run_scoped3A : memref<!tpu.dma_semaphore, #tpu.memory_space<semaphore_mem>>)
      %dma_wait3A = arith.constant 0 : i32
      %dma_wait3A_72 = tpu.memref_slice %arg9[%mul3A_2, %dma_wait3A] : memref<10240x128xbf16, #tpu.memory_space<vmem_shared>> -> memref<640x128xbf16, #tpu.memory_space<vmem_shared>>
      %dma_wait3A_73 = arith.constant 0 : i32
      %dma_wait3A_74 = tpu.memref_slice %arg2[%mul3A_2, %dma_wait3A_73] : memref<10240x128xbf16, #tpu.memory_space<hbm>> -> memref<640x128xbf16, #tpu.memory_space<hbm>>
      tpu.wait_dma2 semaphore(%run_scoped3A : memref<!tpu.dma_semaphore, #tpu.memory_space<semaphore_mem>>) src(%dma_wait3A_74 : memref<640x128xbf16, #tpu.memory_space<hbm>>) dst(%dma_wait3A_72 : memref<640x128xbf16, #tpu.memory_space<vmem_shared>>)
      tpu.yield
    }) : () -> ()
    %barrier3A = arith.constant 0 : index
    tpu.barrier barrier_id(%barrier3A)
    %dma_start3A = arith.constant 0 : i32
    %dma_start3A_3 = arith.constant 0 : i32
    %dma_start3A_4 = arith.constant 0 : i32
    %dma_start3A_5 = arith.constant 0 : i32
    %dma_start3A_6 = tpu.memref_slice %arg8[%dma_start3A_3, %dma_start3A_4, %dma_start3A_5] : memref<5x80x128xbf16, #tpu.memory_space<vmem>> -> memref<1x80x128xbf16, #tpu.memory_space<vmem>>
    %dma_start3A_7 = tpu.memref_squeeze %dma_start3A_6 : memref<1x80x128xbf16, #tpu.memory_space<vmem>> -> memref<80x128xbf16, #tpu.memory_space<vmem>>
    %dma_start3A_8 = arith.constant 0 : i32
    %dma_start3A_9 = tpu.memref_slice %arg6[%dma_start3A, %dma_start3A_8] : memref<125x80xi32, #tpu.memory_space<vmem>> -> memref<1x80xi32, #tpu.memory_space<vmem>>
    %dma_start3A_10 = tpu.memref_squeeze %dma_start3A_9 : memref<1x80xi32, #tpu.memory_space<vmem>> -> memref<80xi32, #tpu.memory_space<vmem>>
    %dma_start3A_11 = arith.constant 0 : i32
    %dma_start3A_12 = arith.constant 0 : i32
    %dma_start3A_13 = tpu.memref_slice %arg2[%dma_start3A_11, %dma_start3A_12] : memref<10240x128xbf16, #tpu.memory_space<hbm>> -> memref<10240x128xbf16, #tpu.memory_space<hbm>>
    tpu.enqueue_indirect_dma source(%dma_start3A_13 : memref<10240x128xbf16, #tpu.memory_space<hbm>>) target(%dma_start3A_7 : memref<80x128xbf16, #tpu.memory_space<vmem>>) offsets(%dma_start3A_10 : memref<80xi32, #tpu.memory_space<vmem>>) semaphore(%arg10 : memref<!tpu.dma_semaphore, #tpu.memory_space<semaphore_mem>>)
    %dma_start3A_14 = arith.constant 1 : i32
    %dma_start3A_15 = arith.constant 1 : i32
    %dma_start3A_16 = arith.constant 0 : i32
    %dma_start3A_17 = arith.constant 0 : i32
    %dma_start3A_18 = tpu.memref_slice %arg8[%dma_start3A_15, %dma_start3A_16, %dma_start3A_17] : memref<5x80x128xbf16, #tpu.memory_space<vmem>> -> memref<1x80x128xbf16, #tpu.memory_space<vmem>>
    %dma_start3A_19 = tpu.memref_squeeze %dma_start3A_18 : memref<1x80x128xbf16, #tpu.memory_space<vmem>> -> memref<80x128xbf16, #tpu.memory_space<vmem>>
    %dma_start3A_20 = arith.constant 0 : i32
    %dma_start3A_21 = tpu.memref_slice %arg6[%dma_start3A_14, %dma_start3A_20] : memref<125x80xi32, #tpu.memory_space<vmem>> -> memref<1x80xi32, #tpu.memory_space<vmem>>
    %dma_start3A_22 = tpu.memref_squeeze %dma_start3A_21 : memref<1x80xi32, #tpu.memory_space<vmem>> -> memref<80xi32, #tpu.memory_space<vmem>>
    %dma_start3A_23 = arith.constant 0 : i32
    %dma_start3A_24 = arith.constant 0 : i32
    %dma_start3A_25 = tpu.memref_slice %arg2[%dma_start3A_23, %dma_start3A_24] : memref<10240x128xbf16, #tpu.memory_space<hbm>> -> memref<10240x128xbf16, #tpu.memory_space<hbm>>
    tpu.enqueue_indirect_dma source(%dma_start3A_25 : memref<10240x128xbf16, #tpu.memory_space<hbm>>) target(%dma_start3A_19 : memref<80x128xbf16, #tpu.memory_space<vmem>>) offsets(%dma_start3A_22 : memref<80xi32, #tpu.memory_space<vmem>>) semaphore(%arg11 : memref<!tpu.dma_semaphore, #tpu.memory_space<semaphore_mem>>)
    %dma_start3A_26 = arith.constant 2 : i32
    %dma_start3A_27 = arith.constant 2 : i32
    %dma_start3A_28 = arith.constant 0 : i32
    %dma_start3A_29 = arith.constant 0 : i32
    %dma_start3A_30 = tpu.memref_slice %arg8[%dma_start3A_27, %dma_start3A_28, %dma_start3A_29] : memref<5x80x128xbf16, #tpu.memory_space<vmem>> -> memref<1x80x128xbf16, #tpu.memory_space<vmem>>
    %dma_start3A_31 = tpu.memref_squeeze %dma_start3A_30 : memref<1x80x128xbf16, #tpu.memory_space<vmem>> -> memref<80x128xbf16, #tpu.memory_space<vmem>>
    %dma_start3A_32 = arith.constant 0 : i32
    %dma_start3A_33 = tpu.memref_slice %arg6[%dma_start3A_26, %dma_start3A_32] : memref<125x80xi32, #tpu.memory_space<vmem>> -> memref<1x80xi32, #tpu.memory_space<vmem>>
    %dma_start3A_34 = tpu.memref_squeeze %dma_start3A_33 : memref<1x80xi32, #tpu.memory_space<vmem>> -> memref<80xi32, #tpu.memory_space<vmem>>
    %dma_start3A_35 = arith.constant 0 : i32
    %dma_start3A_36 = arith.constant 0 : i32
    %dma_start3A_37 = tpu.memref_slice %arg2[%dma_start3A_35, %dma_start3A_36] : memref<10240x128xbf16, #tpu.memory_space<hbm>> -> memref<10240x128xbf16, #tpu.memory_space<hbm>>
    tpu.enqueue_indirect_dma source(%dma_start3A_37 : memref<10240x128xbf16, #tpu.memory_space<hbm>>) target(%dma_start3A_31 : memref<80x128xbf16, #tpu.memory_space<vmem>>) offsets(%dma_start3A_34 : memref<80xi32, #tpu.memory_space<vmem>>) semaphore(%arg12 : memref<!tpu.dma_semaphore, #tpu.memory_space<semaphore_mem>>)
    %dma_start3A_38 = arith.constant 3 : i32
    %dma_start3A_39 = arith.constant 3 : i32
    %dma_start3A_40 = arith.constant 0 : i32
    %dma_start3A_41 = arith.constant 0 : i32
    %dma_start3A_42 = tpu.memref_slice %arg8[%dma_start3A_39, %dma_start3A_40, %dma_start3A_41] : memref<5x80x128xbf16, #tpu.memory_space<vmem>> -> memref<1x80x128xbf16, #tpu.memory_space<vmem>>
    %dma_start3A_43 = tpu.memref_squeeze %dma_start3A_42 : memref<1x80x128xbf16, #tpu.memory_space<vmem>> -> memref<80x128xbf16, #tpu.memory_space<vmem>>
    %dma_start3A_44 = arith.constant 0 : i32
    %dma_start3A_45 = tpu.memref_slice %arg6[%dma_start3A_38, %dma_start3A_44] : memref<125x80xi32, #tpu.memory_space<vmem>> -> memref<1x80xi32, #tpu.memory_space<vmem>>
    %dma_start3A_46 = tpu.memref_squeeze %dma_start3A_45 : memref<1x80xi32, #tpu.memory_space<vmem>> -> memref<80xi32, #tpu.memory_space<vmem>>
    %dma_start3A_47 = arith.constant 0 : i32
    %dma_start3A_48 = arith.constant 0 : i32
    %dma_start3A_49 = tpu.memref_slice %arg2[%dma_start3A_47, %dma_start3A_48] : memref<10240x128xbf16, #tpu.memory_space<hbm>> -> memref<10240x128xbf16, #tpu.memory_space<hbm>>
    tpu.enqueue_indirect_dma source(%dma_start3A_49 : memref<10240x128xbf16, #tpu.memory_space<hbm>>) target(%dma_start3A_43 : memref<80x128xbf16, #tpu.memory_space<vmem>>) offsets(%dma_start3A_46 : memref<80xi32, #tpu.memory_space<vmem>>) semaphore(%arg13 : memref<!tpu.dma_semaphore, #tpu.memory_space<semaphore_mem>>)
    %dma_start3A_50 = arith.constant 4 : i32
    %dma_start3A_51 = arith.constant 4 : i32
    %dma_start3A_52 = arith.constant 0 : i32
    %dma_start3A_53 = arith.constant 0 : i32
    %dma_start3A_54 = tpu.memref_slice %arg8[%dma_start3A_51, %dma_start3A_52, %dma_start3A_53] : memref<5x80x128xbf16, #tpu.memory_space<vmem>> -> memref<1x80x128xbf16, #tpu.memory_space<vmem>>
    %dma_start3A_55 = tpu.memref_squeeze %dma_start3A_54 : memref<1x80x128xbf16, #tpu.memory_space<vmem>> -> memref<80x128xbf16, #tpu.memory_space<vmem>>
    %dma_start3A_56 = arith.constant 0 : i32
    %dma_start3A_57 = tpu.memref_slice %arg6[%dma_start3A_50, %dma_start3A_56] : memref<125x80xi32, #tpu.memory_space<vmem>> -> memref<1x80xi32, #tpu.memory_space<vmem>>
    %dma_start3A_58 = tpu.memref_squeeze %dma_start3A_57 : memref<1x80xi32, #tpu.memory_space<vmem>> -> memref<80xi32, #tpu.memory_space<vmem>>
    %dma_start3A_59 = arith.constant 0 : i32
    %dma_start3A_60 = arith.constant 0 : i32
    %dma_start3A_61 = tpu.memref_slice %arg2[%dma_start3A_59, %dma_start3A_60] : memref<10240x128xbf16, #tpu.memory_space<hbm>> -> memref<10240x128xbf16, #tpu.memory_space<hbm>>
    tpu.enqueue_indirect_dma source(%dma_start3A_61 : memref<10240x128xbf16, #tpu.memory_space<hbm>>) target(%dma_start3A_55 : memref<80x128xbf16, #tpu.memory_space<vmem>>) offsets(%dma_start3A_58 : memref<80xi32, #tpu.memory_space<vmem>>) semaphore(%arg14 : memref<!tpu.dma_semaphore, #tpu.memory_space<semaphore_mem>>)
    %scan3A = arith.constant 0 : i32
    %scan3A_62 = arith.constant 0 : i32
    %scan3A_63 = arith.constant 25 : i32
    %scan3A_64 = arith.addi %scan3A_62, %scan3A_63 : i32
    %scan3A_65 = arith.constant 1 : i32
    scf.for %scan3A_68 = %scan3A_62 to %scan3A_64 step %scan3A_65  : i32 {
      %mul3A_69 = arith.constant 5 : i32
      %mul3A_70 = arith.muli %scan3A_68, %mul3A_69 : i32
      %add3A_71 = arith.constant 0 : i32
      %add3A_72 = arith.addi %mul3A_70, %add3A_71 : i32
      %dma_wait3A = arith.constant 0 : i32
      %dma_wait3A_73 = arith.constant 0 : i32
      %dma_wait3A_74 = arith.constant 0 : i32
      %dma_wait3A_75 = tpu.memref_slice %arg8[%dma_wait3A, %dma_wait3A_73, %dma_wait3A_74] : memref<5x80x128xbf16, #tpu.memory_space<vmem>> -> memref<1x80x128xbf16, #tpu.memory_space<vmem>>
      %dma_wait3A_76 = tpu.memref_squeeze %dma_wait3A_75 : memref<1x80x128xbf16, #tpu.memory_space<vmem>> -> memref<80x128xbf16, #tpu.memory_space<vmem>>
      %dma_wait3A_77 = arith.constant 0 : i32
      %dma_wait3A_78 = tpu.memref_slice %arg6[%add3A_72, %dma_wait3A_77] : memref<125x80xi32, #tpu.memory_space<vmem>> -> memref<1x80xi32, #tpu.memory_space<vmem>>
      %dma_wait3A_79 = tpu.memref_squeeze %dma_wait3A_78 : memref<1x80xi32, #tpu.memory_space<vmem>> -> memref<80xi32, #tpu.memory_space<vmem>>
      %dma_wait3A_80 = arith.constant 0 : i32
      %dma_wait3A_81 = arith.constant 0 : i32
      %dma_wait3A_82 = tpu.memref_slice %arg2[%dma_wait3A_80, %dma_wait3A_81] : memref<10240x128xbf16, #tpu.memory_space<hbm>> -> memref<10240x128xbf16, #tpu.memory_space<hbm>>
      tpu.wait_indirect_dma semaphore(%arg10 : memref<!tpu.dma_semaphore, #tpu.memory_space<semaphore_mem>>) src(%dma_wait3A_82 : memref<10240x128xbf16, #tpu.memory_space<hbm>>) dst(%dma_wait3A_76 : memref<80x128xbf16, #tpu.memory_space<vmem>>)
      %run_scoped3A = arith.constant 0 : i32
      "tpu.region"() ({
        %run_scoped3A_169 = tpu.sem_alloc : memref<!tpu.dma_semaphore, #tpu.memory_space<semaphore_mem>>
        %dma_start3A_170 = arith.constant 0 : i32
        %dma_start3A_171 = arith.constant 0 : i32
        %dma_start3A_172 = tpu.memref_slice %arg8[%run_scoped3A, %dma_start3A_170, %dma_start3A_171] : memref<5x80x128xbf16, #tpu.memory_space<vmem>> -> memref<1x80x128xbf16, #tpu.memory_space<vmem>>
        %dma_start3A_173 = tpu.memref_squeeze %dma_start3A_172 : memref<1x80x128xbf16, #tpu.memory_space<vmem>> -> memref<80x128xbf16, #tpu.memory_space<vmem>>
        %dma_start3A_174 = arith.constant 0 : i32
        %dma_start3A_175 = tpu.memref_slice %arg7[%add3A_72, %dma_start3A_174] : memref<125x80xi32, #tpu.memory_space<vmem>> -> memref<1x80xi32, #tpu.memory_space<vmem>>
        %dma_start3A_176 = tpu.memref_squeeze %dma_start3A_175 : memref<1x80xi32, #tpu.memory_space<vmem>> -> memref<80xi32, #tpu.memory_space<vmem>>
        %dma_start3A_177 = arith.constant 0 : i32
        %dma_start3A_178 = arith.constant 0 : i32
        %dma_start3A_179 = tpu.memref_slice %arg9[%dma_start3A_177, %dma_start3A_178] : memref<10240x128xbf16, #tpu.memory_space<vmem_shared>> -> memref<10240x128xbf16, #tpu.memory_space<vmem_shared>>
        tpu.enqueue_indirect_dma source(%dma_start3A_173 : memref<80x128xbf16, #tpu.memory_space<vmem>>) target(%dma_start3A_179 : memref<10240x128xbf16, #tpu.memory_space<vmem_shared>>) offsets(%dma_start3A_176 : memref<80xi32, #tpu.memory_space<vmem>>) semaphore(%run_scoped3A_169 : memref<!tpu.dma_semaphore, #tpu.memory_space<semaphore_mem>>) {add = true}
        %dma_wait3A_180 = arith.constant 0 : i32
        %dma_wait3A_181 = arith.constant 0 : i32
        %dma_wait3A_182 = tpu.memref_slice %arg8[%run_scoped3A, %dma_wait3A_180, %dma_wait3A_181] : memref<5x80x128xbf16, #tpu.memory_space<vmem>> -> memref<1x80x128xbf16, #tpu.memory_space<vmem>>
        %dma_wait3A_183 = tpu.memref_squeeze %dma_wait3A_182 : memref<1x80x128xbf16, #tpu.memory_space<vmem>> -> memref<80x128xbf16, #tpu.memory_space<vmem>>
        %dma_wait3A_184 = arith.constant 0 : i32
        %dma_wait3A_185 = tpu.memref_slice %arg7[%add3A_72, %dma_wait3A_184] : memref<125x80xi32, #tpu.memory_space<vmem>> -> memref<1x80xi32, #tpu.memory_space<vmem>>
        %dma_wait3A_186 = tpu.memref_squeeze %dma_wait3A_185 : memref<1x80xi32, #tpu.memory_space<vmem>> -> memref<80xi32, #tpu.memory_space<vmem>>
        %dma_wait3A_187 = arith.constant 0 : i32
        %dma_wait3A_188 = arith.constant 0 : i32
        %dma_wait3A_189 = tpu.memref_slice %arg9[%dma_wait3A_187, %dma_wait3A_188] : memref<10240x128xbf16, #tpu.memory_space<vmem_shared>> -> memref<10240x128xbf16, #tpu.memory_space<vmem_shared>>
        tpu.wait_indirect_dma semaphore(%run_scoped3A_169 : memref<!tpu.dma_semaphore, #tpu.memory_space<semaphore_mem>>) src(%dma_wait3A_183 : memref<80x128xbf16, #tpu.memory_space<vmem>>) dst(%dma_wait3A_189 : memref<10240x128xbf16, #tpu.memory_space<vmem_shared>>)
        tpu.yield
      }) : () -> ()
      %lt3A = arith.constant 24 : i32
      %lt3A_83 = arith.cmpi slt, %scan3A_68, %lt3A : i32
      %convert_element_type3A = arith.extui %lt3A_83 : i1 to i32
      %cond3A = arith.constant 0 : i32
      %cond3A_84 = arith.cmpi ne, %convert_element_type3A, %cond3A : i32
      scf.if %cond3A_84 {
        %add3A_169 = arith.constant 5 : i32
        %add3A_170 = arith.addi %add3A_72, %add3A_169 : i32
        %dma_start3A_171 = arith.constant 0 : i32
        %dma_start3A_172 = arith.constant 0 : i32
        %dma_start3A_173 = arith.constant 0 : i32
        %dma_start3A_174 = tpu.memref_slice %arg8[%dma_start3A_171, %dma_start3A_172, %dma_start3A_173] : memref<5x80x128xbf16, #tpu.memory_space<vmem>> -> memref<1x80x128xbf16, #tpu.memory_space<vmem>>
        %dma_start3A_175 = tpu.memref_squeeze %dma_start3A_174 : memref<1x80x128xbf16, #tpu.memory_space<vmem>> -> memref<80x128xbf16, #tpu.memory_space<vmem>>
        %dma_start3A_176 = arith.constant 0 : i32
        %dma_start3A_177 = tpu.memref_slice %arg6[%add3A_170, %dma_start3A_176] : memref<125x80xi32, #tpu.memory_space<vmem>> -> memref<1x80xi32, #tpu.memory_space<vmem>>
        %dma_start3A_178 = tpu.memref_squeeze %dma_start3A_177 : memref<1x80xi32, #tpu.memory_space<vmem>> -> memref<80xi32, #tpu.memory_space<vmem>>
        %dma_start3A_179 = arith.constant 0 : i32
        %dma_start3A_180 = arith.constant 0 : i32
        %dma_start3A_181 = tpu.memref_slice %arg2[%dma_start3A_179, %dma_start3A_180] : memref<10240x128xbf16, #tpu.memory_space<hbm>> -> memref<10240x128xbf16, #tpu.memory_space<hbm>>
        tpu.enqueue_indirect_dma source(%dma_start3A_181 : memref<10240x128xbf16, #tpu.memory_space<hbm>>) target(%dma_start3A_175 : memref<80x128xbf16, #tpu.memory_space<vmem>>) offsets(%dma_start3A_178 : memref<80xi32, #tpu.memory_space<vmem>>) semaphore(%arg10 : memref<!tpu.dma_semaphore, #tpu.memory_space<semaphore_mem>>)
      } else {
      }
      %mul3A_85 = arith.constant 5 : i32
      %mul3A_86 = arith.muli %scan3A_68, %mul3A_85 : i32
      %add3A_87 = arith.constant 1 : i32
      %add3A_88 = arith.addi %mul3A_86, %add3A_87 : i32
      %dma_wait3A_89 = arith.constant 1 : i32
      %dma_wait3A_90 = arith.constant 0 : i32
      %dma_wait3A_91 = arith.constant 0 : i32
      %dma_wait3A_92 = tpu.memref_slice %arg8[%dma_wait3A_89, %dma_wait3A_90, %dma_wait3A_91] : memref<5x80x128xbf16, #tpu.memory_space<vmem>> -> memref<1x80x128xbf16, #tpu.memory_space<vmem>>
      %dma_wait3A_93 = tpu.memref_squeeze %dma_wait3A_92 : memref<1x80x128xbf16, #tpu.memory_space<vmem>> -> memref<80x128xbf16, #tpu.memory_space<vmem>>
      %dma_wait3A_94 = arith.constant 0 : i32
      %dma_wait3A_95 = tpu.memref_slice %arg6[%add3A_88, %dma_wait3A_94] : memref<125x80xi32, #tpu.memory_space<vmem>> -> memref<1x80xi32, #tpu.memory_space<vmem>>
      %dma_wait3A_96 = tpu.memref_squeeze %dma_wait3A_95 : memref<1x80xi32, #tpu.memory_space<vmem>> -> memref<80xi32, #tpu.memory_space<vmem>>
      %dma_wait3A_97 = arith.constant 0 : i32
      %dma_wait3A_98 = arith.constant 0 : i32
      %dma_wait3A_99 = tpu.memref_slice %arg2[%dma_wait3A_97, %dma_wait3A_98] : memref<10240x128xbf16, #tpu.memory_space<hbm>> -> memref<10240x128xbf16, #tpu.memory_space<hbm>>
      tpu.wait_indirect_dma semaphore(%arg11 : memref<!tpu.dma_semaphore, #tpu.memory_space<semaphore_mem>>) src(%dma_wait3A_99 : memref<10240x128xbf16, #tpu.memory_space<hbm>>) dst(%dma_wait3A_93 : memref<80x128xbf16, #tpu.memory_space<vmem>>)
      %run_scoped3A_100 = arith.constant 1 : i32
      "tpu.region"() ({
        %run_scoped3A_169 = tpu.sem_alloc : memref<!tpu.dma_semaphore, #tpu.memory_space<semaphore_mem>>
        %dma_start3A_170 = arith.constant 0 : i32
        %dma_start3A_171 = arith.constant 0 : i32
        %dma_start3A_172 = tpu.memref_slice %arg8[%run_scoped3A_100, %dma_start3A_170, %dma_start3A_171] : memref<5x80x128xbf16, #tpu.memory_space<vmem>> -> memref<1x80x128xbf16, #tpu.memory_space<vmem>>
        %dma_start3A_173 = tpu.memref_squeeze %dma_start3A_172 : memref<1x80x128xbf16, #tpu.memory_space<vmem>> -> memref<80x128xbf16, #tpu.memory_space<vmem>>
        %dma_start3A_174 = arith.constant 0 : i32
        %dma_start3A_175 = tpu.memref_slice %arg7[%add3A_88, %dma_start3A_174] : memref<125x80xi32, #tpu.memory_space<vmem>> -> memref<1x80xi32, #tpu.memory_space<vmem>>
        %dma_start3A_176 = tpu.memref_squeeze %dma_start3A_175 : memref<1x80xi32, #tpu.memory_space<vmem>> -> memref<80xi32, #tpu.memory_space<vmem>>
        %dma_start3A_177 = arith.constant 0 : i32
        %dma_start3A_178 = arith.constant 0 : i32
        %dma_start3A_179 = tpu.memref_slice %arg9[%dma_start3A_177, %dma_start3A_178] : memref<10240x128xbf16, #tpu.memory_space<vmem_shared>> -> memref<10240x128xbf16, #tpu.memory_space<vmem_shared>>
        tpu.enqueue_indirect_dma source(%dma_start3A_173 : memref<80x128xbf16, #tpu.memory_space<vmem>>) target(%dma_start3A_179 : memref<10240x128xbf16, #tpu.memory_space<vmem_shared>>) offsets(%dma_start3A_176 : memref<80xi32, #tpu.memory_space<vmem>>) semaphore(%run_scoped3A_169 : memref<!tpu.dma_semaphore, #tpu.memory_space<semaphore_mem>>) {add = true}
        %dma_wait3A_180 = arith.constant 0 : i32
        %dma_wait3A_181 = arith.constant 0 : i32
        %dma_wait3A_182 = tpu.memref_slice %arg8[%run_scoped3A_100, %dma_wait3A_180, %dma_wait3A_181] : memref<5x80x128xbf16, #tpu.memory_space<vmem>> -> memref<1x80x128xbf16, #tpu.memory_space<vmem>>
        %dma_wait3A_183 = tpu.memref_squeeze %dma_wait3A_182 : memref<1x80x128xbf16, #tpu.memory_space<vmem>> -> memref<80x128xbf16, #tpu.memory_space<vmem>>
        %dma_wait3A_184 = arith.constant 0 : i32
        %dma_wait3A_185 = tpu.memref_slice %arg7[%add3A_88, %dma_wait3A_184] : memref<125x80xi32, #tpu.memory_space<vmem>> -> memref<1x80xi32, #tpu.memory_space<vmem>>
        %dma_wait3A_186 = tpu.memref_squeeze %dma_wait3A_185 : memref<1x80xi32, #tpu.memory_space<vmem>> -> memref<80xi32, #tpu.memory_space<vmem>>
        %dma_wait3A_187 = arith.constant 0 : i32
        %dma_wait3A_188 = arith.constant 0 : i32
        %dma_wait3A_189 = tpu.memref_slice %arg9[%dma_wait3A_187, %dma_wait3A_188] : memref<10240x128xbf16, #tpu.memory_space<vmem_shared>> -> memref<10240x128xbf16, #tpu.memory_space<vmem_shared>>
        tpu.wait_indirect_dma semaphore(%run_scoped3A_169 : memref<!tpu.dma_semaphore, #tpu.memory_space<semaphore_mem>>) src(%dma_wait3A_183 : memref<80x128xbf16, #tpu.memory_space<vmem>>) dst(%dma_wait3A_189 : memref<10240x128xbf16, #tpu.memory_space<vmem_shared>>)
        tpu.yield
      }) : () -> ()
      %lt3A_101 = arith.constant 24 : i32
      %lt3A_102 = arith.cmpi slt, %scan3A_68, %lt3A_101 : i32
      %convert_element_type3A_103 = arith.extui %lt3A_102 : i1 to i32
      %cond3A_104 = arith.constant 0 : i32
      %cond3A_105 = arith.cmpi ne, %convert_element_type3A_103, %cond3A_104 : i32
      scf.if %cond3A_105 {
        %add3A_169 = arith.constant 5 : i32
        %add3A_170 = arith.addi %add3A_88, %add3A_169 : i32
        %dma_start3A_171 = arith.constant 1 : i32
        %dma_start3A_172 = arith.constant 0 : i32
        %dma_start3A_173 = arith.constant 0 : i32
        %dma_start3A_174 = tpu.memref_slice %arg8[%dma_start3A_171, %dma_start3A_172, %dma_start3A_173] : memref<5x80x128xbf16, #tpu.memory_space<vmem>> -> memref<1x80x128xbf16, #tpu.memory_space<vmem>>
        %dma_start3A_175 = tpu.memref_squeeze %dma_start3A_174 : memref<1x80x128xbf16, #tpu.memory_space<vmem>> -> memref<80x128xbf16, #tpu.memory_space<vmem>>
        %dma_start3A_176 = arith.constant 0 : i32
        %dma_start3A_177 = tpu.memref_slice %arg6[%add3A_170, %dma_start3A_176] : memref<125x80xi32, #tpu.memory_space<vmem>> -> memref<1x80xi32, #tpu.memory_space<vmem>>
        %dma_start3A_178 = tpu.memref_squeeze %dma_start3A_177 : memref<1x80xi32, #tpu.memory_space<vmem>> -> memref<80xi32, #tpu.memory_space<vmem>>
        %dma_start3A_179 = arith.constant 0 : i32
        %dma_start3A_180 = arith.constant 0 : i32
        %dma_start3A_181 = tpu.memref_slice %arg2[%dma_start3A_179, %dma_start3A_180] : memref<10240x128xbf16, #tpu.memory_space<hbm>> -> memref<10240x128xbf16, #tpu.memory_space<hbm>>
        tpu.enqueue_indirect_dma source(%dma_start3A_181 : memref<10240x128xbf16, #tpu.memory_space<hbm>>) target(%dma_start3A_175 : memref<80x128xbf16, #tpu.memory_space<vmem>>) offsets(%dma_start3A_178 : memref<80xi32, #tpu.memory_space<vmem>>) semaphore(%arg11 : memref<!tpu.dma_semaphore, #tpu.memory_space<semaphore_mem>>)
      } else {
      }
      %mul3A_106 = arith.constant 5 : i32
      %mul3A_107 = arith.muli %scan3A_68, %mul3A_106 : i32
      %add3A_108 = arith.constant 2 : i32
      %add3A_109 = arith.addi %mul3A_107, %add3A_108 : i32
      %dma_wait3A_110 = arith.constant 2 : i32
      %dma_wait3A_111 = arith.constant 0 : i32
      %dma_wait3A_112 = arith.constant 0 : i32
      %dma_wait3A_113 = tpu.memref_slice %arg8[%dma_wait3A_110, %dma_wait3A_111, %dma_wait3A_112] : memref<5x80x128xbf16, #tpu.memory_space<vmem>> -> memref<1x80x128xbf16, #tpu.memory_space<vmem>>
      %dma_wait3A_114 = tpu.memref_squeeze %dma_wait3A_113 : memref<1x80x128xbf16, #tpu.memory_space<vmem>> -> memref<80x128xbf16, #tpu.memory_space<vmem>>
      %dma_wait3A_115 = arith.constant 0 : i32
      %dma_wait3A_116 = tpu.memref_slice %arg6[%add3A_109, %dma_wait3A_115] : memref<125x80xi32, #tpu.memory_space<vmem>> -> memref<1x80xi32, #tpu.memory_space<vmem>>
      %dma_wait3A_117 = tpu.memref_squeeze %dma_wait3A_116 : memref<1x80xi32, #tpu.memory_space<vmem>> -> memref<80xi32, #tpu.memory_space<vmem>>
      %dma_wait3A_118 = arith.constant 0 : i32
      %dma_wait3A_119 = arith.constant 0 : i32
      %dma_wait3A_120 = tpu.memref_slice %arg2[%dma_wait3A_118, %dma_wait3A_119] : memref<10240x128xbf16, #tpu.memory_space<hbm>> -> memref<10240x128xbf16, #tpu.memory_space<hbm>>
      tpu.wait_indirect_dma semaphore(%arg12 : memref<!tpu.dma_semaphore, #tpu.memory_space<semaphore_mem>>) src(%dma_wait3A_120 : memref<10240x128xbf16, #tpu.memory_space<hbm>>) dst(%dma_wait3A_114 : memref<80x128xbf16, #tpu.memory_space<vmem>>)
      %run_scoped3A_121 = arith.constant 2 : i32
      "tpu.region"() ({
        %run_scoped3A_169 = tpu.sem_alloc : memref<!tpu.dma_semaphore, #tpu.memory_space<semaphore_mem>>
        %dma_start3A_170 = arith.constant 0 : i32
        %dma_start3A_171 = arith.constant 0 : i32
        %dma_start3A_172 = tpu.memref_slice %arg8[%run_scoped3A_121, %dma_start3A_170, %dma_start3A_171] : memref<5x80x128xbf16, #tpu.memory_space<vmem>> -> memref<1x80x128xbf16, #tpu.memory_space<vmem>>
        %dma_start3A_173 = tpu.memref_squeeze %dma_start3A_172 : memref<1x80x128xbf16, #tpu.memory_space<vmem>> -> memref<80x128xbf16, #tpu.memory_space<vmem>>
        %dma_start3A_174 = arith.constant 0 : i32
        %dma_start3A_175 = tpu.memref_slice %arg7[%add3A_109, %dma_start3A_174] : memref<125x80xi32, #tpu.memory_space<vmem>> -> memref<1x80xi32, #tpu.memory_space<vmem>>
        %dma_start3A_176 = tpu.memref_squeeze %dma_start3A_175 : memref<1x80xi32, #tpu.memory_space<vmem>> -> memref<80xi32, #tpu.memory_space<vmem>>
        %dma_start3A_177 = arith.constant 0 : i32
        %dma_start3A_178 = arith.constant 0 : i32
        %dma_start3A_179 = tpu.memref_slice %arg9[%dma_start3A_177, %dma_start3A_178] : memref<10240x128xbf16, #tpu.memory_space<vmem_shared>> -> memref<10240x128xbf16, #tpu.memory_space<vmem_shared>>
        tpu.enqueue_indirect_dma source(%dma_start3A_173 : memref<80x128xbf16, #tpu.memory_space<vmem>>) target(%dma_start3A_179 : memref<10240x128xbf16, #tpu.memory_space<vmem_shared>>) offsets(%dma_start3A_176 : memref<80xi32, #tpu.memory_space<vmem>>) semaphore(%run_scoped3A_169 : memref<!tpu.dma_semaphore, #tpu.memory_space<semaphore_mem>>) {add = true}
        %dma_wait3A_180 = arith.constant 0 : i32
        %dma_wait3A_181 = arith.constant 0 : i32
        %dma_wait3A_182 = tpu.memref_slice %arg8[%run_scoped3A_121, %dma_wait3A_180, %dma_wait3A_181] : memref<5x80x128xbf16, #tpu.memory_space<vmem>> -> memref<1x80x128xbf16, #tpu.memory_space<vmem>>
        %dma_wait3A_183 = tpu.memref_squeeze %dma_wait3A_182 : memref<1x80x128xbf16, #tpu.memory_space<vmem>> -> memref<80x128xbf16, #tpu.memory_space<vmem>>
        %dma_wait3A_184 = arith.constant 0 : i32
        %dma_wait3A_185 = tpu.memref_slice %arg7[%add3A_109, %dma_wait3A_184] : memref<125x80xi32, #tpu.memory_space<vmem>> -> memref<1x80xi32, #tpu.memory_space<vmem>>
        %dma_wait3A_186 = tpu.memref_squeeze %dma_wait3A_185 : memref<1x80xi32, #tpu.memory_space<vmem>> -> memref<80xi32, #tpu.memory_space<vmem>>
        %dma_wait3A_187 = arith.constant 0 : i32
        %dma_wait3A_188 = arith.constant 0 : i32
        %dma_wait3A_189 = tpu.memref_slice %arg9[%dma_wait3A_187, %dma_wait3A_188] : memref<10240x128xbf16, #tpu.memory_space<vmem_shared>> -> memref<10240x128xbf16, #tpu.memory_space<vmem_shared>>
        tpu.wait_indirect_dma semaphore(%run_scoped3A_169 : memref<!tpu.dma_semaphore, #tpu.memory_space<semaphore_mem>>) src(%dma_wait3A_183 : memref<80x128xbf16, #tpu.memory_space<vmem>>) dst(%dma_wait3A_189 : memref<10240x128xbf16, #tpu.memory_space<vmem_shared>>)
        tpu.yield
      }) : () -> ()
      %lt3A_122 = arith.constant 24 : i32
      %lt3A_123 = arith.cmpi slt, %scan3A_68, %lt3A_122 : i32
      %convert_element_type3A_124 = arith.extui %lt3A_123 : i1 to i32
      %cond3A_125 = arith.constant 0 : i32
      %cond3A_126 = arith.cmpi ne, %convert_element_type3A_124, %cond3A_125 : i32
      scf.if %cond3A_126 {
        %add3A_169 = arith.constant 5 : i32
        %add3A_170 = arith.addi %add3A_109, %add3A_169 : i32
        %dma_start3A_171 = arith.constant 2 : i32
        %dma_start3A_172 = arith.constant 0 : i32
        %dma_start3A_173 = arith.constant 0 : i32
        %dma_start3A_174 = tpu.memref_slice %arg8[%dma_start3A_171, %dma_start3A_172, %dma_start3A_173] : memref<5x80x128xbf16, #tpu.memory_space<vmem>> -> memref<1x80x128xbf16, #tpu.memory_space<vmem>>
        %dma_start3A_175 = tpu.memref_squeeze %dma_start3A_174 : memref<1x80x128xbf16, #tpu.memory_space<vmem>> -> memref<80x128xbf16, #tpu.memory_space<vmem>>
        %dma_start3A_176 = arith.constant 0 : i32
        %dma_start3A_177 = tpu.memref_slice %arg6[%add3A_170, %dma_start3A_176] : memref<125x80xi32, #tpu.memory_space<vmem>> -> memref<1x80xi32, #tpu.memory_space<vmem>>
        %dma_start3A_178 = tpu.memref_squeeze %dma_start3A_177 : memref<1x80xi32, #tpu.memory_space<vmem>> -> memref<80xi32, #tpu.memory_space<vmem>>
        %dma_start3A_179 = arith.constant 0 : i32
        %dma_start3A_180 = arith.constant 0 : i32
        %dma_start3A_181 = tpu.memref_slice %arg2[%dma_start3A_179, %dma_start3A_180] : memref<10240x128xbf16, #tpu.memory_space<hbm>> -> memref<10240x128xbf16, #tpu.memory_space<hbm>>
        tpu.enqueue_indirect_dma source(%dma_start3A_181 : memref<10240x128xbf16, #tpu.memory_space<hbm>>) target(%dma_start3A_175 : memref<80x128xbf16, #tpu.memory_space<vmem>>) offsets(%dma_start3A_178 : memref<80xi32, #tpu.memory_space<vmem>>) semaphore(%arg12 : memref<!tpu.dma_semaphore, #tpu.memory_space<semaphore_mem>>)
      } else {
      }
      %mul3A_127 = arith.constant 5 : i32
      %mul3A_128 = arith.muli %scan3A_68, %mul3A_127 : i32
      %add3A_129 = arith.constant 3 : i32
      %add3A_130 = arith.addi %mul3A_128, %add3A_129 : i32
      %dma_wait3A_131 = arith.constant 3 : i32
      %dma_wait3A_132 = arith.constant 0 : i32
      %dma_wait3A_133 = arith.constant 0 : i32
      %dma_wait3A_134 = tpu.memref_slice %arg8[%dma_wait3A_131, %dma_wait3A_132, %dma_wait3A_133] : memref<5x80x128xbf16, #tpu.memory_space<vmem>> -> memref<1x80x128xbf16, #tpu.memory_space<vmem>>
      %dma_wait3A_135 = tpu.memref_squeeze %dma_wait3A_134 : memref<1x80x128xbf16, #tpu.memory_space<vmem>> -> memref<80x128xbf16, #tpu.memory_space<vmem>>
      %dma_wait3A_136 = arith.constant 0 : i32
      %dma_wait3A_137 = tpu.memref_slice %arg6[%add3A_130, %dma_wait3A_136] : memref<125x80xi32, #tpu.memory_space<vmem>> -> memref<1x80xi32, #tpu.memory_space<vmem>>
      %dma_wait3A_138 = tpu.memref_squeeze %dma_wait3A_137 : memref<1x80xi32, #tpu.memory_space<vmem>> -> memref<80xi32, #tpu.memory_space<vmem>>
      %dma_wait3A_139 = arith.constant 0 : i32
      %dma_wait3A_140 = arith.constant 0 : i32
      %dma_wait3A_141 = tpu.memref_slice %arg2[%dma_wait3A_139, %dma_wait3A_140] : memref<10240x128xbf16, #tpu.memory_space<hbm>> -> memref<10240x128xbf16, #tpu.memory_space<hbm>>
      tpu.wait_indirect_dma semaphore(%arg13 : memref<!tpu.dma_semaphore, #tpu.memory_space<semaphore_mem>>) src(%dma_wait3A_141 : memref<10240x128xbf16, #tpu.memory_space<hbm>>) dst(%dma_wait3A_135 : memref<80x128xbf16, #tpu.memory_space<vmem>>)
      %run_scoped3A_142 = arith.constant 3 : i32
      "tpu.region"() ({
        %run_scoped3A_169 = tpu.sem_alloc : memref<!tpu.dma_semaphore, #tpu.memory_space<semaphore_mem>>
        %dma_start3A_170 = arith.constant 0 : i32
        %dma_start3A_171 = arith.constant 0 : i32
        %dma_start3A_172 = tpu.memref_slice %arg8[%run_scoped3A_142, %dma_start3A_170, %dma_start3A_171] : memref<5x80x128xbf16, #tpu.memory_space<vmem>> -> memref<1x80x128xbf16, #tpu.memory_space<vmem>>
        %dma_start3A_173 = tpu.memref_squeeze %dma_start3A_172 : memref<1x80x128xbf16, #tpu.memory_space<vmem>> -> memref<80x128xbf16, #tpu.memory_space<vmem>>
        %dma_start3A_174 = arith.constant 0 : i32
        %dma_start3A_175 = tpu.memref_slice %arg7[%add3A_130, %dma_start3A_174] : memref<125x80xi32, #tpu.memory_space<vmem>> -> memref<1x80xi32, #tpu.memory_space<vmem>>
        %dma_start3A_176 = tpu.memref_squeeze %dma_start3A_175 : memref<1x80xi32, #tpu.memory_space<vmem>> -> memref<80xi32, #tpu.memory_space<vmem>>
        %dma_start3A_177 = arith.constant 0 : i32
        %dma_start3A_178 = arith.constant 0 : i32
        %dma_start3A_179 = tpu.memref_slice %arg9[%dma_start3A_177, %dma_start3A_178] : memref<10240x128xbf16, #tpu.memory_space<vmem_shared>> -> memref<10240x128xbf16, #tpu.memory_space<vmem_shared>>
        tpu.enqueue_indirect_dma source(%dma_start3A_173 : memref<80x128xbf16, #tpu.memory_space<vmem>>) target(%dma_start3A_179 : memref<10240x128xbf16, #tpu.memory_space<vmem_shared>>) offsets(%dma_start3A_176 : memref<80xi32, #tpu.memory_space<vmem>>) semaphore(%run_scoped3A_169 : memref<!tpu.dma_semaphore, #tpu.memory_space<semaphore_mem>>) {add = true}
        %dma_wait3A_180 = arith.constant 0 : i32
        %dma_wait3A_181 = arith.constant 0 : i32
        %dma_wait3A_182 = tpu.memref_slice %arg8[%run_scoped3A_142, %dma_wait3A_180, %dma_wait3A_181] : memref<5x80x128xbf16, #tpu.memory_space<vmem>> -> memref<1x80x128xbf16, #tpu.memory_space<vmem>>
        %dma_wait3A_183 = tpu.memref_squeeze %dma_wait3A_182 : memref<1x80x128xbf16, #tpu.memory_space<vmem>> -> memref<80x128xbf16, #tpu.memory_space<vmem>>
        %dma_wait3A_184 = arith.constant 0 : i32
        %dma_wait3A_185 = tpu.memref_slice %arg7[%add3A_130, %dma_wait3A_184] : memref<125x80xi32, #tpu.memory_space<vmem>> -> memref<1x80xi32, #tpu.memory_space<vmem>>
        %dma_wait3A_186 = tpu.memref_squeeze %dma_wait3A_185 : memref<1x80xi32, #tpu.memory_space<vmem>> -> memref<80xi32, #tpu.memory_space<vmem>>
        %dma_wait3A_187 = arith.constant 0 : i32
        %dma_wait3A_188 = arith.constant 0 : i32
        %dma_wait3A_189 = tpu.memref_slice %arg9[%dma_wait3A_187, %dma_wait3A_188] : memref<10240x128xbf16, #tpu.memory_space<vmem_shared>> -> memref<10240x128xbf16, #tpu.memory_space<vmem_shared>>
        tpu.wait_indirect_dma semaphore(%run_scoped3A_169 : memref<!tpu.dma_semaphore, #tpu.memory_space<semaphore_mem>>) src(%dma_wait3A_183 : memref<80x128xbf16, #tpu.memory_space<vmem>>) dst(%dma_wait3A_189 : memref<10240x128xbf16, #tpu.memory_space<vmem_shared>>)
        tpu.yield
      }) : () -> ()
      %lt3A_143 = arith.constant 24 : i32
      %lt3A_144 = arith.cmpi slt, %scan3A_68, %lt3A_143 : i32
      %convert_element_type3A_145 = arith.extui %lt3A_144 : i1 to i32
      %cond3A_146 = arith.constant 0 : i32
      %cond3A_147 = arith.cmpi ne, %convert_element_type3A_145, %cond3A_146 : i32
      scf.if %cond3A_147 {
        %add3A_169 = arith.constant 5 : i32
        %add3A_170 = arith.addi %add3A_130, %add3A_169 : i32
        %dma_start3A_171 = arith.constant 3 : i32
        %dma_start3A_172 = arith.constant 0 : i32
        %dma_start3A_173 = arith.constant 0 : i32
        %dma_start3A_174 = tpu.memref_slice %arg8[%dma_start3A_171, %dma_start3A_172, %dma_start3A_173] : memref<5x80x128xbf16, #tpu.memory_space<vmem>> -> memref<1x80x128xbf16, #tpu.memory_space<vmem>>
        %dma_start3A_175 = tpu.memref_squeeze %dma_start3A_174 : memref<1x80x128xbf16, #tpu.memory_space<vmem>> -> memref<80x128xbf16, #tpu.memory_space<vmem>>
        %dma_start3A_176 = arith.constant 0 : i32
        %dma_start3A_177 = tpu.memref_slice %arg6[%add3A_170, %dma_start3A_176] : memref<125x80xi32, #tpu.memory_space<vmem>> -> memref<1x80xi32, #tpu.memory_space<vmem>>
        %dma_start3A_178 = tpu.memref_squeeze %dma_start3A_177 : memref<1x80xi32, #tpu.memory_space<vmem>> -> memref<80xi32, #tpu.memory_space<vmem>>
        %dma_start3A_179 = arith.constant 0 : i32
        %dma_start3A_180 = arith.constant 0 : i32
        %dma_start3A_181 = tpu.memref_slice %arg2[%dma_start3A_179, %dma_start3A_180] : memref<10240x128xbf16, #tpu.memory_space<hbm>> -> memref<10240x128xbf16, #tpu.memory_space<hbm>>
        tpu.enqueue_indirect_dma source(%dma_start3A_181 : memref<10240x128xbf16, #tpu.memory_space<hbm>>) target(%dma_start3A_175 : memref<80x128xbf16, #tpu.memory_space<vmem>>) offsets(%dma_start3A_178 : memref<80xi32, #tpu.memory_space<vmem>>) semaphore(%arg13 : memref<!tpu.dma_semaphore, #tpu.memory_space<semaphore_mem>>)
      } else {
      }
      %mul3A_148 = arith.constant 5 : i32
      %mul3A_149 = arith.muli %scan3A_68, %mul3A_148 : i32
      %add3A_150 = arith.constant 4 : i32
      %add3A_151 = arith.addi %mul3A_149, %add3A_150 : i32
      %dma_wait3A_152 = arith.constant 4 : i32
      %dma_wait3A_153 = arith.constant 0 : i32
      %dma_wait3A_154 = arith.constant 0 : i32
      %dma_wait3A_155 = tpu.memref_slice %arg8[%dma_wait3A_152, %dma_wait3A_153, %dma_wait3A_154] : memref<5x80x128xbf16, #tpu.memory_space<vmem>> -> memref<1x80x128xbf16, #tpu.memory_space<vmem>>
      %dma_wait3A_156 = tpu.memref_squeeze %dma_wait3A_155 : memref<1x80x128xbf16, #tpu.memory_space<vmem>> -> memref<80x128xbf16, #tpu.memory_space<vmem>>
      %dma_wait3A_157 = arith.constant 0 : i32
      %dma_wait3A_158 = tpu.memref_slice %arg6[%add3A_151, %dma_wait3A_157] : memref<125x80xi32, #tpu.memory_space<vmem>> -> memref<1x80xi32, #tpu.memory_space<vmem>>
      %dma_wait3A_159 = tpu.memref_squeeze %dma_wait3A_158 : memref<1x80xi32, #tpu.memory_space<vmem>> -> memref<80xi32, #tpu.memory_space<vmem>>
      %dma_wait3A_160 = arith.constant 0 : i32
      %dma_wait3A_161 = arith.constant 0 : i32
      %dma_wait3A_162 = tpu.memref_slice %arg2[%dma_wait3A_160, %dma_wait3A_161] : memref<10240x128xbf16, #tpu.memory_space<hbm>> -> memref<10240x128xbf16, #tpu.memory_space<hbm>>
      tpu.wait_indirect_dma semaphore(%arg14 : memref<!tpu.dma_semaphore, #tpu.memory_space<semaphore_mem>>) src(%dma_wait3A_162 : memref<10240x128xbf16, #tpu.memory_space<hbm>>) dst(%dma_wait3A_156 : memref<80x128xbf16, #tpu.memory_space<vmem>>)
      %run_scoped3A_163 = arith.constant 4 : i32
      "tpu.region"() ({
        %run_scoped3A_169 = tpu.sem_alloc : memref<!tpu.dma_semaphore, #tpu.memory_space<semaphore_mem>>
        %dma_start3A_170 = arith.constant 0 : i32
        %dma_start3A_171 = arith.constant 0 : i32
        %dma_start3A_172 = tpu.memref_slice %arg8[%run_scoped3A_163, %dma_start3A_170, %dma_start3A_171] : memref<5x80x128xbf16, #tpu.memory_space<vmem>> -> memref<1x80x128xbf16, #tpu.memory_space<vmem>>
        %dma_start3A_173 = tpu.memref_squeeze %dma_start3A_172 : memref<1x80x128xbf16, #tpu.memory_space<vmem>> -> memref<80x128xbf16, #tpu.memory_space<vmem>>
        %dma_start3A_174 = arith.constant 0 : i32
        %dma_start3A_175 = tpu.memref_slice %arg7[%add3A_151, %dma_start3A_174] : memref<125x80xi32, #tpu.memory_space<vmem>> -> memref<1x80xi32, #tpu.memory_space<vmem>>
        %dma_start3A_176 = tpu.memref_squeeze %dma_start3A_175 : memref<1x80xi32, #tpu.memory_space<vmem>> -> memref<80xi32, #tpu.memory_space<vmem>>
        %dma_start3A_177 = arith.constant 0 : i32
        %dma_start3A_178 = arith.constant 0 : i32
        %dma_start3A_179 = tpu.memref_slice %arg9[%dma_start3A_177, %dma_start3A_178] : memref<10240x128xbf16, #tpu.memory_space<vmem_shared>> -> memref<10240x128xbf16, #tpu.memory_space<vmem_shared>>
        tpu.enqueue_indirect_dma source(%dma_start3A_173 : memref<80x128xbf16, #tpu.memory_space<vmem>>) target(%dma_start3A_179 : memref<10240x128xbf16, #tpu.memory_space<vmem_shared>>) offsets(%dma_start3A_176 : memref<80xi32, #tpu.memory_space<vmem>>) semaphore(%run_scoped3A_169 : memref<!tpu.dma_semaphore, #tpu.memory_space<semaphore_mem>>) {add = true}
        %dma_wait3A_180 = arith.constant 0 : i32
        %dma_wait3A_181 = arith.constant 0 : i32
        %dma_wait3A_182 = tpu.memref_slice %arg8[%run_scoped3A_163, %dma_wait3A_180, %dma_wait3A_181] : memref<5x80x128xbf16, #tpu.memory_space<vmem>> -> memref<1x80x128xbf16, #tpu.memory_space<vmem>>
        %dma_wait3A_183 = tpu.memref_squeeze %dma_wait3A_182 : memref<1x80x128xbf16, #tpu.memory_space<vmem>> -> memref<80x128xbf16, #tpu.memory_space<vmem>>
        %dma_wait3A_184 = arith.constant 0 : i32
        %dma_wait3A_185 = tpu.memref_slice %arg7[%add3A_151, %dma_wait3A_184] : memref<125x80xi32, #tpu.memory_space<vmem>> -> memref<1x80xi32, #tpu.memory_space<vmem>>
        %dma_wait3A_186 = tpu.memref_squeeze %dma_wait3A_185 : memref<1x80xi32, #tpu.memory_space<vmem>> -> memref<80xi32, #tpu.memory_space<vmem>>
        %dma_wait3A_187 = arith.constant 0 : i32
        %dma_wait3A_188 = arith.constant 0 : i32
        %dma_wait3A_189 = tpu.memref_slice %arg9[%dma_wait3A_187, %dma_wait3A_188] : memref<10240x128xbf16, #tpu.memory_space<vmem_shared>> -> memref<10240x128xbf16, #tpu.memory_space<vmem_shared>>
        tpu.wait_indirect_dma semaphore(%run_scoped3A_169 : memref<!tpu.dma_semaphore, #tpu.memory_space<semaphore_mem>>) src(%dma_wait3A_183 : memref<80x128xbf16, #tpu.memory_space<vmem>>) dst(%dma_wait3A_189 : memref<10240x128xbf16, #tpu.memory_space<vmem_shared>>)
        tpu.yield
      }) : () -> ()
      %lt3A_164 = arith.constant 24 : i32
      %lt3A_165 = arith.cmpi slt, %scan3A_68, %lt3A_164 : i32
      %convert_element_type3A_166 = arith.extui %lt3A_165 : i1 to i32
      %cond3A_167 = arith.constant 0 : i32
      %cond3A_168 = arith.cmpi ne, %convert_element_type3A_166, %cond3A_167 : i32
      scf.if %cond3A_168 {
        %add3A_169 = arith.constant 5 : i32
        %add3A_170 = arith.addi %add3A_151, %add3A_169 : i32
        %dma_start3A_171 = arith.constant 4 : i32
        %dma_start3A_172 = arith.constant 0 : i32
        %dma_start3A_173 = arith.constant 0 : i32
        %dma_start3A_174 = tpu.memref_slice %arg8[%dma_start3A_171, %dma_start3A_172, %dma_start3A_173] : memref<5x80x128xbf16, #tpu.memory_space<vmem>> -> memref<1x80x128xbf16, #tpu.memory_space<vmem>>
        %dma_start3A_175 = tpu.memref_squeeze %dma_start3A_174 : memref<1x80x128xbf16, #tpu.memory_space<vmem>> -> memref<80x128xbf16, #tpu.memory_space<vmem>>
        %dma_start3A_176 = arith.constant 0 : i32
        %dma_start3A_177 = tpu.memref_slice %arg6[%add3A_170, %dma_start3A_176] : memref<125x80xi32, #tpu.memory_space<vmem>> -> memref<1x80xi32, #tpu.memory_space<vmem>>
        %dma_start3A_178 = tpu.memref_squeeze %dma_start3A_177 : memref<1x80xi32, #tpu.memory_space<vmem>> -> memref<80xi32, #tpu.memory_space<vmem>>
        %dma_start3A_179 = arith.constant 0 : i32
        %dma_start3A_180 = arith.constant 0 : i32
        %dma_start3A_181 = tpu.memref_slice %arg2[%dma_start3A_179, %dma_start3A_180] : memref<10240x128xbf16, #tpu.memory_space<hbm>> -> memref<10240x128xbf16, #tpu.memory_space<hbm>>
        tpu.enqueue_indirect_dma source(%dma_start3A_181 : memref<10240x128xbf16, #tpu.memory_space<hbm>>) target(%dma_start3A_175 : memref<80x128xbf16, #tpu.memory_space<vmem>>) offsets(%dma_start3A_178 : memref<80xi32, #tpu.memory_space<vmem>>) semaphore(%arg14 : memref<!tpu.dma_semaphore, #tpu.memory_space<semaphore_mem>>)
      } else {
      }
    }
    %scan3A_66 = arith.constant 25 : i32
    %barrier3A_67 = arith.constant 0 : index
    tpu.barrier barrier_id(%barrier3A_67)
    "tpu.region"() ({
      %run_scoped3A = tpu.sem_alloc : memref<!tpu.dma_semaphore, #tpu.memory_space<semaphore_mem>>
      %dma_start3A_68 = arith.constant 0 : i32
      %dma_start3A_69 = tpu.memref_slice %arg5[%arg0, %mul3A_2, %dma_start3A_68] : memref<2x10240x128xbf16, #tpu.memory_space<hbm>> -> memref<1x640x128xbf16, #tpu.memory_space<hbm>>
      %dma_start3A_70 = tpu.memref_squeeze %dma_start3A_69 : memref<1x640x128xbf16, #tpu.memory_space<hbm>> -> memref<640x128xbf16, #tpu.memory_space<hbm>>
      %dma_start3A_71 = arith.constant 0 : i32
      %dma_start3A_72 = tpu.memref_slice %arg9[%mul3A_2, %dma_start3A_71] : memref<10240x128xbf16, #tpu.memory_space<vmem_shared>> -> memref<640x128xbf16, #tpu.memory_space<vmem_shared>>
      tpu.enqueue_dma source(%dma_start3A_72 : memref<640x128xbf16, #tpu.memory_space<vmem_shared>>) target(%dma_start3A_70 : memref<640x128xbf16, #tpu.memory_space<hbm>>) target_semaphore(%run_scoped3A : memref<!tpu.dma_semaphore, #tpu.memory_space<semaphore_mem>>)
      %dma_wait3A = arith.constant 0 : i32
      %dma_wait3A_73 = tpu.memref_slice %arg5[%arg0, %mul3A_2, %dma_wait3A] : memref<2x10240x128xbf16, #tpu.memory_space<hbm>> -> memref<1x640x128xbf16, #tpu.memory_space<hbm>>
      %dma_wait3A_74 = tpu.memref_squeeze %dma_wait3A_73 : memref<1x640x128xbf16, #tpu.memory_space<hbm>> -> memref<640x128xbf16, #tpu.memory_space<hbm>>
      %dma_wait3A_75 = arith.constant 0 : i32
      %dma_wait3A_76 = tpu.memref_slice %arg9[%mul3A_2, %dma_wait3A_75] : memref<10240x128xbf16, #tpu.memory_space<vmem_shared>> -> memref<640x128xbf16, #tpu.memory_space<vmem_shared>>
      tpu.wait_dma2 semaphore(%run_scoped3A : memref<!tpu.dma_semaphore, #tpu.memory_space<semaphore_mem>>) src(%dma_wait3A_76 : memref<640x128xbf16, #tpu.memory_space<vmem_shared>>) dst(%dma_wait3A_74 : memref<640x128xbf16, #tpu.memory_space<hbm>>)
      tpu.yield
    }) : () -> ()
    return
  }
}

#map = affine_map<(d0, d1) -> (0, 0, 0)>
#map1 = affine_map<(d0, d1) -> (0)>
module attributes {stable_mosaic.version = 14 : i64} {
  func.func @_deg_sc(%arg0: i32, %arg1: i32, %arg2: memref<32x125x80xi32, #tpu.memory_space<hbm>>, %arg3: memref<20480xf32, #tpu.memory_space<hbm>>, %arg4: memref<125x80xi32, #tpu.memory_space<vmem>>, %arg5: memref<80xf32, #tpu.memory_space<vmem>>, %arg6: memref<640xf32, #tpu.memory_space<vmem>>, %arg7: memref<10240xf32, #tpu.memory_space<vmem_shared>>) attributes {dimension_semantics = [#tpu.dimension_semantics<core_parallel>, #tpu.dimension_semantics<subcore_parallel>], iteration_bounds = array<i64: 2, 16>, scalar_prefetch = 0 : i64, scratch_operands = 4 : i64, tpu.core_type = #tpu.core_type<sc_vector_subcore>, window_params = [{transform_indices = #map}, {transform_indices = #map1}]} {
    %mul3A = arith.constant 16 : i32
    %mul3A_0 = arith.muli %arg0, %mul3A : i32
    %add3A = arith.addi %mul3A_0, %arg1 : i32
    "tpu.region"() ({
      %run_scoped3A = tpu.sem_alloc : memref<!tpu.dma_semaphore, #tpu.memory_space<semaphore_mem>>
      %dma_start3A = arith.constant 0 : i32
      %dma_start3A_284 = arith.constant 0 : i32
      %dma_start3A_285 = tpu.memref_slice %arg2[%add3A, %dma_start3A, %dma_start3A_284] : memref<32x125x80xi32, #tpu.memory_space<hbm>> -> memref<1x125x80xi32, #tpu.memory_space<hbm>>
      %dma_start3A_286 = tpu.memref_squeeze %dma_start3A_285 : memref<1x125x80xi32, #tpu.memory_space<hbm>> -> memref<125x80xi32, #tpu.memory_space<hbm>>
      %dma_start3A_287 = arith.constant 0 : i32
      %dma_start3A_288 = arith.constant 0 : i32
      %dma_start3A_289 = tpu.memref_slice %arg2[%add3A, %dma_start3A_287, %dma_start3A_288] : memref<32x125x80xi32, #tpu.memory_space<hbm>> -> memref<1x125x80xi32, #tpu.memory_space<hbm>>
      %dma_start3A_290 = tpu.memref_squeeze %dma_start3A_289 : memref<1x125x80xi32, #tpu.memory_space<hbm>> -> memref<125x80xi32, #tpu.memory_space<hbm>>
      tpu.enqueue_dma source(%dma_start3A_290 : memref<125x80xi32, #tpu.memory_space<hbm>>) target(%arg4 : memref<125x80xi32, #tpu.memory_space<vmem>>) target_semaphore(%run_scoped3A : memref<!tpu.dma_semaphore, #tpu.memory_space<semaphore_mem>>)
      %dma_wait3A = arith.constant 0 : i32
      %dma_wait3A_291 = arith.constant 0 : i32
      %dma_wait3A_292 = tpu.memref_slice %arg2[%add3A, %dma_wait3A, %dma_wait3A_291] : memref<32x125x80xi32, #tpu.memory_space<hbm>> -> memref<1x125x80xi32, #tpu.memory_space<hbm>>
      %dma_wait3A_293 = tpu.memref_squeeze %dma_wait3A_292 : memref<1x125x80xi32, #tpu.memory_space<hbm>> -> memref<125x80xi32, #tpu.memory_space<hbm>>
      %dma_wait3A_294 = arith.constant 0 : i32
      %dma_wait3A_295 = arith.constant 0 : i32
      %dma_wait3A_296 = tpu.memref_slice %arg2[%add3A, %dma_wait3A_294, %dma_wait3A_295] : memref<32x125x80xi32, #tpu.memory_space<hbm>> -> memref<1x125x80xi32, #tpu.memory_space<hbm>>
      %dma_wait3A_297 = tpu.memref_squeeze %dma_wait3A_296 : memref<1x125x80xi32, #tpu.memory_space<hbm>> -> memref<125x80xi32, #tpu.memory_space<hbm>>
      tpu.wait_dma2 semaphore(%run_scoped3A : memref<!tpu.dma_semaphore, #tpu.memory_space<semaphore_mem>>) src(%dma_wait3A_297 : memref<125x80xi32, #tpu.memory_space<hbm>>) dst(%arg4 : memref<125x80xi32, #tpu.memory_space<vmem>>)
      tpu.yield
    }) : () -> ()
    %broadcast_in_dim3A = arith.constant 1.000000e+00 : f32
    %broadcast_in_dim3A_1 = vector.broadcast %broadcast_in_dim3A : f32 to vector<16xf32>
    %swap3A = arith.constant 0 : index
    %swap3A_2 = tpu.vector_load %arg5[%swap3A] {strides = array<i32>} : memref<80xf32, #tpu.memory_space<vmem>>, vector<16xf32>,
    %swap3A_3 = vector.shape_cast %swap3A_2 : vector<16xf32> to vector<16xf32>
    %swap3A_4 = vector.shape_cast %broadcast_in_dim3A_1 : vector<16xf32> to vector<16xf32>
    tpu.vector_store %arg5[%swap3A], %swap3A_4 {strides = array<i32>} : memref<80xf32, #tpu.memory_space<vmem>>, vector<16xf32>,
    %broadcast_in_dim3A_5 = arith.constant 1.000000e+00 : f32
    %broadcast_in_dim3A_6 = vector.broadcast %broadcast_in_dim3A_5 : f32 to vector<16xf32>
    %swap3A_7 = arith.constant 16 : index
    %swap3A_8 = tpu.vector_load %arg5[%swap3A_7] {strides = array<i32>} : memref<80xf32, #tpu.memory_space<vmem>>, vector<16xf32>,
    %swap3A_9 = vector.shape_cast %swap3A_8 : vector<16xf32> to vector<16xf32>
    %swap3A_10 = vector.shape_cast %broadcast_in_dim3A_6 : vector<16xf32> to vector<16xf32>
    tpu.vector_store %arg5[%swap3A_7], %swap3A_10 {strides = array<i32>} : memref<80xf32, #tpu.memory_space<vmem>>, vector<16xf32>,
    %broadcast_in_dim3A_11 = arith.constant 1.000000e+00 : f32
    %broadcast_in_dim3A_12 = vector.broadcast %broadcast_in_dim3A_11 : f32 to vector<16xf32>
    %swap3A_13 = arith.constant 32 : index
    %swap3A_14 = tpu.vector_load %arg5[%swap3A_13] {strides = array<i32>} : memref<80xf32, #tpu.memory_space<vmem>>, vector<16xf32>,
    %swap3A_15 = vector.shape_cast %swap3A_14 : vector<16xf32> to vector<16xf32>
    %swap3A_16 = vector.shape_cast %broadcast_in_dim3A_12 : vector<16xf32> to vector<16xf32>
    tpu.vector_store %arg5[%swap3A_13], %swap3A_16 {strides = array<i32>} : memref<80xf32, #tpu.memory_space<vmem>>, vector<16xf32>,
    %broadcast_in_dim3A_17 = arith.constant 1.000000e+00 : f32
    %broadcast_in_dim3A_18 = vector.broadcast %broadcast_in_dim3A_17 : f32 to vector<16xf32>
    %swap3A_19 = arith.constant 48 : index
    %swap3A_20 = tpu.vector_load %arg5[%swap3A_19] {strides = array<i32>} : memref<80xf32, #tpu.memory_space<vmem>>, vector<16xf32>,
    %swap3A_21 = vector.shape_cast %swap3A_20 : vector<16xf32> to vector<16xf32>
    %swap3A_22 = vector.shape_cast %broadcast_in_dim3A_18 : vector<16xf32> to vector<16xf32>
    tpu.vector_store %arg5[%swap3A_19], %swap3A_22 {strides = array<i32>} : memref<80xf32, #tpu.memory_space<vmem>>, vector<16xf32>,
    %broadcast_in_dim3A_23 = arith.constant 1.000000e+00 : f32
    %broadcast_in_dim3A_24 = vector.broadcast %broadcast_in_dim3A_23 : f32 to vector<16xf32>
    %swap3A_25 = arith.constant 64 : index
    %swap3A_26 = tpu.vector_load %arg5[%swap3A_25] {strides = array<i32>} : memref<80xf32, #tpu.memory_space<vmem>>, vector<16xf32>,
    %swap3A_27 = vector.shape_cast %swap3A_26 : vector<16xf32> to vector<16xf32>
    %swap3A_28 = vector.shape_cast %broadcast_in_dim3A_24 : vector<16xf32> to vector<16xf32>
    tpu.vector_store %arg5[%swap3A_25], %swap3A_28 {strides = array<i32>} : memref<80xf32, #tpu.memory_space<vmem>>, vector<16xf32>,
    %broadcast_in_dim3A_29 = arith.constant 0.000000e+00 : f32
    %broadcast_in_dim3A_30 = vector.broadcast %broadcast_in_dim3A_29 : f32 to vector<16xf32>
    %swap3A_31 = arith.constant 0 : index
    %swap3A_32 = tpu.vector_load %arg6[%swap3A_31] {strides = array<i32>} : memref<640xf32, #tpu.memory_space<vmem>>, vector<16xf32>,
    %swap3A_33 = vector.shape_cast %swap3A_32 : vector<16xf32> to vector<16xf32>
    %swap3A_34 = vector.shape_cast %broadcast_in_dim3A_30 : vector<16xf32> to vector<16xf32>
    tpu.vector_store %arg6[%swap3A_31], %swap3A_34 {strides = array<i32>} : memref<640xf32, #tpu.memory_space<vmem>>, vector<16xf32>,
    %broadcast_in_dim3A_35 = arith.constant 0.000000e+00 : f32
    %broadcast_in_dim3A_36 = vector.broadcast %broadcast_in_dim3A_35 : f32 to vector<16xf32>
    %swap3A_37 = arith.constant 16 : index
    %swap3A_38 = tpu.vector_load %arg6[%swap3A_37] {strides = array<i32>} : memref<640xf32, #tpu.memory_space<vmem>>, vector<16xf32>,
    %swap3A_39 = vector.shape_cast %swap3A_38 : vector<16xf32> to vector<16xf32>
    %swap3A_40 = vector.shape_cast %broadcast_in_dim3A_36 : vector<16xf32> to vector<16xf32>
    tpu.vector_store %arg6[%swap3A_37], %swap3A_40 {strides = array<i32>} : memref<640xf32, #tpu.memory_space<vmem>>, vector<16xf32>,
    %broadcast_in_dim3A_41 = arith.constant 0.000000e+00 : f32
    %broadcast_in_dim3A_42 = vector.broadcast %broadcast_in_dim3A_41 : f32 to vector<16xf32>
    %swap3A_43 = arith.constant 32 : index
    %swap3A_44 = tpu.vector_load %arg6[%swap3A_43] {strides = array<i32>} : memref<640xf32, #tpu.memory_space<vmem>>, vector<16xf32>,
    %swap3A_45 = vector.shape_cast %swap3A_44 : vector<16xf32> to vector<16xf32>
    %swap3A_46 = vector.shape_cast %broadcast_in_dim3A_42 : vector<16xf32> to vector<16xf32>
    tpu.vector_store %arg6[%swap3A_43], %swap3A_46 {strides = array<i32>} : memref<640xf32, #tpu.memory_space<vmem>>, vector<16xf32>,
    %broadcast_in_dim3A_47 = arith.constant 0.000000e+00 : f32
    %broadcast_in_dim3A_48 = vector.broadcast %broadcast_in_dim3A_47 : f32 to vector<16xf32>
    %swap3A_49 = arith.constant 48 : index
    %swap3A_50 = tpu.vector_load %arg6[%swap3A_49] {strides = array<i32>} : memref<640xf32, #tpu.memory_space<vmem>>, vector<16xf32>,
    %swap3A_51 = vector.shape_cast %swap3A_50 : vector<16xf32> to vector<16xf32>
    %swap3A_52 = vector.shape_cast %broadcast_in_dim3A_48 : vector<16xf32> to vector<16xf32>
    tpu.vector_store %arg6[%swap3A_49], %swap3A_52 {strides = array<i32>} : memref<640xf32, #tpu.memory_space<vmem>>, vector<16xf32>,
    %broadcast_in_dim3A_53 = arith.constant 0.000000e+00 : f32
    %broadcast_in_dim3A_54 = vector.broadcast %broadcast_in_dim3A_53 : f32 to vector<16xf32>
    %swap3A_55 = arith.constant 64 : index
    %swap3A_56 = tpu.vector_load %arg6[%swap3A_55] {strides = array<i32>} : memref<640xf32, #tpu.memory_space<vmem>>, vector<16xf32>,
    %swap3A_57 = vector.shape_cast %swap3A_56 : vector<16xf32> to vector<16xf32>
    %swap3A_58 = vector.shape_cast %broadcast_in_dim3A_54 : vector<16xf32> to vector<16xf32>
    tpu.vector_store %arg6[%swap3A_55], %swap3A_58 {strides = array<i32>} : memref<640xf32, #tpu.memory_space<vmem>>, vector<16xf32>,
    %broadcast_in_dim3A_59 = arith.constant 0.000000e+00 : f32
    %broadcast_in_dim3A_60 = vector.broadcast %broadcast_in_dim3A_59 : f32 to vector<16xf32>
    %swap3A_61 = arith.constant 80 : index
    %swap3A_62 = tpu.vector_load %arg6[%swap3A_61] {strides = array<i32>} : memref<640xf32, #tpu.memory_space<vmem>>, vector<16xf32>,
    %swap3A_63 = vector.shape_cast %swap3A_62 : vector<16xf32> to vector<16xf32>
    %swap3A_64 = vector.shape_cast %broadcast_in_dim3A_60 : vector<16xf32> to vector<16xf32>
    tpu.vector_store %arg6[%swap3A_61], %swap3A_64 {strides = array<i32>} : memref<640xf32, #tpu.memory_space<vmem>>, vector<16xf32>,
    %broadcast_in_dim3A_65 = arith.constant 0.000000e+00 : f32
    %broadcast_in_dim3A_66 = vector.broadcast %broadcast_in_dim3A_65 : f32 to vector<16xf32>
    %swap3A_67 = arith.constant 96 : index
    %swap3A_68 = tpu.vector_load %arg6[%swap3A_67] {strides = array<i32>} : memref<640xf32, #tpu.memory_space<vmem>>, vector<16xf32>,
    %swap3A_69 = vector.shape_cast %swap3A_68 : vector<16xf32> to vector<16xf32>
    %swap3A_70 = vector.shape_cast %broadcast_in_dim3A_66 : vector<16xf32> to vector<16xf32>
    tpu.vector_store %arg6[%swap3A_67], %swap3A_70 {strides = array<i32>} : memref<640xf32, #tpu.memory_space<vmem>>, vector<16xf32>,
    %broadcast_in_dim3A_71 = arith.constant 0.000000e+00 : f32
    %broadcast_in_dim3A_72 = vector.broadcast %broadcast_in_dim3A_71 : f32 to vector<16xf32>
    %swap3A_73 = arith.constant 112 : index
    %swap3A_74 = tpu.vector_load %arg6[%swap3A_73] {strides = array<i32>} : memref<640xf32, #tpu.memory_space<vmem>>, vector<16xf32>,
    %swap3A_75 = vector.shape_cast %swap3A_74 : vector<16xf32> to vector<16xf32>
    %swap3A_76 = vector.shape_cast %broadcast_in_dim3A_72 : vector<16xf32> to vector<16xf32>
    tpu.vector_store %arg6[%swap3A_73], %swap3A_76 {strides = array<i32>} : memref<640xf32, #tpu.memory_space<vmem>>, vector<16xf32>,
    %broadcast_in_dim3A_77 = arith.constant 0.000000e+00 : f32
    %broadcast_in_dim3A_78 = vector.broadcast %broadcast_in_dim3A_77 : f32 to vector<16xf32>
    %swap3A_79 = arith.constant 128 : index
    %swap3A_80 = tpu.vector_load %arg6[%swap3A_79] {strides = array<i32>} : memref<640xf32, #tpu.memory_space<vmem>>, vector<16xf32>,
    %swap3A_81 = vector.shape_cast %swap3A_80 : vector<16xf32> to vector<16xf32>
    %swap3A_82 = vector.shape_cast %broadcast_in_dim3A_78 : vector<16xf32> to vector<16xf32>
    tpu.vector_store %arg6[%swap3A_79], %swap3A_82 {strides = array<i32>} : memref<640xf32, #tpu.memory_space<vmem>>, vector<16xf32>,
    %broadcast_in_dim3A_83 = arith.constant 0.000000e+00 : f32
    %broadcast_in_dim3A_84 = vector.broadcast %broadcast_in_dim3A_83 : f32 to vector<16xf32>
    %swap3A_85 = arith.constant 144 : index
    %swap3A_86 = tpu.vector_load %arg6[%swap3A_85] {strides = array<i32>} : memref<640xf32, #tpu.memory_space<vmem>>, vector<16xf32>,
    %swap3A_87 = vector.shape_cast %swap3A_86 : vector<16xf32> to vector<16xf32>
    %swap3A_88 = vector.shape_cast %broadcast_in_dim3A_84 : vector<16xf32> to vector<16xf32>
    tpu.vector_store %arg6[%swap3A_85], %swap3A_88 {strides = array<i32>} : memref<640xf32, #tpu.memory_space<vmem>>, vector<16xf32>,
    %broadcast_in_dim3A_89 = arith.constant 0.000000e+00 : f32
    %broadcast_in_dim3A_90 = vector.broadcast %broadcast_in_dim3A_89 : f32 to vector<16xf32>
    %swap3A_91 = arith.constant 160 : index
    %swap3A_92 = tpu.vector_load %arg6[%swap3A_91] {strides = array<i32>} : memref<640xf32, #tpu.memory_space<vmem>>, vector<16xf32>,
    %swap3A_93 = vector.shape_cast %swap3A_92 : vector<16xf32> to vector<16xf32>
    %swap3A_94 = vector.shape_cast %broadcast_in_dim3A_90 : vector<16xf32> to vector<16xf32>
    tpu.vector_store %arg6[%swap3A_91], %swap3A_94 {strides = array<i32>} : memref<640xf32, #tpu.memory_space<vmem>>, vector<16xf32>,
    %broadcast_in_dim3A_95 = arith.constant 0.000000e+00 : f32
    %broadcast_in_dim3A_96 = vector.broadcast %broadcast_in_dim3A_95 : f32 to vector<16xf32>
    %swap3A_97 = arith.constant 176 : index
    %swap3A_98 = tpu.vector_load %arg6[%swap3A_97] {strides = array<i32>} : memref<640xf32, #tpu.memory_space<vmem>>, vector<16xf32>,
    %swap3A_99 = vector.shape_cast %swap3A_98 : vector<16xf32> to vector<16xf32>
    %swap3A_100 = vector.shape_cast %broadcast_in_dim3A_96 : vector<16xf32> to vector<16xf32>
    tpu.vector_store %arg6[%swap3A_97], %swap3A_100 {strides = array<i32>} : memref<640xf32, #tpu.memory_space<vmem>>, vector<16xf32>,
    %broadcast_in_dim3A_101 = arith.constant 0.000000e+00 : f32
    %broadcast_in_dim3A_102 = vector.broadcast %broadcast_in_dim3A_101 : f32 to vector<16xf32>
    %swap3A_103 = arith.constant 192 : index
    %swap3A_104 = tpu.vector_load %arg6[%swap3A_103] {strides = array<i32>} : memref<640xf32, #tpu.memory_space<vmem>>, vector<16xf32>,
    %swap3A_105 = vector.shape_cast %swap3A_104 : vector<16xf32> to vector<16xf32>
    %swap3A_106 = vector.shape_cast %broadcast_in_dim3A_102 : vector<16xf32> to vector<16xf32>
    tpu.vector_store %arg6[%swap3A_103], %swap3A_106 {strides = array<i32>} : memref<640xf32, #tpu.memory_space<vmem>>, vector<16xf32>,
    %broadcast_in_dim3A_107 = arith.constant 0.000000e+00 : f32
    %broadcast_in_dim3A_108 = vector.broadcast %broadcast_in_dim3A_107 : f32 to vector<16xf32>
    %swap3A_109 = arith.constant 208 : index
    %swap3A_110 = tpu.vector_load %arg6[%swap3A_109] {strides = array<i32>} : memref<640xf32, #tpu.memory_space<vmem>>, vector<16xf32>,
    %swap3A_111 = vector.shape_cast %swap3A_110 : vector<16xf32> to vector<16xf32>
    %swap3A_112 = vector.shape_cast %broadcast_in_dim3A_108 : vector<16xf32> to vector<16xf32>
    tpu.vector_store %arg6[%swap3A_109], %swap3A_112 {strides = array<i32>} : memref<640xf32, #tpu.memory_space<vmem>>, vector<16xf32>,
    %broadcast_in_dim3A_113 = arith.constant 0.000000e+00 : f32
    %broadcast_in_dim3A_114 = vector.broadcast %broadcast_in_dim3A_113 : f32 to vector<16xf32>
    %swap3A_115 = arith.constant 224 : index
    %swap3A_116 = tpu.vector_load %arg6[%swap3A_115] {strides = array<i32>} : memref<640xf32, #tpu.memory_space<vmem>>, vector<16xf32>,
    %swap3A_117 = vector.shape_cast %swap3A_116 : vector<16xf32> to vector<16xf32>
    %swap3A_118 = vector.shape_cast %broadcast_in_dim3A_114 : vector<16xf32> to vector<16xf32>
    tpu.vector_store %arg6[%swap3A_115], %swap3A_118 {strides = array<i32>} : memref<640xf32, #tpu.memory_space<vmem>>, vector<16xf32>,
    %broadcast_in_dim3A_119 = arith.constant 0.000000e+00 : f32
    %broadcast_in_dim3A_120 = vector.broadcast %broadcast_in_dim3A_119 : f32 to vector<16xf32>
    %swap3A_121 = arith.constant 240 : index
    %swap3A_122 = tpu.vector_load %arg6[%swap3A_121] {strides = array<i32>} : memref<640xf32, #tpu.memory_space<vmem>>, vector<16xf32>,
    %swap3A_123 = vector.shape_cast %swap3A_122 : vector<16xf32> to vector<16xf32>
    %swap3A_124 = vector.shape_cast %broadcast_in_dim3A_120 : vector<16xf32> to vector<16xf32>
    tpu.vector_store %arg6[%swap3A_121], %swap3A_124 {strides = array<i32>} : memref<640xf32, #tpu.memory_space<vmem>>, vector<16xf32>,
    %broadcast_in_dim3A_125 = arith.constant 0.000000e+00 : f32
    %broadcast_in_dim3A_126 = vector.broadcast %broadcast_in_dim3A_125 : f32 to vector<16xf32>
    %swap3A_127 = arith.constant 256 : index
    %swap3A_128 = tpu.vector_load %arg6[%swap3A_127] {strides = array<i32>} : memref<640xf32, #tpu.memory_space<vmem>>, vector<16xf32>,
    %swap3A_129 = vector.shape_cast %swap3A_128 : vector<16xf32> to vector<16xf32>
    %swap3A_130 = vector.shape_cast %broadcast_in_dim3A_126 : vector<16xf32> to vector<16xf32>
    tpu.vector_store %arg6[%swap3A_127], %swap3A_130 {strides = array<i32>} : memref<640xf32, #tpu.memory_space<vmem>>, vector<16xf32>,
    %broadcast_in_dim3A_131 = arith.constant 0.000000e+00 : f32
    %broadcast_in_dim3A_132 = vector.broadcast %broadcast_in_dim3A_131 : f32 to vector<16xf32>
    %swap3A_133 = arith.constant 272 : index
    %swap3A_134 = tpu.vector_load %arg6[%swap3A_133] {strides = array<i32>} : memref<640xf32, #tpu.memory_space<vmem>>, vector<16xf32>,
    %swap3A_135 = vector.shape_cast %swap3A_134 : vector<16xf32> to vector<16xf32>
    %swap3A_136 = vector.shape_cast %broadcast_in_dim3A_132 : vector<16xf32> to vector<16xf32>
    tpu.vector_store %arg6[%swap3A_133], %swap3A_136 {strides = array<i32>} : memref<640xf32, #tpu.memory_space<vmem>>, vector<16xf32>,
    %broadcast_in_dim3A_137 = arith.constant 0.000000e+00 : f32
    %broadcast_in_dim3A_138 = vector.broadcast %broadcast_in_dim3A_137 : f32 to vector<16xf32>
    %swap3A_139 = arith.constant 288 : index
    %swap3A_140 = tpu.vector_load %arg6[%swap3A_139] {strides = array<i32>} : memref<640xf32, #tpu.memory_space<vmem>>, vector<16xf32>,
    %swap3A_141 = vector.shape_cast %swap3A_140 : vector<16xf32> to vector<16xf32>
    %swap3A_142 = vector.shape_cast %broadcast_in_dim3A_138 : vector<16xf32> to vector<16xf32>
    tpu.vector_store %arg6[%swap3A_139], %swap3A_142 {strides = array<i32>} : memref<640xf32, #tpu.memory_space<vmem>>, vector<16xf32>,
    %broadcast_in_dim3A_143 = arith.constant 0.000000e+00 : f32
    %broadcast_in_dim3A_144 = vector.broadcast %broadcast_in_dim3A_143 : f32 to vector<16xf32>
    %swap3A_145 = arith.constant 304 : index
    %swap3A_146 = tpu.vector_load %arg6[%swap3A_145] {strides = array<i32>} : memref<640xf32, #tpu.memory_space<vmem>>, vector<16xf32>,
    %swap3A_147 = vector.shape_cast %swap3A_146 : vector<16xf32> to vector<16xf32>
    %swap3A_148 = vector.shape_cast %broadcast_in_dim3A_144 : vector<16xf32> to vector<16xf32>
    tpu.vector_store %arg6[%swap3A_145], %swap3A_148 {strides = array<i32>} : memref<640xf32, #tpu.memory_space<vmem>>, vector<16xf32>,
    %broadcast_in_dim3A_149 = arith.constant 0.000000e+00 : f32
    %broadcast_in_dim3A_150 = vector.broadcast %broadcast_in_dim3A_149 : f32 to vector<16xf32>
    %swap3A_151 = arith.constant 320 : index
    %swap3A_152 = tpu.vector_load %arg6[%swap3A_151] {strides = array<i32>} : memref<640xf32, #tpu.memory_space<vmem>>, vector<16xf32>,
    %swap3A_153 = vector.shape_cast %swap3A_152 : vector<16xf32> to vector<16xf32>
    %swap3A_154 = vector.shape_cast %broadcast_in_dim3A_150 : vector<16xf32> to vector<16xf32>
    tpu.vector_store %arg6[%swap3A_151], %swap3A_154 {strides = array<i32>} : memref<640xf32, #tpu.memory_space<vmem>>, vector<16xf32>,
    %broadcast_in_dim3A_155 = arith.constant 0.000000e+00 : f32
    %broadcast_in_dim3A_156 = vector.broadcast %broadcast_in_dim3A_155 : f32 to vector<16xf32>
    %swap3A_157 = arith.constant 336 : index
    %swap3A_158 = tpu.vector_load %arg6[%swap3A_157] {strides = array<i32>} : memref<640xf32, #tpu.memory_space<vmem>>, vector<16xf32>,
    %swap3A_159 = vector.shape_cast %swap3A_158 : vector<16xf32> to vector<16xf32>
    %swap3A_160 = vector.shape_cast %broadcast_in_dim3A_156 : vector<16xf32> to vector<16xf32>
    tpu.vector_store %arg6[%swap3A_157], %swap3A_160 {strides = array<i32>} : memref<640xf32, #tpu.memory_space<vmem>>, vector<16xf32>,
    %broadcast_in_dim3A_161 = arith.constant 0.000000e+00 : f32
    %broadcast_in_dim3A_162 = vector.broadcast %broadcast_in_dim3A_161 : f32 to vector<16xf32>
    %swap3A_163 = arith.constant 352 : index
    %swap3A_164 = tpu.vector_load %arg6[%swap3A_163] {strides = array<i32>} : memref<640xf32, #tpu.memory_space<vmem>>, vector<16xf32>,
    %swap3A_165 = vector.shape_cast %swap3A_164 : vector<16xf32> to vector<16xf32>
    %swap3A_166 = vector.shape_cast %broadcast_in_dim3A_162 : vector<16xf32> to vector<16xf32>
    tpu.vector_store %arg6[%swap3A_163], %swap3A_166 {strides = array<i32>} : memref<640xf32, #tpu.memory_space<vmem>>, vector<16xf32>,
    %broadcast_in_dim3A_167 = arith.constant 0.000000e+00 : f32
    %broadcast_in_dim3A_168 = vector.broadcast %broadcast_in_dim3A_167 : f32 to vector<16xf32>
    %swap3A_169 = arith.constant 368 : index
    %swap3A_170 = tpu.vector_load %arg6[%swap3A_169] {strides = array<i32>} : memref<640xf32, #tpu.memory_space<vmem>>, vector<16xf32>,
    %swap3A_171 = vector.shape_cast %swap3A_170 : vector<16xf32> to vector<16xf32>
    %swap3A_172 = vector.shape_cast %broadcast_in_dim3A_168 : vector<16xf32> to vector<16xf32>
    tpu.vector_store %arg6[%swap3A_169], %swap3A_172 {strides = array<i32>} : memref<640xf32, #tpu.memory_space<vmem>>, vector<16xf32>,
    %broadcast_in_dim3A_173 = arith.constant 0.000000e+00 : f32
    %broadcast_in_dim3A_174 = vector.broadcast %broadcast_in_dim3A_173 : f32 to vector<16xf32>
    %swap3A_175 = arith.constant 384 : index
    %swap3A_176 = tpu.vector_load %arg6[%swap3A_175] {strides = array<i32>} : memref<640xf32, #tpu.memory_space<vmem>>, vector<16xf32>,
    %swap3A_177 = vector.shape_cast %swap3A_176 : vector<16xf32> to vector<16xf32>
    %swap3A_178 = vector.shape_cast %broadcast_in_dim3A_174 : vector<16xf32> to vector<16xf32>
    tpu.vector_store %arg6[%swap3A_175], %swap3A_178 {strides = array<i32>} : memref<640xf32, #tpu.memory_space<vmem>>, vector<16xf32>,
    %broadcast_in_dim3A_179 = arith.constant 0.000000e+00 : f32
    %broadcast_in_dim3A_180 = vector.broadcast %broadcast_in_dim3A_179 : f32 to vector<16xf32>
    %swap3A_181 = arith.constant 400 : index
    %swap3A_182 = tpu.vector_load %arg6[%swap3A_181] {strides = array<i32>} : memref<640xf32, #tpu.memory_space<vmem>>, vector<16xf32>,
    %swap3A_183 = vector.shape_cast %swap3A_182 : vector<16xf32> to vector<16xf32>
    %swap3A_184 = vector.shape_cast %broadcast_in_dim3A_180 : vector<16xf32> to vector<16xf32>
    tpu.vector_store %arg6[%swap3A_181], %swap3A_184 {strides = array<i32>} : memref<640xf32, #tpu.memory_space<vmem>>, vector<16xf32>,
    %broadcast_in_dim3A_185 = arith.constant 0.000000e+00 : f32
    %broadcast_in_dim3A_186 = vector.broadcast %broadcast_in_dim3A_185 : f32 to vector<16xf32>
    %swap3A_187 = arith.constant 416 : index
    %swap3A_188 = tpu.vector_load %arg6[%swap3A_187] {strides = array<i32>} : memref<640xf32, #tpu.memory_space<vmem>>, vector<16xf32>,
    %swap3A_189 = vector.shape_cast %swap3A_188 : vector<16xf32> to vector<16xf32>
    %swap3A_190 = vector.shape_cast %broadcast_in_dim3A_186 : vector<16xf32> to vector<16xf32>
    tpu.vector_store %arg6[%swap3A_187], %swap3A_190 {strides = array<i32>} : memref<640xf32, #tpu.memory_space<vmem>>, vector<16xf32>,
    %broadcast_in_dim3A_191 = arith.constant 0.000000e+00 : f32
    %broadcast_in_dim3A_192 = vector.broadcast %broadcast_in_dim3A_191 : f32 to vector<16xf32>
    %swap3A_193 = arith.constant 432 : index
    %swap3A_194 = tpu.vector_load %arg6[%swap3A_193] {strides = array<i32>} : memref<640xf32, #tpu.memory_space<vmem>>, vector<16xf32>,
    %swap3A_195 = vector.shape_cast %swap3A_194 : vector<16xf32> to vector<16xf32>
    %swap3A_196 = vector.shape_cast %broadcast_in_dim3A_192 : vector<16xf32> to vector<16xf32>
    tpu.vector_store %arg6[%swap3A_193], %swap3A_196 {strides = array<i32>} : memref<640xf32, #tpu.memory_space<vmem>>, vector<16xf32>,
    %broadcast_in_dim3A_197 = arith.constant 0.000000e+00 : f32
    %broadcast_in_dim3A_198 = vector.broadcast %broadcast_in_dim3A_197 : f32 to vector<16xf32>
    %swap3A_199 = arith.constant 448 : index
    %swap3A_200 = tpu.vector_load %arg6[%swap3A_199] {strides = array<i32>} : memref<640xf32, #tpu.memory_space<vmem>>, vector<16xf32>,
    %swap3A_201 = vector.shape_cast %swap3A_200 : vector<16xf32> to vector<16xf32>
    %swap3A_202 = vector.shape_cast %broadcast_in_dim3A_198 : vector<16xf32> to vector<16xf32>
    tpu.vector_store %arg6[%swap3A_199], %swap3A_202 {strides = array<i32>} : memref<640xf32, #tpu.memory_space<vmem>>, vector<16xf32>,
    %broadcast_in_dim3A_203 = arith.constant 0.000000e+00 : f32
    %broadcast_in_dim3A_204 = vector.broadcast %broadcast_in_dim3A_203 : f32 to vector<16xf32>
    %swap3A_205 = arith.constant 464 : index
    %swap3A_206 = tpu.vector_load %arg6[%swap3A_205] {strides = array<i32>} : memref<640xf32, #tpu.memory_space<vmem>>, vector<16xf32>,
    %swap3A_207 = vector.shape_cast %swap3A_206 : vector<16xf32> to vector<16xf32>
    %swap3A_208 = vector.shape_cast %broadcast_in_dim3A_204 : vector<16xf32> to vector<16xf32>
    tpu.vector_store %arg6[%swap3A_205], %swap3A_208 {strides = array<i32>} : memref<640xf32, #tpu.memory_space<vmem>>, vector<16xf32>,
    %broadcast_in_dim3A_209 = arith.constant 0.000000e+00 : f32
    %broadcast_in_dim3A_210 = vector.broadcast %broadcast_in_dim3A_209 : f32 to vector<16xf32>
    %swap3A_211 = arith.constant 480 : index
    %swap3A_212 = tpu.vector_load %arg6[%swap3A_211] {strides = array<i32>} : memref<640xf32, #tpu.memory_space<vmem>>, vector<16xf32>,
    %swap3A_213 = vector.shape_cast %swap3A_212 : vector<16xf32> to vector<16xf32>
    %swap3A_214 = vector.shape_cast %broadcast_in_dim3A_210 : vector<16xf32> to vector<16xf32>
    tpu.vector_store %arg6[%swap3A_211], %swap3A_214 {strides = array<i32>} : memref<640xf32, #tpu.memory_space<vmem>>, vector<16xf32>,
    %broadcast_in_dim3A_215 = arith.constant 0.000000e+00 : f32
    %broadcast_in_dim3A_216 = vector.broadcast %broadcast_in_dim3A_215 : f32 to vector<16xf32>
    %swap3A_217 = arith.constant 496 : index
    %swap3A_218 = tpu.vector_load %arg6[%swap3A_217] {strides = array<i32>} : memref<640xf32, #tpu.memory_space<vmem>>, vector<16xf32>,
    %swap3A_219 = vector.shape_cast %swap3A_218 : vector<16xf32> to vector<16xf32>
    %swap3A_220 = vector.shape_cast %broadcast_in_dim3A_216 : vector<16xf32> to vector<16xf32>
    tpu.vector_store %arg6[%swap3A_217], %swap3A_220 {strides = array<i32>} : memref<640xf32, #tpu.memory_space<vmem>>, vector<16xf32>,
    %broadcast_in_dim3A_221 = arith.constant 0.000000e+00 : f32
    %broadcast_in_dim3A_222 = vector.broadcast %broadcast_in_dim3A_221 : f32 to vector<16xf32>
    %swap3A_223 = arith.constant 512 : index
    %swap3A_224 = tpu.vector_load %arg6[%swap3A_223] {strides = array<i32>} : memref<640xf32, #tpu.memory_space<vmem>>, vector<16xf32>,
    %swap3A_225 = vector.shape_cast %swap3A_224 : vector<16xf32> to vector<16xf32>
    %swap3A_226 = vector.shape_cast %broadcast_in_dim3A_222 : vector<16xf32> to vector<16xf32>
    tpu.vector_store %arg6[%swap3A_223], %swap3A_226 {strides = array<i32>} : memref<640xf32, #tpu.memory_space<vmem>>, vector<16xf32>,
    %broadcast_in_dim3A_227 = arith.constant 0.000000e+00 : f32
    %broadcast_in_dim3A_228 = vector.broadcast %broadcast_in_dim3A_227 : f32 to vector<16xf32>
    %swap3A_229 = arith.constant 528 : index
    %swap3A_230 = tpu.vector_load %arg6[%swap3A_229] {strides = array<i32>} : memref<640xf32, #tpu.memory_space<vmem>>, vector<16xf32>,
    %swap3A_231 = vector.shape_cast %swap3A_230 : vector<16xf32> to vector<16xf32>
    %swap3A_232 = vector.shape_cast %broadcast_in_dim3A_228 : vector<16xf32> to vector<16xf32>
    tpu.vector_store %arg6[%swap3A_229], %swap3A_232 {strides = array<i32>} : memref<640xf32, #tpu.memory_space<vmem>>, vector<16xf32>,
    %broadcast_in_dim3A_233 = arith.constant 0.000000e+00 : f32
    %broadcast_in_dim3A_234 = vector.broadcast %broadcast_in_dim3A_233 : f32 to vector<16xf32>
    %swap3A_235 = arith.constant 544 : index
    %swap3A_236 = tpu.vector_load %arg6[%swap3A_235] {strides = array<i32>} : memref<640xf32, #tpu.memory_space<vmem>>, vector<16xf32>,
    %swap3A_237 = vector.shape_cast %swap3A_236 : vector<16xf32> to vector<16xf32>
    %swap3A_238 = vector.shape_cast %broadcast_in_dim3A_234 : vector<16xf32> to vector<16xf32>
    tpu.vector_store %arg6[%swap3A_235], %swap3A_238 {strides = array<i32>} : memref<640xf32, #tpu.memory_space<vmem>>, vector<16xf32>,
    %broadcast_in_dim3A_239 = arith.constant 0.000000e+00 : f32
    %broadcast_in_dim3A_240 = vector.broadcast %broadcast_in_dim3A_239 : f32 to vector<16xf32>
    %swap3A_241 = arith.constant 560 : index
    %swap3A_242 = tpu.vector_load %arg6[%swap3A_241] {strides = array<i32>} : memref<640xf32, #tpu.memory_space<vmem>>, vector<16xf32>,
    %swap3A_243 = vector.shape_cast %swap3A_242 : vector<16xf32> to vector<16xf32>
    %swap3A_244 = vector.shape_cast %broadcast_in_dim3A_240 : vector<16xf32> to vector<16xf32>
    tpu.vector_store %arg6[%swap3A_241], %swap3A_244 {strides = array<i32>} : memref<640xf32, #tpu.memory_space<vmem>>, vector<16xf32>,
    %broadcast_in_dim3A_245 = arith.constant 0.000000e+00 : f32
    %broadcast_in_dim3A_246 = vector.broadcast %broadcast_in_dim3A_245 : f32 to vector<16xf32>
    %swap3A_247 = arith.constant 576 : index
    %swap3A_248 = tpu.vector_load %arg6[%swap3A_247] {strides = array<i32>} : memref<640xf32, #tpu.memory_space<vmem>>, vector<16xf32>,
    %swap3A_249 = vector.shape_cast %swap3A_248 : vector<16xf32> to vector<16xf32>
    %swap3A_250 = vector.shape_cast %broadcast_in_dim3A_246 : vector<16xf32> to vector<16xf32>
    tpu.vector_store %arg6[%swap3A_247], %swap3A_250 {strides = array<i32>} : memref<640xf32, #tpu.memory_space<vmem>>, vector<16xf32>,
    %broadcast_in_dim3A_251 = arith.constant 0.000000e+00 : f32
    %broadcast_in_dim3A_252 = vector.broadcast %broadcast_in_dim3A_251 : f32 to vector<16xf32>
    %swap3A_253 = arith.constant 592 : index
    %swap3A_254 = tpu.vector_load %arg6[%swap3A_253] {strides = array<i32>} : memref<640xf32, #tpu.memory_space<vmem>>, vector<16xf32>,
    %swap3A_255 = vector.shape_cast %swap3A_254 : vector<16xf32> to vector<16xf32>
    %swap3A_256 = vector.shape_cast %broadcast_in_dim3A_252 : vector<16xf32> to vector<16xf32>
    tpu.vector_store %arg6[%swap3A_253], %swap3A_256 {strides = array<i32>} : memref<640xf32, #tpu.memory_space<vmem>>, vector<16xf32>,
    %broadcast_in_dim3A_257 = arith.constant 0.000000e+00 : f32
    %broadcast_in_dim3A_258 = vector.broadcast %broadcast_in_dim3A_257 : f32 to vector<16xf32>
    %swap3A_259 = arith.constant 608 : index
    %swap3A_260 = tpu.vector_load %arg6[%swap3A_259] {strides = array<i32>} : memref<640xf32, #tpu.memory_space<vmem>>, vector<16xf32>,
    %swap3A_261 = vector.shape_cast %swap3A_260 : vector<16xf32> to vector<16xf32>
    %swap3A_262 = vector.shape_cast %broadcast_in_dim3A_258 : vector<16xf32> to vector<16xf32>
    tpu.vector_store %arg6[%swap3A_259], %swap3A_262 {strides = array<i32>} : memref<640xf32, #tpu.memory_space<vmem>>, vector<16xf32>,
    %broadcast_in_dim3A_263 = arith.constant 0.000000e+00 : f32
    %broadcast_in_dim3A_264 = vector.broadcast %broadcast_in_dim3A_263 : f32 to vector<16xf32>
    %swap3A_265 = arith.constant 624 : index
    %swap3A_266 = tpu.vector_load %arg6[%swap3A_265] {strides = array<i32>} : memref<640xf32, #tpu.memory_space<vmem>>, vector<16xf32>,
    %swap3A_267 = vector.shape_cast %swap3A_266 : vector<16xf32> to vector<16xf32>
    %swap3A_268 = vector.shape_cast %broadcast_in_dim3A_264 : vector<16xf32> to vector<16xf32>
    tpu.vector_store %arg6[%swap3A_265], %swap3A_268 {strides = array<i32>} : memref<640xf32, #tpu.memory_space<vmem>>, vector<16xf32>,
    %mul3A_269 = arith.constant 640 : i32
    %mul3A_270 = arith.muli %arg1, %mul3A_269 : i32
    "tpu.region"() ({
      %run_scoped3A = tpu.sem_alloc : memref<!tpu.dma_semaphore, #tpu.memory_space<semaphore_mem>>
      %dma_start3A = tpu.memref_slice %arg7[%mul3A_270] : memref<10240xf32, #tpu.memory_space<vmem_shared>> -> memref<640xf32, #tpu.memory_space<vmem_shared>>
      %dma_start3A_284 = tpu.memref_slice %arg7[%mul3A_270] : memref<10240xf32, #tpu.memory_space<vmem_shared>> -> memref<640xf32, #tpu.memory_space<vmem_shared>>
      tpu.enqueue_dma source(%arg6 : memref<640xf32, #tpu.memory_space<vmem>>) target(%dma_start3A_284 : memref<640xf32, #tpu.memory_space<vmem_shared>>) target_semaphore(%run_scoped3A : memref<!tpu.dma_semaphore, #tpu.memory_space<semaphore_mem>>)
      %dma_wait3A = tpu.memref_slice %arg7[%mul3A_270] : memref<10240xf32, #tpu.memory_space<vmem_shared>> -> memref<640xf32, #tpu.memory_space<vmem_shared>>
      %dma_wait3A_285 = tpu.memref_slice %arg7[%mul3A_270] : memref<10240xf32, #tpu.memory_space<vmem_shared>> -> memref<640xf32, #tpu.memory_space<vmem_shared>>
      tpu.wait_dma2 semaphore(%run_scoped3A : memref<!tpu.dma_semaphore, #tpu.memory_space<semaphore_mem>>) src(%arg6 : memref<640xf32, #tpu.memory_space<vmem>>) dst(%dma_wait3A_285 : memref<640xf32, #tpu.memory_space<vmem_shared>>)
      tpu.yield
    }) : () -> ()
    %barrier3A = arith.constant 0 : index
    tpu.barrier barrier_id(%barrier3A)
    %scan3A = arith.constant 0 : i32
    %scan3A_271 = arith.constant 0 : i32
    %scan3A_272 = arith.constant 125 : i32
    %scan3A_273 = arith.addi %scan3A_271, %scan3A_272 : i32
    %scan3A_274 = arith.constant 1 : i32
    scf.for %scan3A_284 = %scan3A_271 to %scan3A_273 step %scan3A_274  : i32 {
      "tpu.region"() ({
        %run_scoped3A = tpu.sem_alloc : memref<!tpu.dma_semaphore, #tpu.memory_space<semaphore_mem>>
        %dma_start3A = arith.constant 0 : i32
        %dma_start3A_285 = tpu.memref_slice %arg5[%dma_start3A] : memref<80xf32, #tpu.memory_space<vmem>> -> memref<80xf32, #tpu.memory_space<vmem>>
        %dma_start3A_286 = arith.constant 0 : i32
        %dma_start3A_287 = tpu.memref_slice %arg4[%scan3A_284, %dma_start3A_286] : memref<125x80xi32, #tpu.memory_space<vmem>> -> memref<1x80xi32, #tpu.memory_space<vmem>>
        %dma_start3A_288 = tpu.memref_squeeze %dma_start3A_287 : memref<1x80xi32, #tpu.memory_space<vmem>> -> memref<80xi32, #tpu.memory_space<vmem>>
        %dma_start3A_289 = arith.constant 0 : i32
        %dma_start3A_290 = tpu.memref_slice %arg7[%dma_start3A_289] : memref<10240xf32, #tpu.memory_space<vmem_shared>> -> memref<10240xf32, #tpu.memory_space<vmem_shared>>
        tpu.enqueue_indirect_dma source(%dma_start3A_285 : memref<80xf32, #tpu.memory_space<vmem>>) target(%dma_start3A_290 : memref<10240xf32, #tpu.memory_space<vmem_shared>>) offsets(%dma_start3A_288 : memref<80xi32, #tpu.memory_space<vmem>>) semaphore(%run_scoped3A : memref<!tpu.dma_semaphore, #tpu.memory_space<semaphore_mem>>) {add = true}
        %dma_wait3A = arith.constant 0 : i32
        %dma_wait3A_291 = tpu.memref_slice %arg5[%dma_wait3A] : memref<80xf32, #tpu.memory_space<vmem>> -> memref<80xf32, #tpu.memory_space<vmem>>
        %dma_wait3A_292 = arith.constant 0 : i32
        %dma_wait3A_293 = tpu.memref_slice %arg4[%scan3A_284, %dma_wait3A_292] : memref<125x80xi32, #tpu.memory_space<vmem>> -> memref<1x80xi32, #tpu.memory_space<vmem>>
        %dma_wait3A_294 = tpu.memref_squeeze %dma_wait3A_293 : memref<1x80xi32, #tpu.memory_space<vmem>> -> memref<80xi32, #tpu.memory_space<vmem>>
        %dma_wait3A_295 = arith.constant 0 : i32
        %dma_wait3A_296 = tpu.memref_slice %arg7[%dma_wait3A_295] : memref<10240xf32, #tpu.memory_space<vmem_shared>> -> memref<10240xf32, #tpu.memory_space<vmem_shared>>
        tpu.wait_indirect_dma semaphore(%run_scoped3A : memref<!tpu.dma_semaphore, #tpu.memory_space<semaphore_mem>>) src(%dma_wait3A_291 : memref<80xf32, #tpu.memory_space<vmem>>) dst(%dma_wait3A_296 : memref<10240xf32, #tpu.memory_space<vmem_shared>>)
        tpu.yield
      }) : () -> ()
    }
    %scan3A_275 = arith.constant 125 : i32
    %barrier3A_276 = arith.constant 0 : index
    tpu.barrier barrier_id(%barrier3A_276)
    %mul3A_277 = arith.constant 640 : i32
    %mul3A_278 = arith.muli %arg1, %mul3A_277 : i32
    %mul3A_279 = arith.constant 10240 : i32
    %mul3A_280 = arith.muli %arg0, %mul3A_279 : i32
    %mul3A_281 = arith.constant 640 : i32
    %mul3A_282 = arith.muli %arg1, %mul3A_281 : i32
    %add3A_283 = arith.addi %mul3A_280, %mul3A_282 : i32
    "tpu.region"() ({
      %run_scoped3A = tpu.sem_alloc : memref<!tpu.dma_semaphore, #tpu.memory_space<semaphore_mem>>
      %dma_start3A = tpu.memref_slice %arg3[%add3A_283] : memref<20480xf32, #tpu.memory_space<hbm>> -> memref<640xf32, #tpu.memory_space<hbm>>
      %dma_start3A_284 = tpu.memref_slice %arg7[%mul3A_278] : memref<10240xf32, #tpu.memory_space<vmem_shared>> -> memref<640xf32, #tpu.memory_space<vmem_shared>>
      tpu.enqueue_dma source(%dma_start3A_284 : memref<640xf32, #tpu.memory_space<vmem_shared>>) target(%dma_start3A : memref<640xf32, #tpu.memory_space<hbm>>) target_semaphore(%run_scoped3A : memref<!tpu.dma_semaphore, #tpu.memory_space<semaphore_mem>>)
      %dma_wait3A = tpu.memref_slice %arg3[%add3A_283] : memref<20480xf32, #tpu.memory_space<hbm>> -> memref<640xf32, #tpu.memory_space<hbm>>
      %dma_wait3A_285 = tpu.memref_slice %arg7[%mul3A_278] : memref<10240xf32, #tpu.memory_space<vmem_shared>> -> memref<640xf32, #tpu.memory_space<vmem_shared>>
      tpu.wait_dma2 semaphore(%run_scoped3A : memref<!tpu.dma_semaphore, #tpu.memory_space<semaphore_mem>>) src(%dma_wait3A_285 : memref<640xf32, #tpu.memory_space<vmem_shared>>) dst(%dma_wait3A : memref<640xf32, #tpu.memory_space<hbm>>)
      tpu.yield
    }) : () -> ()
    return
  }
}

#map = affine_map<(d0, d1) -> (0, 0)>
#map1 = affine_map<(d0, d1) -> (0, 0, 0)>
module attributes {stable_mosaic.version = 14 : i64} {
  func.func @_prop_sc(%arg0: i32, %arg1: i32, %arg2: memref<10240x128xbf16, #tpu.memory_space<hbm>>, %arg3: memref<32x125x80xi32, #tpu.memory_space<hbm>>, %arg4: memref<32x125x80xi32, #tpu.memory_space<hbm>>, %arg5: memref<2x10240x128xbf16, #tpu.memory_space<hbm>>, %arg6: memref<125x80xi32, #tpu.memory_space<vmem>>, %arg7: memref<125x80xi32, #tpu.memory_space<vmem>>, %arg8: memref<5x80x128xbf16, #tpu.memory_space<vmem>>, %arg9: memref<10240x128xbf16, #tpu.memory_space<vmem_shared>>, %arg10: memref<!tpu.dma_semaphore, #tpu.memory_space<semaphore_mem>>, %arg11: memref<!tpu.dma_semaphore, #tpu.memory_space<semaphore_mem>>, %arg12: memref<!tpu.dma_semaphore, #tpu.memory_space<semaphore_mem>>, %arg13: memref<!tpu.dma_semaphore, #tpu.memory_space<semaphore_mem>>, %arg14: memref<!tpu.dma_semaphore, #tpu.memory_space<semaphore_mem>>) attributes {dimension_semantics = [#tpu.dimension_semantics<core_parallel>, #tpu.dimension_semantics<subcore_parallel>], iteration_bounds = array<i64: 2, 16>, scalar_prefetch = 0 : i64, scratch_operands = 9 : i64, tpu.core_type = #tpu.core_type<sc_vector_subcore>, window_params = [{transform_indices = #map}, {transform_indices = #map1}, {transform_indices = #map1}, {transform_indices = #map1}]} {
    %mul3A = arith.constant 16 : i32
    %mul3A_0 = arith.muli %arg0, %mul3A : i32
    %add3A = arith.addi %mul3A_0, %arg1 : i32
    "tpu.region"() ({
      %run_scoped3A = tpu.sem_alloc : memref<!tpu.dma_semaphore, #tpu.memory_space<semaphore_mem>>
      %dma_start3A_68 = arith.constant 0 : i32
      %dma_start3A_69 = arith.constant 0 : i32
      %dma_start3A_70 = tpu.memref_slice %arg3[%add3A, %dma_start3A_68, %dma_start3A_69] : memref<32x125x80xi32, #tpu.memory_space<hbm>> -> memref<1x125x80xi32, #tpu.memory_space<hbm>>
      %dma_start3A_71 = tpu.memref_squeeze %dma_start3A_70 : memref<1x125x80xi32, #tpu.memory_space<hbm>> -> memref<125x80xi32, #tpu.memory_space<hbm>>
      %dma_start3A_72 = arith.constant 0 : i32
      %dma_start3A_73 = arith.constant 0 : i32
      %dma_start3A_74 = tpu.memref_slice %arg3[%add3A, %dma_start3A_72, %dma_start3A_73] : memref<32x125x80xi32, #tpu.memory_space<hbm>> -> memref<1x125x80xi32, #tpu.memory_space<hbm>>
      %dma_start3A_75 = tpu.memref_squeeze %dma_start3A_74 : memref<1x125x80xi32, #tpu.memory_space<hbm>> -> memref<125x80xi32, #tpu.memory_space<hbm>>
      tpu.enqueue_dma source(%dma_start3A_75 : memref<125x80xi32, #tpu.memory_space<hbm>>) target(%arg6 : memref<125x80xi32, #tpu.memory_space<vmem>>) target_semaphore(%run_scoped3A : memref<!tpu.dma_semaphore, #tpu.memory_space<semaphore_mem>>)
      %dma_wait3A = arith.constant 0 : i32
      %dma_wait3A_76 = arith.constant 0 : i32
      %dma_wait3A_77 = tpu.memref_slice %arg3[%add3A, %dma_wait3A, %dma_wait3A_76] : memref<32x125x80xi32, #tpu.memory_space<hbm>> -> memref<1x125x80xi32, #tpu.memory_space<hbm>>
      %dma_wait3A_78 = tpu.memref_squeeze %dma_wait3A_77 : memref<1x125x80xi32, #tpu.memory_space<hbm>> -> memref<125x80xi32, #tpu.memory_space<hbm>>
      %dma_wait3A_79 = arith.constant 0 : i32
      %dma_wait3A_80 = arith.constant 0 : i32
      %dma_wait3A_81 = tpu.memref_slice %arg3[%add3A, %dma_wait3A_79, %dma_wait3A_80] : memref<32x125x80xi32, #tpu.memory_space<hbm>> -> memref<1x125x80xi32, #tpu.memory_space<hbm>>
      %dma_wait3A_82 = tpu.memref_squeeze %dma_wait3A_81 : memref<1x125x80xi32, #tpu.memory_space<hbm>> -> memref<125x80xi32, #tpu.memory_space<hbm>>
      tpu.wait_dma2 semaphore(%run_scoped3A : memref<!tpu.dma_semaphore, #tpu.memory_space<semaphore_mem>>) src(%dma_wait3A_82 : memref<125x80xi32, #tpu.memory_space<hbm>>) dst(%arg6 : memref<125x80xi32, #tpu.memory_space<vmem>>)
      tpu.yield
    }) : () -> ()
    "tpu.region"() ({
      %run_scoped3A = tpu.sem_alloc : memref<!tpu.dma_semaphore, #tpu.memory_space<semaphore_mem>>
      %dma_start3A_68 = arith.constant 0 : i32
      %dma_start3A_69 = arith.constant 0 : i32
      %dma_start3A_70 = tpu.memref_slice %arg4[%add3A, %dma_start3A_68, %dma_start3A_69] : memref<32x125x80xi32, #tpu.memory_space<hbm>> -> memref<1x125x80xi32, #tpu.memory_space<hbm>>
      %dma_start3A_71 = tpu.memref_squeeze %dma_start3A_70 : memref<1x125x80xi32, #tpu.memory_space<hbm>> -> memref<125x80xi32, #tpu.memory_space<hbm>>
      %dma_start3A_72 = arith.constant 0 : i32
      %dma_start3A_73 = arith.constant 0 : i32
      %dma_start3A_74 = tpu.memref_slice %arg4[%add3A, %dma_start3A_72, %dma_start3A_73] : memref<32x125x80xi32, #tpu.memory_space<hbm>> -> memref<1x125x80xi32, #tpu.memory_space<hbm>>
      %dma_start3A_75 = tpu.memref_squeeze %dma_start3A_74 : memref<1x125x80xi32, #tpu.memory_space<hbm>> -> memref<125x80xi32, #tpu.memory_space<hbm>>
      tpu.enqueue_dma source(%dma_start3A_75 : memref<125x80xi32, #tpu.memory_space<hbm>>) target(%arg7 : memref<125x80xi32, #tpu.memory_space<vmem>>) target_semaphore(%run_scoped3A : memref<!tpu.dma_semaphore, #tpu.memory_space<semaphore_mem>>)
      %dma_wait3A = arith.constant 0 : i32
      %dma_wait3A_76 = arith.constant 0 : i32
      %dma_wait3A_77 = tpu.memref_slice %arg4[%add3A, %dma_wait3A, %dma_wait3A_76] : memref<32x125x80xi32, #tpu.memory_space<hbm>> -> memref<1x125x80xi32, #tpu.memory_space<hbm>>
      %dma_wait3A_78 = tpu.memref_squeeze %dma_wait3A_77 : memref<1x125x80xi32, #tpu.memory_space<hbm>> -> memref<125x80xi32, #tpu.memory_space<hbm>>
      %dma_wait3A_79 = arith.constant 0 : i32
      %dma_wait3A_80 = arith.constant 0 : i32
      %dma_wait3A_81 = tpu.memref_slice %arg4[%add3A, %dma_wait3A_79, %dma_wait3A_80] : memref<32x125x80xi32, #tpu.memory_space<hbm>> -> memref<1x125x80xi32, #tpu.memory_space<hbm>>
      %dma_wait3A_82 = tpu.memref_squeeze %dma_wait3A_81 : memref<1x125x80xi32, #tpu.memory_space<hbm>> -> memref<125x80xi32, #tpu.memory_space<hbm>>
      tpu.wait_dma2 semaphore(%run_scoped3A : memref<!tpu.dma_semaphore, #tpu.memory_space<semaphore_mem>>) src(%dma_wait3A_82 : memref<125x80xi32, #tpu.memory_space<hbm>>) dst(%arg7 : memref<125x80xi32, #tpu.memory_space<vmem>>)
      tpu.yield
    }) : () -> ()
    %mul3A_1 = arith.constant 640 : i32
    %mul3A_2 = arith.muli %arg1, %mul3A_1 : i32
    "tpu.region"() ({
      %run_scoped3A = tpu.sem_alloc : memref<!tpu.dma_semaphore, #tpu.memory_space<semaphore_mem>>
      %dma_start3A_68 = arith.constant 0 : i32
      %dma_start3A_69 = tpu.memref_slice %arg9[%mul3A_2, %dma_start3A_68] : memref<10240x128xbf16, #tpu.memory_space<vmem_shared>> -> memref<640x128xbf16, #tpu.memory_space<vmem_shared>>
      %dma_start3A_70 = arith.constant 0 : i32
      %dma_start3A_71 = tpu.memref_slice %arg2[%mul3A_2, %dma_start3A_70] : memref<10240x128xbf16, #tpu.memory_space<hbm>> -> memref<640x128xbf16, #tpu.memory_space<hbm>>
      tpu.enqueue_dma source(%dma_start3A_71 : memref<640x128xbf16, #tpu.memory_space<hbm>>) target(%dma_start3A_69 : memref<640x128xbf16, #tpu.memory_space<vmem_shared>>) target_semaphore(%run_scoped3A : memref<!tpu.dma_semaphore, #tpu.memory_space<semaphore_mem>>)
      %dma_wait3A = arith.constant 0 : i32
      %dma_wait3A_72 = tpu.memref_slice %arg9[%mul3A_2, %dma_wait3A] : memref<10240x128xbf16, #tpu.memory_space<vmem_shared>> -> memref<640x128xbf16, #tpu.memory_space<vmem_shared>>
      %dma_wait3A_73 = arith.constant 0 : i32
      %dma_wait3A_74 = tpu.memref_slice %arg2[%mul3A_2, %dma_wait3A_73] : memref<10240x128xbf16, #tpu.memory_space<hbm>> -> memref<640x128xbf16, #tpu.memory_space<hbm>>
      tpu.wait_dma2 semaphore(%run_scoped3A : memref<!tpu.dma_semaphore, #tpu.memory_space<semaphore_mem>>) src(%dma_wait3A_74 : memref<640x128xbf16, #tpu.memory_space<hbm>>) dst(%dma_wait3A_72 : memref<640x128xbf16, #tpu.memory_space<vmem_shared>>)
      tpu.yield
    }) : () -> ()
    %barrier3A = arith.constant 0 : index
    tpu.barrier barrier_id(%barrier3A)
    %dma_start3A = arith.constant 0 : i32
    %dma_start3A_3 = arith.constant 0 : i32
    %dma_start3A_4 = arith.constant 0 : i32
    %dma_start3A_5 = arith.constant 0 : i32
    %dma_start3A_6 = tpu.memref_slice %arg8[%dma_start3A_3, %dma_start3A_4, %dma_start3A_5] : memref<5x80x128xbf16, #tpu.memory_space<vmem>> -> memref<1x80x128xbf16, #tpu.memory_space<vmem>>
    %dma_start3A_7 = tpu.memref_squeeze %dma_start3A_6 : memref<1x80x128xbf16, #tpu.memory_space<vmem>> -> memref<80x128xbf16, #tpu.memory_space<vmem>>
    %dma_start3A_8 = arith.constant 0 : i32
    %dma_start3A_9 = tpu.memref_slice %arg6[%dma_start3A, %dma_start3A_8] : memref<125x80xi32, #tpu.memory_space<vmem>> -> memref<1x80xi32, #tpu.memory_space<vmem>>
    %dma_start3A_10 = tpu.memref_squeeze %dma_start3A_9 : memref<1x80xi32, #tpu.memory_space<vmem>> -> memref<80xi32, #tpu.memory_space<vmem>>
    %dma_start3A_11 = arith.constant 0 : i32
    %dma_start3A_12 = arith.constant 0 : i32
    %dma_start3A_13 = tpu.memref_slice %arg2[%dma_start3A_11, %dma_start3A_12] : memref<10240x128xbf16, #tpu.memory_space<hbm>> -> memref<10240x128xbf16, #tpu.memory_space<hbm>>
    tpu.enqueue_indirect_dma source(%dma_start3A_13 : memref<10240x128xbf16, #tpu.memory_space<hbm>>) target(%dma_start3A_7 : memref<80x128xbf16, #tpu.memory_space<vmem>>) offsets(%dma_start3A_10 : memref<80xi32, #tpu.memory_space<vmem>>) semaphore(%arg10 : memref<!tpu.dma_semaphore, #tpu.memory_space<semaphore_mem>>)
    %dma_start3A_14 = arith.constant 1 : i32
    %dma_start3A_15 = arith.constant 1 : i32
    %dma_start3A_16 = arith.constant 0 : i32
    %dma_start3A_17 = arith.constant 0 : i32
    %dma_start3A_18 = tpu.memref_slice %arg8[%dma_start3A_15, %dma_start3A_16, %dma_start3A_17] : memref<5x80x128xbf16, #tpu.memory_space<vmem>> -> memref<1x80x128xbf16, #tpu.memory_space<vmem>>
    %dma_start3A_19 = tpu.memref_squeeze %dma_start3A_18 : memref<1x80x128xbf16, #tpu.memory_space<vmem>> -> memref<80x128xbf16, #tpu.memory_space<vmem>>
    %dma_start3A_20 = arith.constant 0 : i32
    %dma_start3A_21 = tpu.memref_slice %arg6[%dma_start3A_14, %dma_start3A_20] : memref<125x80xi32, #tpu.memory_space<vmem>> -> memref<1x80xi32, #tpu.memory_space<vmem>>
    %dma_start3A_22 = tpu.memref_squeeze %dma_start3A_21 : memref<1x80xi32, #tpu.memory_space<vmem>> -> memref<80xi32, #tpu.memory_space<vmem>>
    %dma_start3A_23 = arith.constant 0 : i32
    %dma_start3A_24 = arith.constant 0 : i32
    %dma_start3A_25 = tpu.memref_slice %arg2[%dma_start3A_23, %dma_start3A_24] : memref<10240x128xbf16, #tpu.memory_space<hbm>> -> memref<10240x128xbf16, #tpu.memory_space<hbm>>
    tpu.enqueue_indirect_dma source(%dma_start3A_25 : memref<10240x128xbf16, #tpu.memory_space<hbm>>) target(%dma_start3A_19 : memref<80x128xbf16, #tpu.memory_space<vmem>>) offsets(%dma_start3A_22 : memref<80xi32, #tpu.memory_space<vmem>>) semaphore(%arg11 : memref<!tpu.dma_semaphore, #tpu.memory_space<semaphore_mem>>)
    %dma_start3A_26 = arith.constant 2 : i32
    %dma_start3A_27 = arith.constant 2 : i32
    %dma_start3A_28 = arith.constant 0 : i32
    %dma_start3A_29 = arith.constant 0 : i32
    %dma_start3A_30 = tpu.memref_slice %arg8[%dma_start3A_27, %dma_start3A_28, %dma_start3A_29] : memref<5x80x128xbf16, #tpu.memory_space<vmem>> -> memref<1x80x128xbf16, #tpu.memory_space<vmem>>
    %dma_start3A_31 = tpu.memref_squeeze %dma_start3A_30 : memref<1x80x128xbf16, #tpu.memory_space<vmem>> -> memref<80x128xbf16, #tpu.memory_space<vmem>>
    %dma_start3A_32 = arith.constant 0 : i32
    %dma_start3A_33 = tpu.memref_slice %arg6[%dma_start3A_26, %dma_start3A_32] : memref<125x80xi32, #tpu.memory_space<vmem>> -> memref<1x80xi32, #tpu.memory_space<vmem>>
    %dma_start3A_34 = tpu.memref_squeeze %dma_start3A_33 : memref<1x80xi32, #tpu.memory_space<vmem>> -> memref<80xi32, #tpu.memory_space<vmem>>
    %dma_start3A_35 = arith.constant 0 : i32
    %dma_start3A_36 = arith.constant 0 : i32
    %dma_start3A_37 = tpu.memref_slice %arg2[%dma_start3A_35, %dma_start3A_36] : memref<10240x128xbf16, #tpu.memory_space<hbm>> -> memref<10240x128xbf16, #tpu.memory_space<hbm>>
    tpu.enqueue_indirect_dma source(%dma_start3A_37 : memref<10240x128xbf16, #tpu.memory_space<hbm>>) target(%dma_start3A_31 : memref<80x128xbf16, #tpu.memory_space<vmem>>) offsets(%dma_start3A_34 : memref<80xi32, #tpu.memory_space<vmem>>) semaphore(%arg12 : memref<!tpu.dma_semaphore, #tpu.memory_space<semaphore_mem>>)
    %dma_start3A_38 = arith.constant 3 : i32
    %dma_start3A_39 = arith.constant 3 : i32
    %dma_start3A_40 = arith.constant 0 : i32
    %dma_start3A_41 = arith.constant 0 : i32
    %dma_start3A_42 = tpu.memref_slice %arg8[%dma_start3A_39, %dma_start3A_40, %dma_start3A_41] : memref<5x80x128xbf16, #tpu.memory_space<vmem>> -> memref<1x80x128xbf16, #tpu.memory_space<vmem>>
    %dma_start3A_43 = tpu.memref_squeeze %dma_start3A_42 : memref<1x80x128xbf16, #tpu.memory_space<vmem>> -> memref<80x128xbf16, #tpu.memory_space<vmem>>
    %dma_start3A_44 = arith.constant 0 : i32
    %dma_start3A_45 = tpu.memref_slice %arg6[%dma_start3A_38, %dma_start3A_44] : memref<125x80xi32, #tpu.memory_space<vmem>> -> memref<1x80xi32, #tpu.memory_space<vmem>>
    %dma_start3A_46 = tpu.memref_squeeze %dma_start3A_45 : memref<1x80xi32, #tpu.memory_space<vmem>> -> memref<80xi32, #tpu.memory_space<vmem>>
    %dma_start3A_47 = arith.constant 0 : i32
    %dma_start3A_48 = arith.constant 0 : i32
    %dma_start3A_49 = tpu.memref_slice %arg2[%dma_start3A_47, %dma_start3A_48] : memref<10240x128xbf16, #tpu.memory_space<hbm>> -> memref<10240x128xbf16, #tpu.memory_space<hbm>>
    tpu.enqueue_indirect_dma source(%dma_start3A_49 : memref<10240x128xbf16, #tpu.memory_space<hbm>>) target(%dma_start3A_43 : memref<80x128xbf16, #tpu.memory_space<vmem>>) offsets(%dma_start3A_46 : memref<80xi32, #tpu.memory_space<vmem>>) semaphore(%arg13 : memref<!tpu.dma_semaphore, #tpu.memory_space<semaphore_mem>>)
    %dma_start3A_50 = arith.constant 4 : i32
    %dma_start3A_51 = arith.constant 4 : i32
    %dma_start3A_52 = arith.constant 0 : i32
    %dma_start3A_53 = arith.constant 0 : i32
    %dma_start3A_54 = tpu.memref_slice %arg8[%dma_start3A_51, %dma_start3A_52, %dma_start3A_53] : memref<5x80x128xbf16, #tpu.memory_space<vmem>> -> memref<1x80x128xbf16, #tpu.memory_space<vmem>>
    %dma_start3A_55 = tpu.memref_squeeze %dma_start3A_54 : memref<1x80x128xbf16, #tpu.memory_space<vmem>> -> memref<80x128xbf16, #tpu.memory_space<vmem>>
    %dma_start3A_56 = arith.constant 0 : i32
    %dma_start3A_57 = tpu.memref_slice %arg6[%dma_start3A_50, %dma_start3A_56] : memref<125x80xi32, #tpu.memory_space<vmem>> -> memref<1x80xi32, #tpu.memory_space<vmem>>
    %dma_start3A_58 = tpu.memref_squeeze %dma_start3A_57 : memref<1x80xi32, #tpu.memory_space<vmem>> -> memref<80xi32, #tpu.memory_space<vmem>>
    %dma_start3A_59 = arith.constant 0 : i32
    %dma_start3A_60 = arith.constant 0 : i32
    %dma_start3A_61 = tpu.memref_slice %arg2[%dma_start3A_59, %dma_start3A_60] : memref<10240x128xbf16, #tpu.memory_space<hbm>> -> memref<10240x128xbf16, #tpu.memory_space<hbm>>
    tpu.enqueue_indirect_dma source(%dma_start3A_61 : memref<10240x128xbf16, #tpu.memory_space<hbm>>) target(%dma_start3A_55 : memref<80x128xbf16, #tpu.memory_space<vmem>>) offsets(%dma_start3A_58 : memref<80xi32, #tpu.memory_space<vmem>>) semaphore(%arg14 : memref<!tpu.dma_semaphore, #tpu.memory_space<semaphore_mem>>)
    %scan3A = arith.constant 0 : i32
    %scan3A_62 = arith.constant 0 : i32
    %scan3A_63 = arith.constant 25 : i32
    %scan3A_64 = arith.addi %scan3A_62, %scan3A_63 : i32
    %scan3A_65 = arith.constant 1 : i32
    scf.for %scan3A_68 = %scan3A_62 to %scan3A_64 step %scan3A_65  : i32 {
      %mul3A_69 = arith.constant 5 : i32
      %mul3A_70 = arith.muli %scan3A_68, %mul3A_69 : i32
      %add3A_71 = arith.constant 0 : i32
      %add3A_72 = arith.addi %mul3A_70, %add3A_71 : i32
      %dma_wait3A = arith.constant 0 : i32
      %dma_wait3A_73 = arith.constant 0 : i32
      %dma_wait3A_74 = arith.constant 0 : i32
      %dma_wait3A_75 = tpu.memref_slice %arg8[%dma_wait3A, %dma_wait3A_73, %dma_wait3A_74] : memref<5x80x128xbf16, #tpu.memory_space<vmem>> -> memref<1x80x128xbf16, #tpu.memory_space<vmem>>
      %dma_wait3A_76 = tpu.memref_squeeze %dma_wait3A_75 : memref<1x80x128xbf16, #tpu.memory_space<vmem>> -> memref<80x128xbf16, #tpu.memory_space<vmem>>
      %dma_wait3A_77 = arith.constant 0 : i32
      %dma_wait3A_78 = tpu.memref_slice %arg6[%add3A_72, %dma_wait3A_77] : memref<125x80xi32, #tpu.memory_space<vmem>> -> memref<1x80xi32, #tpu.memory_space<vmem>>
      %dma_wait3A_79 = tpu.memref_squeeze %dma_wait3A_78 : memref<1x80xi32, #tpu.memory_space<vmem>> -> memref<80xi32, #tpu.memory_space<vmem>>
      %dma_wait3A_80 = arith.constant 0 : i32
      %dma_wait3A_81 = arith.constant 0 : i32
      %dma_wait3A_82 = tpu.memref_slice %arg2[%dma_wait3A_80, %dma_wait3A_81] : memref<10240x128xbf16, #tpu.memory_space<hbm>> -> memref<10240x128xbf16, #tpu.memory_space<hbm>>
      tpu.wait_indirect_dma semaphore(%arg10 : memref<!tpu.dma_semaphore, #tpu.memory_space<semaphore_mem>>) src(%dma_wait3A_82 : memref<10240x128xbf16, #tpu.memory_space<hbm>>) dst(%dma_wait3A_76 : memref<80x128xbf16, #tpu.memory_space<vmem>>)
      %run_scoped3A = arith.constant 0 : i32
      "tpu.region"() ({
        %run_scoped3A_169 = tpu.sem_alloc : memref<!tpu.dma_semaphore, #tpu.memory_space<semaphore_mem>>
        %dma_start3A_170 = arith.constant 0 : i32
        %dma_start3A_171 = arith.constant 0 : i32
        %dma_start3A_172 = tpu.memref_slice %arg8[%run_scoped3A, %dma_start3A_170, %dma_start3A_171] : memref<5x80x128xbf16, #tpu.memory_space<vmem>> -> memref<1x80x128xbf16, #tpu.memory_space<vmem>>
        %dma_start3A_173 = tpu.memref_squeeze %dma_start3A_172 : memref<1x80x128xbf16, #tpu.memory_space<vmem>> -> memref<80x128xbf16, #tpu.memory_space<vmem>>
        %dma_start3A_174 = arith.constant 0 : i32
        %dma_start3A_175 = tpu.memref_slice %arg7[%add3A_72, %dma_start3A_174] : memref<125x80xi32, #tpu.memory_space<vmem>> -> memref<1x80xi32, #tpu.memory_space<vmem>>
        %dma_start3A_176 = tpu.memref_squeeze %dma_start3A_175 : memref<1x80xi32, #tpu.memory_space<vmem>> -> memref<80xi32, #tpu.memory_space<vmem>>
        %dma_start3A_177 = arith.constant 0 : i32
        %dma_start3A_178 = arith.constant 0 : i32
        %dma_start3A_179 = tpu.memref_slice %arg9[%dma_start3A_177, %dma_start3A_178] : memref<10240x128xbf16, #tpu.memory_space<vmem_shared>> -> memref<10240x128xbf16, #tpu.memory_space<vmem_shared>>
        tpu.enqueue_indirect_dma source(%dma_start3A_173 : memref<80x128xbf16, #tpu.memory_space<vmem>>) target(%dma_start3A_179 : memref<10240x128xbf16, #tpu.memory_space<vmem_shared>>) offsets(%dma_start3A_176 : memref<80xi32, #tpu.memory_space<vmem>>) semaphore(%run_scoped3A_169 : memref<!tpu.dma_semaphore, #tpu.memory_space<semaphore_mem>>) {add = true}
        %dma_wait3A_180 = arith.constant 0 : i32
        %dma_wait3A_181 = arith.constant 0 : i32
        %dma_wait3A_182 = tpu.memref_slice %arg8[%run_scoped3A, %dma_wait3A_180, %dma_wait3A_181] : memref<5x80x128xbf16, #tpu.memory_space<vmem>> -> memref<1x80x128xbf16, #tpu.memory_space<vmem>>
        %dma_wait3A_183 = tpu.memref_squeeze %dma_wait3A_182 : memref<1x80x128xbf16, #tpu.memory_space<vmem>> -> memref<80x128xbf16, #tpu.memory_space<vmem>>
        %dma_wait3A_184 = arith.constant 0 : i32
        %dma_wait3A_185 = tpu.memref_slice %arg7[%add3A_72, %dma_wait3A_184] : memref<125x80xi32, #tpu.memory_space<vmem>> -> memref<1x80xi32, #tpu.memory_space<vmem>>
        %dma_wait3A_186 = tpu.memref_squeeze %dma_wait3A_185 : memref<1x80xi32, #tpu.memory_space<vmem>> -> memref<80xi32, #tpu.memory_space<vmem>>
        %dma_wait3A_187 = arith.constant 0 : i32
        %dma_wait3A_188 = arith.constant 0 : i32
        %dma_wait3A_189 = tpu.memref_slice %arg9[%dma_wait3A_187, %dma_wait3A_188] : memref<10240x128xbf16, #tpu.memory_space<vmem_shared>> -> memref<10240x128xbf16, #tpu.memory_space<vmem_shared>>
        tpu.wait_indirect_dma semaphore(%run_scoped3A_169 : memref<!tpu.dma_semaphore, #tpu.memory_space<semaphore_mem>>) src(%dma_wait3A_183 : memref<80x128xbf16, #tpu.memory_space<vmem>>) dst(%dma_wait3A_189 : memref<10240x128xbf16, #tpu.memory_space<vmem_shared>>)
        tpu.yield
      }) : () -> ()
      %lt3A = arith.constant 24 : i32
      %lt3A_83 = arith.cmpi slt, %scan3A_68, %lt3A : i32
      %convert_element_type3A = arith.extui %lt3A_83 : i1 to i32
      %cond3A = arith.constant 0 : i32
      %cond3A_84 = arith.cmpi ne, %convert_element_type3A, %cond3A : i32
      scf.if %cond3A_84 {
        %add3A_169 = arith.constant 5 : i32
        %add3A_170 = arith.addi %add3A_72, %add3A_169 : i32
        %dma_start3A_171 = arith.constant 0 : i32
        %dma_start3A_172 = arith.constant 0 : i32
        %dma_start3A_173 = arith.constant 0 : i32
        %dma_start3A_174 = tpu.memref_slice %arg8[%dma_start3A_171, %dma_start3A_172, %dma_start3A_173] : memref<5x80x128xbf16, #tpu.memory_space<vmem>> -> memref<1x80x128xbf16, #tpu.memory_space<vmem>>
        %dma_start3A_175 = tpu.memref_squeeze %dma_start3A_174 : memref<1x80x128xbf16, #tpu.memory_space<vmem>> -> memref<80x128xbf16, #tpu.memory_space<vmem>>
        %dma_start3A_176 = arith.constant 0 : i32
        %dma_start3A_177 = tpu.memref_slice %arg6[%add3A_170, %dma_start3A_176] : memref<125x80xi32, #tpu.memory_space<vmem>> -> memref<1x80xi32, #tpu.memory_space<vmem>>
        %dma_start3A_178 = tpu.memref_squeeze %dma_start3A_177 : memref<1x80xi32, #tpu.memory_space<vmem>> -> memref<80xi32, #tpu.memory_space<vmem>>
        %dma_start3A_179 = arith.constant 0 : i32
        %dma_start3A_180 = arith.constant 0 : i32
        %dma_start3A_181 = tpu.memref_slice %arg2[%dma_start3A_179, %dma_start3A_180] : memref<10240x128xbf16, #tpu.memory_space<hbm>> -> memref<10240x128xbf16, #tpu.memory_space<hbm>>
        tpu.enqueue_indirect_dma source(%dma_start3A_181 : memref<10240x128xbf16, #tpu.memory_space<hbm>>) target(%dma_start3A_175 : memref<80x128xbf16, #tpu.memory_space<vmem>>) offsets(%dma_start3A_178 : memref<80xi32, #tpu.memory_space<vmem>>) semaphore(%arg10 : memref<!tpu.dma_semaphore, #tpu.memory_space<semaphore_mem>>)
      } else {
      }
      %mul3A_85 = arith.constant 5 : i32
      %mul3A_86 = arith.muli %scan3A_68, %mul3A_85 : i32
      %add3A_87 = arith.constant 1 : i32
      %add3A_88 = arith.addi %mul3A_86, %add3A_87 : i32
      %dma_wait3A_89 = arith.constant 1 : i32
      %dma_wait3A_90 = arith.constant 0 : i32
      %dma_wait3A_91 = arith.constant 0 : i32
      %dma_wait3A_92 = tpu.memref_slice %arg8[%dma_wait3A_89, %dma_wait3A_90, %dma_wait3A_91] : memref<5x80x128xbf16, #tpu.memory_space<vmem>> -> memref<1x80x128xbf16, #tpu.memory_space<vmem>>
      %dma_wait3A_93 = tpu.memref_squeeze %dma_wait3A_92 : memref<1x80x128xbf16, #tpu.memory_space<vmem>> -> memref<80x128xbf16, #tpu.memory_space<vmem>>
      %dma_wait3A_94 = arith.constant 0 : i32
      %dma_wait3A_95 = tpu.memref_slice %arg6[%add3A_88, %dma_wait3A_94] : memref<125x80xi32, #tpu.memory_space<vmem>> -> memref<1x80xi32, #tpu.memory_space<vmem>>
      %dma_wait3A_96 = tpu.memref_squeeze %dma_wait3A_95 : memref<1x80xi32, #tpu.memory_space<vmem>> -> memref<80xi32, #tpu.memory_space<vmem>>
      %dma_wait3A_97 = arith.constant 0 : i32
      %dma_wait3A_98 = arith.constant 0 : i32
      %dma_wait3A_99 = tpu.memref_slice %arg2[%dma_wait3A_97, %dma_wait3A_98] : memref<10240x128xbf16, #tpu.memory_space<hbm>> -> memref<10240x128xbf16, #tpu.memory_space<hbm>>
      tpu.wait_indirect_dma semaphore(%arg11 : memref<!tpu.dma_semaphore, #tpu.memory_space<semaphore_mem>>) src(%dma_wait3A_99 : memref<10240x128xbf16, #tpu.memory_space<hbm>>) dst(%dma_wait3A_93 : memref<80x128xbf16, #tpu.memory_space<vmem>>)
      %run_scoped3A_100 = arith.constant 1 : i32
      "tpu.region"() ({
        %run_scoped3A_169 = tpu.sem_alloc : memref<!tpu.dma_semaphore, #tpu.memory_space<semaphore_mem>>
        %dma_start3A_170 = arith.constant 0 : i32
        %dma_start3A_171 = arith.constant 0 : i32
        %dma_start3A_172 = tpu.memref_slice %arg8[%run_scoped3A_100, %dma_start3A_170, %dma_start3A_171] : memref<5x80x128xbf16, #tpu.memory_space<vmem>> -> memref<1x80x128xbf16, #tpu.memory_space<vmem>>
        %dma_start3A_173 = tpu.memref_squeeze %dma_start3A_172 : memref<1x80x128xbf16, #tpu.memory_space<vmem>> -> memref<80x128xbf16, #tpu.memory_space<vmem>>
        %dma_start3A_174 = arith.constant 0 : i32
        %dma_start3A_175 = tpu.memref_slice %arg7[%add3A_88, %dma_start3A_174] : memref<125x80xi32, #tpu.memory_space<vmem>> -> memref<1x80xi32, #tpu.memory_space<vmem>>
        %dma_start3A_176 = tpu.memref_squeeze %dma_start3A_175 : memref<1x80xi32, #tpu.memory_space<vmem>> -> memref<80xi32, #tpu.memory_space<vmem>>
        %dma_start3A_177 = arith.constant 0 : i32
        %dma_start3A_178 = arith.constant 0 : i32
        %dma_start3A_179 = tpu.memref_slice %arg9[%dma_start3A_177, %dma_start3A_178] : memref<10240x128xbf16, #tpu.memory_space<vmem_shared>> -> memref<10240x128xbf16, #tpu.memory_space<vmem_shared>>
        tpu.enqueue_indirect_dma source(%dma_start3A_173 : memref<80x128xbf16, #tpu.memory_space<vmem>>) target(%dma_start3A_179 : memref<10240x128xbf16, #tpu.memory_space<vmem_shared>>) offsets(%dma_start3A_176 : memref<80xi32, #tpu.memory_space<vmem>>) semaphore(%run_scoped3A_169 : memref<!tpu.dma_semaphore, #tpu.memory_space<semaphore_mem>>) {add = true}
        %dma_wait3A_180 = arith.constant 0 : i32
        %dma_wait3A_181 = arith.constant 0 : i32
        %dma_wait3A_182 = tpu.memref_slice %arg8[%run_scoped3A_100, %dma_wait3A_180, %dma_wait3A_181] : memref<5x80x128xbf16, #tpu.memory_space<vmem>> -> memref<1x80x128xbf16, #tpu.memory_space<vmem>>
        %dma_wait3A_183 = tpu.memref_squeeze %dma_wait3A_182 : memref<1x80x128xbf16, #tpu.memory_space<vmem>> -> memref<80x128xbf16, #tpu.memory_space<vmem>>
        %dma_wait3A_184 = arith.constant 0 : i32
        %dma_wait3A_185 = tpu.memref_slice %arg7[%add3A_88, %dma_wait3A_184] : memref<125x80xi32, #tpu.memory_space<vmem>> -> memref<1x80xi32, #tpu.memory_space<vmem>>
        %dma_wait3A_186 = tpu.memref_squeeze %dma_wait3A_185 : memref<1x80xi32, #tpu.memory_space<vmem>> -> memref<80xi32, #tpu.memory_space<vmem>>
        %dma_wait3A_187 = arith.constant 0 : i32
        %dma_wait3A_188 = arith.constant 0 : i32
        %dma_wait3A_189 = tpu.memref_slice %arg9[%dma_wait3A_187, %dma_wait3A_188] : memref<10240x128xbf16, #tpu.memory_space<vmem_shared>> -> memref<10240x128xbf16, #tpu.memory_space<vmem_shared>>
        tpu.wait_indirect_dma semaphore(%run_scoped3A_169 : memref<!tpu.dma_semaphore, #tpu.memory_space<semaphore_mem>>) src(%dma_wait3A_183 : memref<80x128xbf16, #tpu.memory_space<vmem>>) dst(%dma_wait3A_189 : memref<10240x128xbf16, #tpu.memory_space<vmem_shared>>)
        tpu.yield
      }) : () -> ()
      %lt3A_101 = arith.constant 24 : i32
      %lt3A_102 = arith.cmpi slt, %scan3A_68, %lt3A_101 : i32
      %convert_element_type3A_103 = arith.extui %lt3A_102 : i1 to i32
      %cond3A_104 = arith.constant 0 : i32
      %cond3A_105 = arith.cmpi ne, %convert_element_type3A_103, %cond3A_104 : i32
      scf.if %cond3A_105 {
        %add3A_169 = arith.constant 5 : i32
        %add3A_170 = arith.addi %add3A_88, %add3A_169 : i32
        %dma_start3A_171 = arith.constant 1 : i32
        %dma_start3A_172 = arith.constant 0 : i32
        %dma_start3A_173 = arith.constant 0 : i32
        %dma_start3A_174 = tpu.memref_slice %arg8[%dma_start3A_171, %dma_start3A_172, %dma_start3A_173] : memref<5x80x128xbf16, #tpu.memory_space<vmem>> -> memref<1x80x128xbf16, #tpu.memory_space<vmem>>
        %dma_start3A_175 = tpu.memref_squeeze %dma_start3A_174 : memref<1x80x128xbf16, #tpu.memory_space<vmem>> -> memref<80x128xbf16, #tpu.memory_space<vmem>>
        %dma_start3A_176 = arith.constant 0 : i32
        %dma_start3A_177 = tpu.memref_slice %arg6[%add3A_170, %dma_start3A_176] : memref<125x80xi32, #tpu.memory_space<vmem>> -> memref<1x80xi32, #tpu.memory_space<vmem>>
        %dma_start3A_178 = tpu.memref_squeeze %dma_start3A_177 : memref<1x80xi32, #tpu.memory_space<vmem>> -> memref<80xi32, #tpu.memory_space<vmem>>
        %dma_start3A_179 = arith.constant 0 : i32
        %dma_start3A_180 = arith.constant 0 : i32
        %dma_start3A_181 = tpu.memref_slice %arg2[%dma_start3A_179, %dma_start3A_180] : memref<10240x128xbf16, #tpu.memory_space<hbm>> -> memref<10240x128xbf16, #tpu.memory_space<hbm>>
        tpu.enqueue_indirect_dma source(%dma_start3A_181 : memref<10240x128xbf16, #tpu.memory_space<hbm>>) target(%dma_start3A_175 : memref<80x128xbf16, #tpu.memory_space<vmem>>) offsets(%dma_start3A_178 : memref<80xi32, #tpu.memory_space<vmem>>) semaphore(%arg11 : memref<!tpu.dma_semaphore, #tpu.memory_space<semaphore_mem>>)
      } else {
      }
      %mul3A_106 = arith.constant 5 : i32
      %mul3A_107 = arith.muli %scan3A_68, %mul3A_106 : i32
      %add3A_108 = arith.constant 2 : i32
      %add3A_109 = arith.addi %mul3A_107, %add3A_108 : i32
      %dma_wait3A_110 = arith.constant 2 : i32
      %dma_wait3A_111 = arith.constant 0 : i32
      %dma_wait3A_112 = arith.constant 0 : i32
      %dma_wait3A_113 = tpu.memref_slice %arg8[%dma_wait3A_110, %dma_wait3A_111, %dma_wait3A_112] : memref<5x80x128xbf16, #tpu.memory_space<vmem>> -> memref<1x80x128xbf16, #tpu.memory_space<vmem>>
      %dma_wait3A_114 = tpu.memref_squeeze %dma_wait3A_113 : memref<1x80x128xbf16, #tpu.memory_space<vmem>> -> memref<80x128xbf16, #tpu.memory_space<vmem>>
      %dma_wait3A_115 = arith.constant 0 : i32
      %dma_wait3A_116 = tpu.memref_slice %arg6[%add3A_109, %dma_wait3A_115] : memref<125x80xi32, #tpu.memory_space<vmem>> -> memref<1x80xi32, #tpu.memory_space<vmem>>
      %dma_wait3A_117 = tpu.memref_squeeze %dma_wait3A_116 : memref<1x80xi32, #tpu.memory_space<vmem>> -> memref<80xi32, #tpu.memory_space<vmem>>
      %dma_wait3A_118 = arith.constant 0 : i32
      %dma_wait3A_119 = arith.constant 0 : i32
      %dma_wait3A_120 = tpu.memref_slice %arg2[%dma_wait3A_118, %dma_wait3A_119] : memref<10240x128xbf16, #tpu.memory_space<hbm>> -> memref<10240x128xbf16, #tpu.memory_space<hbm>>
      tpu.wait_indirect_dma semaphore(%arg12 : memref<!tpu.dma_semaphore, #tpu.memory_space<semaphore_mem>>) src(%dma_wait3A_120 : memref<10240x128xbf16, #tpu.memory_space<hbm>>) dst(%dma_wait3A_114 : memref<80x128xbf16, #tpu.memory_space<vmem>>)
      %run_scoped3A_121 = arith.constant 2 : i32
      "tpu.region"() ({
        %run_scoped3A_169 = tpu.sem_alloc : memref<!tpu.dma_semaphore, #tpu.memory_space<semaphore_mem>>
        %dma_start3A_170 = arith.constant 0 : i32
        %dma_start3A_171 = arith.constant 0 : i32
        %dma_start3A_172 = tpu.memref_slice %arg8[%run_scoped3A_121, %dma_start3A_170, %dma_start3A_171] : memref<5x80x128xbf16, #tpu.memory_space<vmem>> -> memref<1x80x128xbf16, #tpu.memory_space<vmem>>
        %dma_start3A_173 = tpu.memref_squeeze %dma_start3A_172 : memref<1x80x128xbf16, #tpu.memory_space<vmem>> -> memref<80x128xbf16, #tpu.memory_space<vmem>>
        %dma_start3A_174 = arith.constant 0 : i32
        %dma_start3A_175 = tpu.memref_slice %arg7[%add3A_109, %dma_start3A_174] : memref<125x80xi32, #tpu.memory_space<vmem>> -> memref<1x80xi32, #tpu.memory_space<vmem>>
        %dma_start3A_176 = tpu.memref_squeeze %dma_start3A_175 : memref<1x80xi32, #tpu.memory_space<vmem>> -> memref<80xi32, #tpu.memory_space<vmem>>
        %dma_start3A_177 = arith.constant 0 : i32
        %dma_start3A_178 = arith.constant 0 : i32
        %dma_start3A_179 = tpu.memref_slice %arg9[%dma_start3A_177, %dma_start3A_178] : memref<10240x128xbf16, #tpu.memory_space<vmem_shared>> -> memref<10240x128xbf16, #tpu.memory_space<vmem_shared>>
        tpu.enqueue_indirect_dma source(%dma_start3A_173 : memref<80x128xbf16, #tpu.memory_space<vmem>>) target(%dma_start3A_179 : memref<10240x128xbf16, #tpu.memory_space<vmem_shared>>) offsets(%dma_start3A_176 : memref<80xi32, #tpu.memory_space<vmem>>) semaphore(%run_scoped3A_169 : memref<!tpu.dma_semaphore, #tpu.memory_space<semaphore_mem>>) {add = true}
        %dma_wait3A_180 = arith.constant 0 : i32
        %dma_wait3A_181 = arith.constant 0 : i32
        %dma_wait3A_182 = tpu.memref_slice %arg8[%run_scoped3A_121, %dma_wait3A_180, %dma_wait3A_181] : memref<5x80x128xbf16, #tpu.memory_space<vmem>> -> memref<1x80x128xbf16, #tpu.memory_space<vmem>>
        %dma_wait3A_183 = tpu.memref_squeeze %dma_wait3A_182 : memref<1x80x128xbf16, #tpu.memory_space<vmem>> -> memref<80x128xbf16, #tpu.memory_space<vmem>>
        %dma_wait3A_184 = arith.constant 0 : i32
        %dma_wait3A_185 = tpu.memref_slice %arg7[%add3A_109, %dma_wait3A_184] : memref<125x80xi32, #tpu.memory_space<vmem>> -> memref<1x80xi32, #tpu.memory_space<vmem>>
        %dma_wait3A_186 = tpu.memref_squeeze %dma_wait3A_185 : memref<1x80xi32, #tpu.memory_space<vmem>> -> memref<80xi32, #tpu.memory_space<vmem>>
        %dma_wait3A_187 = arith.constant 0 : i32
        %dma_wait3A_188 = arith.constant 0 : i32
        %dma_wait3A_189 = tpu.memref_slice %arg9[%dma_wait3A_187, %dma_wait3A_188] : memref<10240x128xbf16, #tpu.memory_space<vmem_shared>> -> memref<10240x128xbf16, #tpu.memory_space<vmem_shared>>
        tpu.wait_indirect_dma semaphore(%run_scoped3A_169 : memref<!tpu.dma_semaphore, #tpu.memory_space<semaphore_mem>>) src(%dma_wait3A_183 : memref<80x128xbf16, #tpu.memory_space<vmem>>) dst(%dma_wait3A_189 : memref<10240x128xbf16, #tpu.memory_space<vmem_shared>>)
        tpu.yield
      }) : () -> ()
      %lt3A_122 = arith.constant 24 : i32
      %lt3A_123 = arith.cmpi slt, %scan3A_68, %lt3A_122 : i32
      %convert_element_type3A_124 = arith.extui %lt3A_123 : i1 to i32
      %cond3A_125 = arith.constant 0 : i32
      %cond3A_126 = arith.cmpi ne, %convert_element_type3A_124, %cond3A_125 : i32
      scf.if %cond3A_126 {
        %add3A_169 = arith.constant 5 : i32
        %add3A_170 = arith.addi %add3A_109, %add3A_169 : i32
        %dma_start3A_171 = arith.constant 2 : i32
        %dma_start3A_172 = arith.constant 0 : i32
        %dma_start3A_173 = arith.constant 0 : i32
        %dma_start3A_174 = tpu.memref_slice %arg8[%dma_start3A_171, %dma_start3A_172, %dma_start3A_173] : memref<5x80x128xbf16, #tpu.memory_space<vmem>> -> memref<1x80x128xbf16, #tpu.memory_space<vmem>>
        %dma_start3A_175 = tpu.memref_squeeze %dma_start3A_174 : memref<1x80x128xbf16, #tpu.memory_space<vmem>> -> memref<80x128xbf16, #tpu.memory_space<vmem>>
        %dma_start3A_176 = arith.constant 0 : i32
        %dma_start3A_177 = tpu.memref_slice %arg6[%add3A_170, %dma_start3A_176] : memref<125x80xi32, #tpu.memory_space<vmem>> -> memref<1x80xi32, #tpu.memory_space<vmem>>
        %dma_start3A_178 = tpu.memref_squeeze %dma_start3A_177 : memref<1x80xi32, #tpu.memory_space<vmem>> -> memref<80xi32, #tpu.memory_space<vmem>>
        %dma_start3A_179 = arith.constant 0 : i32
        %dma_start3A_180 = arith.constant 0 : i32
        %dma_start3A_181 = tpu.memref_slice %arg2[%dma_start3A_179, %dma_start3A_180] : memref<10240x128xbf16, #tpu.memory_space<hbm>> -> memref<10240x128xbf16, #tpu.memory_space<hbm>>
        tpu.enqueue_indirect_dma source(%dma_start3A_181 : memref<10240x128xbf16, #tpu.memory_space<hbm>>) target(%dma_start3A_175 : memref<80x128xbf16, #tpu.memory_space<vmem>>) offsets(%dma_start3A_178 : memref<80xi32, #tpu.memory_space<vmem>>) semaphore(%arg12 : memref<!tpu.dma_semaphore, #tpu.memory_space<semaphore_mem>>)
      } else {
      }
      %mul3A_127 = arith.constant 5 : i32
      %mul3A_128 = arith.muli %scan3A_68, %mul3A_127 : i32
      %add3A_129 = arith.constant 3 : i32
      %add3A_130 = arith.addi %mul3A_128, %add3A_129 : i32
      %dma_wait3A_131 = arith.constant 3 : i32
      %dma_wait3A_132 = arith.constant 0 : i32
      %dma_wait3A_133 = arith.constant 0 : i32
      %dma_wait3A_134 = tpu.memref_slice %arg8[%dma_wait3A_131, %dma_wait3A_132, %dma_wait3A_133] : memref<5x80x128xbf16, #tpu.memory_space<vmem>> -> memref<1x80x128xbf16, #tpu.memory_space<vmem>>
      %dma_wait3A_135 = tpu.memref_squeeze %dma_wait3A_134 : memref<1x80x128xbf16, #tpu.memory_space<vmem>> -> memref<80x128xbf16, #tpu.memory_space<vmem>>
      %dma_wait3A_136 = arith.constant 0 : i32
      %dma_wait3A_137 = tpu.memref_slice %arg6[%add3A_130, %dma_wait3A_136] : memref<125x80xi32, #tpu.memory_space<vmem>> -> memref<1x80xi32, #tpu.memory_space<vmem>>
      %dma_wait3A_138 = tpu.memref_squeeze %dma_wait3A_137 : memref<1x80xi32, #tpu.memory_space<vmem>> -> memref<80xi32, #tpu.memory_space<vmem>>
      %dma_wait3A_139 = arith.constant 0 : i32
      %dma_wait3A_140 = arith.constant 0 : i32
      %dma_wait3A_141 = tpu.memref_slice %arg2[%dma_wait3A_139, %dma_wait3A_140] : memref<10240x128xbf16, #tpu.memory_space<hbm>> -> memref<10240x128xbf16, #tpu.memory_space<hbm>>
      tpu.wait_indirect_dma semaphore(%arg13 : memref<!tpu.dma_semaphore, #tpu.memory_space<semaphore_mem>>) src(%dma_wait3A_141 : memref<10240x128xbf16, #tpu.memory_space<hbm>>) dst(%dma_wait3A_135 : memref<80x128xbf16, #tpu.memory_space<vmem>>)
      %run_scoped3A_142 = arith.constant 3 : i32
      "tpu.region"() ({
        %run_scoped3A_169 = tpu.sem_alloc : memref<!tpu.dma_semaphore, #tpu.memory_space<semaphore_mem>>
        %dma_start3A_170 = arith.constant 0 : i32
        %dma_start3A_171 = arith.constant 0 : i32
        %dma_start3A_172 = tpu.memref_slice %arg8[%run_scoped3A_142, %dma_start3A_170, %dma_start3A_171] : memref<5x80x128xbf16, #tpu.memory_space<vmem>> -> memref<1x80x128xbf16, #tpu.memory_space<vmem>>
        %dma_start3A_173 = tpu.memref_squeeze %dma_start3A_172 : memref<1x80x128xbf16, #tpu.memory_space<vmem>> -> memref<80x128xbf16, #tpu.memory_space<vmem>>
        %dma_start3A_174 = arith.constant 0 : i32
        %dma_start3A_175 = tpu.memref_slice %arg7[%add3A_130, %dma_start3A_174] : memref<125x80xi32, #tpu.memory_space<vmem>> -> memref<1x80xi32, #tpu.memory_space<vmem>>
        %dma_start3A_176 = tpu.memref_squeeze %dma_start3A_175 : memref<1x80xi32, #tpu.memory_space<vmem>> -> memref<80xi32, #tpu.memory_space<vmem>>
        %dma_start3A_177 = arith.constant 0 : i32
        %dma_start3A_178 = arith.constant 0 : i32
        %dma_start3A_179 = tpu.memref_slice %arg9[%dma_start3A_177, %dma_start3A_178] : memref<10240x128xbf16, #tpu.memory_space<vmem_shared>> -> memref<10240x128xbf16, #tpu.memory_space<vmem_shared>>
        tpu.enqueue_indirect_dma source(%dma_start3A_173 : memref<80x128xbf16, #tpu.memory_space<vmem>>) target(%dma_start3A_179 : memref<10240x128xbf16, #tpu.memory_space<vmem_shared>>) offsets(%dma_start3A_176 : memref<80xi32, #tpu.memory_space<vmem>>) semaphore(%run_scoped3A_169 : memref<!tpu.dma_semaphore, #tpu.memory_space<semaphore_mem>>) {add = true}
        %dma_wait3A_180 = arith.constant 0 : i32
        %dma_wait3A_181 = arith.constant 0 : i32
        %dma_wait3A_182 = tpu.memref_slice %arg8[%run_scoped3A_142, %dma_wait3A_180, %dma_wait3A_181] : memref<5x80x128xbf16, #tpu.memory_space<vmem>> -> memref<1x80x128xbf16, #tpu.memory_space<vmem>>
        %dma_wait3A_183 = tpu.memref_squeeze %dma_wait3A_182 : memref<1x80x128xbf16, #tpu.memory_space<vmem>> -> memref<80x128xbf16, #tpu.memory_space<vmem>>
        %dma_wait3A_184 = arith.constant 0 : i32
        %dma_wait3A_185 = tpu.memref_slice %arg7[%add3A_130, %dma_wait3A_184] : memref<125x80xi32, #tpu.memory_space<vmem>> -> memref<1x80xi32, #tpu.memory_space<vmem>>
        %dma_wait3A_186 = tpu.memref_squeeze %dma_wait3A_185 : memref<1x80xi32, #tpu.memory_space<vmem>> -> memref<80xi32, #tpu.memory_space<vmem>>
        %dma_wait3A_187 = arith.constant 0 : i32
        %dma_wait3A_188 = arith.constant 0 : i32
        %dma_wait3A_189 = tpu.memref_slice %arg9[%dma_wait3A_187, %dma_wait3A_188] : memref<10240x128xbf16, #tpu.memory_space<vmem_shared>> -> memref<10240x128xbf16, #tpu.memory_space<vmem_shared>>
        tpu.wait_indirect_dma semaphore(%run_scoped3A_169 : memref<!tpu.dma_semaphore, #tpu.memory_space<semaphore_mem>>) src(%dma_wait3A_183 : memref<80x128xbf16, #tpu.memory_space<vmem>>) dst(%dma_wait3A_189 : memref<10240x128xbf16, #tpu.memory_space<vmem_shared>>)
        tpu.yield
      }) : () -> ()
      %lt3A_143 = arith.constant 24 : i32
      %lt3A_144 = arith.cmpi slt, %scan3A_68, %lt3A_143 : i32
      %convert_element_type3A_145 = arith.extui %lt3A_144 : i1 to i32
      %cond3A_146 = arith.constant 0 : i32
      %cond3A_147 = arith.cmpi ne, %convert_element_type3A_145, %cond3A_146 : i32
      scf.if %cond3A_147 {
        %add3A_169 = arith.constant 5 : i32
        %add3A_170 = arith.addi %add3A_130, %add3A_169 : i32
        %dma_start3A_171 = arith.constant 3 : i32
        %dma_start3A_172 = arith.constant 0 : i32
        %dma_start3A_173 = arith.constant 0 : i32
        %dma_start3A_174 = tpu.memref_slice %arg8[%dma_start3A_171, %dma_start3A_172, %dma_start3A_173] : memref<5x80x128xbf16, #tpu.memory_space<vmem>> -> memref<1x80x128xbf16, #tpu.memory_space<vmem>>
        %dma_start3A_175 = tpu.memref_squeeze %dma_start3A_174 : memref<1x80x128xbf16, #tpu.memory_space<vmem>> -> memref<80x128xbf16, #tpu.memory_space<vmem>>
        %dma_start3A_176 = arith.constant 0 : i32
        %dma_start3A_177 = tpu.memref_slice %arg6[%add3A_170, %dma_start3A_176] : memref<125x80xi32, #tpu.memory_space<vmem>> -> memref<1x80xi32, #tpu.memory_space<vmem>>
        %dma_start3A_178 = tpu.memref_squeeze %dma_start3A_177 : memref<1x80xi32, #tpu.memory_space<vmem>> -> memref<80xi32, #tpu.memory_space<vmem>>
        %dma_start3A_179 = arith.constant 0 : i32
        %dma_start3A_180 = arith.constant 0 : i32
        %dma_start3A_181 = tpu.memref_slice %arg2[%dma_start3A_179, %dma_start3A_180] : memref<10240x128xbf16, #tpu.memory_space<hbm>> -> memref<10240x128xbf16, #tpu.memory_space<hbm>>
        tpu.enqueue_indirect_dma source(%dma_start3A_181 : memref<10240x128xbf16, #tpu.memory_space<hbm>>) target(%dma_start3A_175 : memref<80x128xbf16, #tpu.memory_space<vmem>>) offsets(%dma_start3A_178 : memref<80xi32, #tpu.memory_space<vmem>>) semaphore(%arg13 : memref<!tpu.dma_semaphore, #tpu.memory_space<semaphore_mem>>)
      } else {
      }
      %mul3A_148 = arith.constant 5 : i32
      %mul3A_149 = arith.muli %scan3A_68, %mul3A_148 : i32
      %add3A_150 = arith.constant 4 : i32
      %add3A_151 = arith.addi %mul3A_149, %add3A_150 : i32
      %dma_wait3A_152 = arith.constant 4 : i32
      %dma_wait3A_153 = arith.constant 0 : i32
      %dma_wait3A_154 = arith.constant 0 : i32
      %dma_wait3A_155 = tpu.memref_slice %arg8[%dma_wait3A_152, %dma_wait3A_153, %dma_wait3A_154] : memref<5x80x128xbf16, #tpu.memory_space<vmem>> -> memref<1x80x128xbf16, #tpu.memory_space<vmem>>
      %dma_wait3A_156 = tpu.memref_squeeze %dma_wait3A_155 : memref<1x80x128xbf16, #tpu.memory_space<vmem>> -> memref<80x128xbf16, #tpu.memory_space<vmem>>
      %dma_wait3A_157 = arith.constant 0 : i32
      %dma_wait3A_158 = tpu.memref_slice %arg6[%add3A_151, %dma_wait3A_157] : memref<125x80xi32, #tpu.memory_space<vmem>> -> memref<1x80xi32, #tpu.memory_space<vmem>>
      %dma_wait3A_159 = tpu.memref_squeeze %dma_wait3A_158 : memref<1x80xi32, #tpu.memory_space<vmem>> -> memref<80xi32, #tpu.memory_space<vmem>>
      %dma_wait3A_160 = arith.constant 0 : i32
      %dma_wait3A_161 = arith.constant 0 : i32
      %dma_wait3A_162 = tpu.memref_slice %arg2[%dma_wait3A_160, %dma_wait3A_161] : memref<10240x128xbf16, #tpu.memory_space<hbm>> -> memref<10240x128xbf16, #tpu.memory_space<hbm>>
      tpu.wait_indirect_dma semaphore(%arg14 : memref<!tpu.dma_semaphore, #tpu.memory_space<semaphore_mem>>) src(%dma_wait3A_162 : memref<10240x128xbf16, #tpu.memory_space<hbm>>) dst(%dma_wait3A_156 : memref<80x128xbf16, #tpu.memory_space<vmem>>)
      %run_scoped3A_163 = arith.constant 4 : i32
      "tpu.region"() ({
        %run_scoped3A_169 = tpu.sem_alloc : memref<!tpu.dma_semaphore, #tpu.memory_space<semaphore_mem>>
        %dma_start3A_170 = arith.constant 0 : i32
        %dma_start3A_171 = arith.constant 0 : i32
        %dma_start3A_172 = tpu.memref_slice %arg8[%run_scoped3A_163, %dma_start3A_170, %dma_start3A_171] : memref<5x80x128xbf16, #tpu.memory_space<vmem>> -> memref<1x80x128xbf16, #tpu.memory_space<vmem>>
        %dma_start3A_173 = tpu.memref_squeeze %dma_start3A_172 : memref<1x80x128xbf16, #tpu.memory_space<vmem>> -> memref<80x128xbf16, #tpu.memory_space<vmem>>
        %dma_start3A_174 = arith.constant 0 : i32
        %dma_start3A_175 = tpu.memref_slice %arg7[%add3A_151, %dma_start3A_174] : memref<125x80xi32, #tpu.memory_space<vmem>> -> memref<1x80xi32, #tpu.memory_space<vmem>>
        %dma_start3A_176 = tpu.memref_squeeze %dma_start3A_175 : memref<1x80xi32, #tpu.memory_space<vmem>> -> memref<80xi32, #tpu.memory_space<vmem>>
        %dma_start3A_177 = arith.constant 0 : i32
        %dma_start3A_178 = arith.constant 0 : i32
        %dma_start3A_179 = tpu.memref_slice %arg9[%dma_start3A_177, %dma_start3A_178] : memref<10240x128xbf16, #tpu.memory_space<vmem_shared>> -> memref<10240x128xbf16, #tpu.memory_space<vmem_shared>>
        tpu.enqueue_indirect_dma source(%dma_start3A_173 : memref<80x128xbf16, #tpu.memory_space<vmem>>) target(%dma_start3A_179 : memref<10240x128xbf16, #tpu.memory_space<vmem_shared>>) offsets(%dma_start3A_176 : memref<80xi32, #tpu.memory_space<vmem>>) semaphore(%run_scoped3A_169 : memref<!tpu.dma_semaphore, #tpu.memory_space<semaphore_mem>>) {add = true}
        %dma_wait3A_180 = arith.constant 0 : i32
        %dma_wait3A_181 = arith.constant 0 : i32
        %dma_wait3A_182 = tpu.memref_slice %arg8[%run_scoped3A_163, %dma_wait3A_180, %dma_wait3A_181] : memref<5x80x128xbf16, #tpu.memory_space<vmem>> -> memref<1x80x128xbf16, #tpu.memory_space<vmem>>
        %dma_wait3A_183 = tpu.memref_squeeze %dma_wait3A_182 : memref<1x80x128xbf16, #tpu.memory_space<vmem>> -> memref<80x128xbf16, #tpu.memory_space<vmem>>
        %dma_wait3A_184 = arith.constant 0 : i32
        %dma_wait3A_185 = tpu.memref_slice %arg7[%add3A_151, %dma_wait3A_184] : memref<125x80xi32, #tpu.memory_space<vmem>> -> memref<1x80xi32, #tpu.memory_space<vmem>>
        %dma_wait3A_186 = tpu.memref_squeeze %dma_wait3A_185 : memref<1x80xi32, #tpu.memory_space<vmem>> -> memref<80xi32, #tpu.memory_space<vmem>>
        %dma_wait3A_187 = arith.constant 0 : i32
        %dma_wait3A_188 = arith.constant 0 : i32
        %dma_wait3A_189 = tpu.memref_slice %arg9[%dma_wait3A_187, %dma_wait3A_188] : memref<10240x128xbf16, #tpu.memory_space<vmem_shared>> -> memref<10240x128xbf16, #tpu.memory_space<vmem_shared>>
        tpu.wait_indirect_dma semaphore(%run_scoped3A_169 : memref<!tpu.dma_semaphore, #tpu.memory_space<semaphore_mem>>) src(%dma_wait3A_183 : memref<80x128xbf16, #tpu.memory_space<vmem>>) dst(%dma_wait3A_189 : memref<10240x128xbf16, #tpu.memory_space<vmem_shared>>)
        tpu.yield
      }) : () -> ()
      %lt3A_164 = arith.constant 24 : i32
      %lt3A_165 = arith.cmpi slt, %scan3A_68, %lt3A_164 : i32
      %convert_element_type3A_166 = arith.extui %lt3A_165 : i1 to i32
      %cond3A_167 = arith.constant 0 : i32
      %cond3A_168 = arith.cmpi ne, %convert_element_type3A_166, %cond3A_167 : i32
      scf.if %cond3A_168 {
        %add3A_169 = arith.constant 5 : i32
        %add3A_170 = arith.addi %add3A_151, %add3A_169 : i32
        %dma_start3A_171 = arith.constant 4 : i32
        %dma_start3A_172 = arith.constant 0 : i32
        %dma_start3A_173 = arith.constant 0 : i32
        %dma_start3A_174 = tpu.memref_slice %arg8[%dma_start3A_171, %dma_start3A_172, %dma_start3A_173] : memref<5x80x128xbf16, #tpu.memory_space<vmem>> -> memref<1x80x128xbf16, #tpu.memory_space<vmem>>
        %dma_start3A_175 = tpu.memref_squeeze %dma_start3A_174 : memref<1x80x128xbf16, #tpu.memory_space<vmem>> -> memref<80x128xbf16, #tpu.memory_space<vmem>>
        %dma_start3A_176 = arith.constant 0 : i32
        %dma_start3A_177 = tpu.memref_slice %arg6[%add3A_170, %dma_start3A_176] : memref<125x80xi32, #tpu.memory_space<vmem>> -> memref<1x80xi32, #tpu.memory_space<vmem>>
        %dma_start3A_178 = tpu.memref_squeeze %dma_start3A_177 : memref<1x80xi32, #tpu.memory_space<vmem>> -> memref<80xi32, #tpu.memory_space<vmem>>
        %dma_start3A_179 = arith.constant 0 : i32
        %dma_start3A_180 = arith.constant 0 : i32
        %dma_start3A_181 = tpu.memref_slice %arg2[%dma_start3A_179, %dma_start3A_180] : memref<10240x128xbf16, #tpu.memory_space<hbm>> -> memref<10240x128xbf16, #tpu.memory_space<hbm>>
        tpu.enqueue_indirect_dma source(%dma_start3A_181 : memref<10240x128xbf16, #tpu.memory_space<hbm>>) target(%dma_start3A_175 : memref<80x128xbf16, #tpu.memory_space<vmem>>) offsets(%dma_start3A_178 : memref<80xi32, #tpu.memory_space<vmem>>) semaphore(%arg14 : memref<!tpu.dma_semaphore, #tpu.memory_space<semaphore_mem>>)
      } else {
      }
    }
    %scan3A_66 = arith.constant 25 : i32
    %barrier3A_67 = arith.constant 0 : index
    tpu.barrier barrier_id(%barrier3A_67)
    "tpu.region"() ({
      %run_scoped3A = tpu.sem_alloc : memref<!tpu.dma_semaphore, #tpu.memory_space<semaphore_mem>>
      %dma_start3A_68 = arith.constant 0 : i32
      %dma_start3A_69 = tpu.memref_slice %arg5[%arg0, %mul3A_2, %dma_start3A_68] : memref<2x10240x128xbf16, #tpu.memory_space<hbm>> -> memref<1x640x128xbf16, #tpu.memory_space<hbm>>
      %dma_start3A_70 = tpu.memref_squeeze %dma_start3A_69 : memref<1x640x128xbf16, #tpu.memory_space<hbm>> -> memref<640x128xbf16, #tpu.memory_space<hbm>>
      %dma_start3A_71 = arith.constant 0 : i32
      %dma_start3A_72 = tpu.memref_slice %arg9[%mul3A_2, %dma_start3A_71] : memref<10240x128xbf16, #tpu.memory_space<vmem_shared>> -> memref<640x128xbf16, #tpu.memory_space<vmem_shared>>
      tpu.enqueue_dma source(%dma_start3A_72 : memref<640x128xbf16, #tpu.memory_space<vmem_shared>>) target(%dma_start3A_70 : memref<640x128xbf16, #tpu.memory_space<hbm>>) target_semaphore(%run_scoped3A : memref<!tpu.dma_semaphore, #tpu.memory_space<semaphore_mem>>)
      %dma_wait3A = arith.constant 0 : i32
      %dma_wait3A_73 = tpu.memref_slice %arg5[%arg0, %mul3A_2, %dma_wait3A] : memref<2x10240x128xbf16, #tpu.memory_space<hbm>> -> memref<1x640x128xbf16, #tpu.memory_space<hbm>>
      %dma_wait3A_74 = tpu.memref_squeeze %dma_wait3A_73 : memref<1x640x128xbf16, #tpu.memory_space<hbm>> -> memref<640x128xbf16, #tpu.memory_space<hbm>>
      %dma_wait3A_75 = arith.constant 0 : i32
      %dma_wait3A_76 = tpu.memref_slice %arg9[%mul3A_2, %dma_wait3A_75] : memref<10240x128xbf16, #tpu.memory_space<vmem_shared>> -> memref<640x128xbf16, #tpu.memory_space<vmem_shared>>
      tpu.wait_dma2 semaphore(%run_scoped3A : memref<!tpu.dma_semaphore, #tpu.memory_space<semaphore_mem>>) src(%dma_wait3A_76 : memref<640x128xbf16, #tpu.memory_space<vmem_shared>>) dst(%dma_wait3A_74 : memref<640x128xbf16, #tpu.memory_space<hbm>>)
      tpu.yield
    }) : () -> ()
    return
  }
}

module attributes {stable_mosaic.version = 14 : i64} {
  func.func @_scale_body(%arg0: i32, %arg1: memref<10240x2xf32, #tpu.memory_space<vmem>>, %arg2: memref<2000x128xf32, #tpu.memory_space<vmem>>, %arg3: memref<2000x128xbf16, #tpu.memory_space<vmem>>) attributes {dimension_semantics = [#tpu.dimension_semantics<arbitrary>], iteration_bounds = array<i64: 5>, scalar_prefetch = 0 : i64, scratch_operands = 0 : i64, tpu.core_type = #tpu.core_type<tc>, window_params = [{pipeline_mode = #tpu.pipeline_mode<synchronous>, transform_indices = @transform_0, window_bounds = array<i64: 10240, 2>}, {transform_indices = @transform_1, window_bounds = array<i64: 2000, 128>}, {transform_indices = @transform_2, window_bounds = array<i64: 2000, 128>}]} {
    %mul3A = arith.constant 2000 : i32
    %mul3A_0 = arith.muli %arg0, %mul3A : i32
    %get3A = arith.index_cast %mul3A_0 : i32 to index
    %get3A_1 = arith.constant 0 : index
    %get3A_2 = vector.load %arg1[%get3A, %get3A_1] : memref<10240x2xf32, #tpu.memory_space<vmem>>, vector<2000x2xf32>
    %slice3A = vector.extract_strided_slice %get3A_2 {offsets = [0, 0], sizes = [2000, 1], strides = [1, 1]} : vector<2000x2xf32> to vector<2000x1xf32>
    %slice3A_3 = vector.extract_strided_slice %get3A_2 {offsets = [0, 1], sizes = [2000, 1], strides = [1, 1]} : vector<2000x2xf32> to vector<2000x1xf32>
    %add3A = arith.addf %slice3A, %slice3A_3 : vector<2000x1xf32>
    %add3A_4 = arith.constant 1.000000e+00 : f32
    %add3A_5 = vector.broadcast %add3A_4 : f32 to vector<2000x1xf32>
    %add3A_6 = arith.addf %add3A, %add3A_5 : vector<2000x1xf32>
    %rsqrt3A = math.rsqrt %add3A_6 : vector<2000x1xf32>
    %get3A_7 = arith.constant 0 : index
    %get3A_8 = arith.constant 0 : index
    %get3A_9 = vector.load %arg2[%get3A_7, %get3A_8] : memref<2000x128xf32, #tpu.memory_space<vmem>>, vector<2000x128xf32>
    %mul3A_10 = vector.broadcast %rsqrt3A : vector<2000x1xf32> to vector<2000x128xf32>
    %mul3A_11 = arith.mulf %get3A_9, %mul3A_10 : vector<2000x128xf32>
    %convert_element_type3A = arith.truncf %mul3A_11 : vector<2000x128xf32> to vector<2000x128xbf16>
    %swap3A = arith.constant 0 : index
    %swap3A_12 = arith.constant 0 : index
    %swap3A_13 = vector.load %arg3[%swap3A, %swap3A_12] : memref<2000x128xbf16, #tpu.memory_space<vmem>>, vector<2000x128xbf16>
    tpu.vector_store %arg3[%swap3A, %swap3A_12], %convert_element_type3A {strides = array<i32>} : memref<2000x128xbf16, #tpu.memory_space<vmem>>, vector<2000x128xbf16>,
    return
  }
  func.func @transform_0(%arg0: i32) -> (i32, i32) {
    %c0_i32 = arith.constant 0 : i32
    %c0_i32_0 = arith.constant 0 : i32
    %c0_i32_1 = arith.constant 0 : i32
    return %c0_i32, %c0_i32_0 : i32, i32
  }
  func.func @transform_1(%arg0: i32) -> (i32, i32) {
    %c0_i32 = arith.constant 0 : i32
    %c0_i32_0 = arith.constant 0 : i32
    return %arg0, %c0_i32 : i32, i32
  }
  func.func @transform_2(%arg0: i32) -> (i32, i32) {
    %c0_i32 = arith.constant 0 : i32
    %c0_i32_0 = arith.constant 0 : i32
    return %arg0, %c0_i32 : i32, i32
  }
}

module attributes {stable_mosaic.version = 14 : i64} {
  func.func @_mid_body(%arg0: i32, %arg1: memref<10240x2xf32, #tpu.memory_space<vmem>>, %arg2: memref<2x2000x128xbf16, #tpu.memory_space<vmem>>, %arg3: memref<2000x128xbf16, #tpu.memory_space<vmem>>, %arg4: memref<128x256xf32, #tpu.memory_space<vmem>>, %arg5: memref<1x256xf32, #tpu.memory_space<vmem>>, %arg6: memref<256x128xf32, #tpu.memory_space<vmem>>, %arg7: memref<2000x128xbf16, #tpu.memory_space<vmem>>) attributes {dimension_semantics = [#tpu.dimension_semantics<arbitrary>], iteration_bounds = array<i64: 5>, scalar_prefetch = 0 : i64, scratch_operands = 0 : i64, tpu.core_type = #tpu.core_type<tc>, window_params = [{pipeline_mode = #tpu.pipeline_mode<synchronous>, transform_indices = @transform_0, window_bounds = array<i64: 10240, 2>}, {transform_indices = @transform_1, window_bounds = array<i64: 2, 2000, 128>}, {transform_indices = @transform_2, window_bounds = array<i64: 2000, 128>}, {pipeline_mode = #tpu.pipeline_mode<synchronous>, transform_indices = @transform_3, window_bounds = array<i64: 128, 256>}, {pipeline_mode = #tpu.pipeline_mode<synchronous>, transform_indices = @transform_4, window_bounds = array<i64: 1, 256>}, {pipeline_mode = #tpu.pipeline_mode<synchronous>, transform_indices = @transform_5, window_bounds = array<i64: 256, 128>}, {transform_indices = @transform_6, window_bounds = array<i64: 2000, 128>}]} {
    %mul3A = arith.constant 2000 : i32
    %mul3A_0 = arith.muli %arg0, %mul3A : i32
    %get3A = arith.index_cast %mul3A_0 : i32 to index
    %get3A_1 = arith.constant 0 : index
    %get3A_2 = vector.load %arg1[%get3A, %get3A_1] : memref<10240x2xf32, #tpu.memory_space<vmem>>, vector<2000x2xf32>
    %slice3A = vector.extract_strided_slice %get3A_2 {offsets = [0, 0], sizes = [2000, 1], strides = [1, 1]} : vector<2000x2xf32> to vector<2000x1xf32>
    %slice3A_3 = vector.extract_strided_slice %get3A_2 {offsets = [0, 1], sizes = [2000, 1], strides = [1, 1]} : vector<2000x2xf32> to vector<2000x1xf32>
    %add3A = arith.addf %slice3A, %slice3A_3 : vector<2000x1xf32>
    %add3A_4 = arith.constant 1.000000e+00 : f32
    %add3A_5 = vector.broadcast %add3A_4 : f32 to vector<2000x1xf32>
    %add3A_6 = arith.addf %add3A, %add3A_5 : vector<2000x1xf32>
    %rsqrt3A = math.rsqrt %add3A_6 : vector<2000x1xf32>
    %get3A_7 = arith.constant 0 : index
    %get3A_8 = arith.constant 0 : index
    %get3A_9 = arith.constant 0 : index
    %get3A_10 = vector.load %arg2[%get3A_7, %get3A_8, %get3A_9] : memref<2x2000x128xbf16, #tpu.memory_space<vmem>>, vector<1x2000x128xbf16>
    %get3A_11 = vector.shape_cast %get3A_10 : vector<1x2000x128xbf16> to vector<2000x128xbf16>
    %convert_element_type3A = arith.extf %get3A_11 : vector<2000x128xbf16> to vector<2000x128xf32>
    %get3A_12 = arith.constant 1 : index
    %get3A_13 = arith.constant 0 : index
    %get3A_14 = arith.constant 0 : index
    %get3A_15 = vector.load %arg2[%get3A_12, %get3A_13, %get3A_14] : memref<2x2000x128xbf16, #tpu.memory_space<vmem>>, vector<1x2000x128xbf16>
    %get3A_16 = vector.shape_cast %get3A_15 : vector<1x2000x128xbf16> to vector<2000x128xbf16>
    %convert_element_type3A_17 = arith.extf %get3A_16 : vector<2000x128xbf16> to vector<2000x128xf32>
    %add3A_18 = arith.addf %convert_element_type3A, %convert_element_type3A_17 : vector<2000x128xf32>
    %get3A_19 = arith.constant 0 : index
    %get3A_20 = arith.constant 0 : index
    %get3A_21 = vector.load %arg3[%get3A_19, %get3A_20] : memref<2000x128xbf16, #tpu.memory_space<vmem>>, vector<2000x128xbf16>
    %convert_element_type3A_22 = arith.extf %get3A_21 : vector<2000x128xbf16> to vector<2000x128xf32>
    %sub3A = arith.subf %add3A_18, %convert_element_type3A_22 : vector<2000x128xf32>
    %mul3A_23 = vector.broadcast %rsqrt3A : vector<2000x1xf32> to vector<2000x128xf32>
    %mul3A_24 = arith.mulf %sub3A, %mul3A_23 : vector<2000x128xf32>
    %get3A_25 = arith.constant 0 : index
    %get3A_26 = arith.constant 0 : index
    %get3A_27 = vector.load %arg4[%get3A_25, %get3A_26] : memref<128x256xf32, #tpu.memory_space<vmem>>, vector<128x256xf32>
    %dot_general3A = arith.constant dense<0.000000e+00> : vector<2000x256xf32>
    %dot_general3A_28 = tpu.matmul %mul3A_24, %get3A_27, %dot_general3A {dimension_numbers = #tpu.dot_dimension_numbers<[1], [0], [0], [1], [0, 0, 1, 1], [], []>, transpose_lhs_hint = false} : vector<2000x128xf32>, vector<128x256xf32>, vector<2000x256xf32> -> vector<2000x256xf32>
    %get3A_29 = arith.constant 0 : index
    %get3A_30 = arith.constant 0 : index
    %get3A_31 = vector.load %arg5[%get3A_29, %get3A_30] : memref<1x256xf32, #tpu.memory_space<vmem>>, vector<1x256xf32>
    %add3A_32 = vector.broadcast %get3A_31 : vector<1x256xf32> to vector<2000x256xf32>
    %add3A_33 = arith.addf %dot_general3A_28, %add3A_32 : vector<2000x256xf32>
    %max3A = arith.constant 0.000000e+00 : f32
    %max3A_34 = vector.broadcast %max3A : f32 to vector<2000x256xf32>
    %max3A_35 = arith.maximumf %add3A_33, %max3A_34 : vector<2000x256xf32>
    %get3A_36 = arith.constant 0 : index
    %get3A_37 = arith.constant 0 : index
    %get3A_38 = vector.load %arg6[%get3A_36, %get3A_37] : memref<256x128xf32, #tpu.memory_space<vmem>>, vector<256x128xf32>
    %dot_general3A_39 = arith.constant dense<0.000000e+00> : vector<2000x128xf32>
    %dot_general3A_40 = tpu.matmul %max3A_35, %get3A_38, %dot_general3A_39 {dimension_numbers = #tpu.dot_dimension_numbers<[1], [0], [0], [1], [0, 0, 1, 1], [], []>, transpose_lhs_hint = false} : vector<2000x256xf32>, vector<256x128xf32>, vector<2000x128xf32> -> vector<2000x128xf32>
    %mul3A_41 = vector.broadcast %rsqrt3A : vector<2000x1xf32> to vector<2000x128xf32>
    %mul3A_42 = arith.mulf %dot_general3A_40, %mul3A_41 : vector<2000x128xf32>
    %convert_element_type3A_43 = arith.truncf %mul3A_42 : vector<2000x128xf32> to vector<2000x128xbf16>
    %swap3A = arith.constant 0 : index
    %swap3A_44 = arith.constant 0 : index
    %swap3A_45 = vector.load %arg7[%swap3A, %swap3A_44] : memref<2000x128xbf16, #tpu.memory_space<vmem>>, vector<2000x128xbf16>
    tpu.vector_store %arg7[%swap3A, %swap3A_44], %convert_element_type3A_43 {strides = array<i32>} : memref<2000x128xbf16, #tpu.memory_space<vmem>>, vector<2000x128xbf16>,
    return
  }
  func.func @transform_0(%arg0: i32) -> (i32, i32) {
    %c0_i32 = arith.constant 0 : i32
    %c0_i32_0 = arith.constant 0 : i32
    %c0_i32_1 = arith.constant 0 : i32
    return %c0_i32, %c0_i32_0 : i32, i32
  }
  func.func @transform_1(%arg0: i32) -> (i32, i32, i32) {
    %c0_i32 = arith.constant 0 : i32
    %c0_i32_0 = arith.constant 0 : i32
    %c0_i32_1 = arith.constant 0 : i32
    return %c0_i32, %arg0, %c0_i32_0 : i32, i32, i32
  }
  func.func @transform_2(%arg0: i32) -> (i32, i32) {
    %c0_i32 = arith.constant 0 : i32
    %c0_i32_0 = arith.constant 0 : i32
    return %arg0, %c0_i32 : i32, i32
  }
  func.func @transform_3(%arg0: i32) -> (i32, i32) {
    %c0_i32 = arith.constant 0 : i32
    %c0_i32_0 = arith.constant 0 : i32
    %c0_i32_1 = arith.constant 0 : i32
    return %c0_i32, %c0_i32_0 : i32, i32
  }
  func.func @transform_4(%arg0: i32) -> (i32, i32) {
    %c0_i32 = arith.constant 0 : i32
    %c0_i32_0 = arith.constant 0 : i32
    %c0_i32_1 = arith.constant 0 : i32
    return %c0_i32, %c0_i32_0 : i32, i32
  }
  func.func @transform_5(%arg0: i32) -> (i32, i32) {
    %c0_i32 = arith.constant 0 : i32
    %c0_i32_0 = arith.constant 0 : i32
    %c0_i32_1 = arith.constant 0 : i32
    return %c0_i32, %c0_i32_0 : i32, i32
  }
  func.func @transform_6(%arg0: i32) -> (i32, i32) {
    %c0_i32 = arith.constant 0 : i32
    %c0_i32_0 = arith.constant 0 : i32
    return %arg0, %c0_i32 : i32, i32
  }
}

module attributes {stable_mosaic.version = 14 : i64} {
  func.func @_final_body(%arg0: i32, %arg1: memref<10240x2xf32, #tpu.memory_space<vmem>>, %arg2: memref<2x2000x128xbf16, #tpu.memory_space<vmem>>, %arg3: memref<2000x128xbf16, #tpu.memory_space<vmem>>, %arg4: memref<1x128xf32, #tpu.memory_space<vmem>>, %arg5: memref<2000x128xf32, #tpu.memory_space<vmem>>) attributes {dimension_semantics = [#tpu.dimension_semantics<arbitrary>], iteration_bounds = array<i64: 5>, scalar_prefetch = 0 : i64, scratch_operands = 0 : i64, tpu.core_type = #tpu.core_type<tc>, window_params = [{pipeline_mode = #tpu.pipeline_mode<synchronous>, transform_indices = @transform_0, window_bounds = array<i64: 10240, 2>}, {transform_indices = @transform_1, window_bounds = array<i64: 2, 2000, 128>}, {transform_indices = @transform_2, window_bounds = array<i64: 2000, 128>}, {pipeline_mode = #tpu.pipeline_mode<synchronous>, transform_indices = @transform_3, window_bounds = array<i64: 1, 128>}, {transform_indices = @transform_4, window_bounds = array<i64: 2000, 128>}]} {
    %mul3A = arith.constant 2000 : i32
    %mul3A_0 = arith.muli %arg0, %mul3A : i32
    %get3A = arith.index_cast %mul3A_0 : i32 to index
    %get3A_1 = arith.constant 0 : index
    %get3A_2 = vector.load %arg1[%get3A, %get3A_1] : memref<10240x2xf32, #tpu.memory_space<vmem>>, vector<2000x2xf32>
    %slice3A = vector.extract_strided_slice %get3A_2 {offsets = [0, 0], sizes = [2000, 1], strides = [1, 1]} : vector<2000x2xf32> to vector<2000x1xf32>
    %slice3A_3 = vector.extract_strided_slice %get3A_2 {offsets = [0, 1], sizes = [2000, 1], strides = [1, 1]} : vector<2000x2xf32> to vector<2000x1xf32>
    %add3A = arith.addf %slice3A, %slice3A_3 : vector<2000x1xf32>
    %add3A_4 = arith.constant 1.000000e+00 : f32
    %add3A_5 = vector.broadcast %add3A_4 : f32 to vector<2000x1xf32>
    %add3A_6 = arith.addf %add3A, %add3A_5 : vector<2000x1xf32>
    %rsqrt3A = math.rsqrt %add3A_6 : vector<2000x1xf32>
    %get3A_7 = arith.constant 0 : index
    %get3A_8 = arith.constant 0 : index
    %get3A_9 = arith.constant 0 : index
    %get3A_10 = vector.load %arg2[%get3A_7, %get3A_8, %get3A_9] : memref<2x2000x128xbf16, #tpu.memory_space<vmem>>, vector<1x2000x128xbf16>
    %get3A_11 = vector.shape_cast %get3A_10 : vector<1x2000x128xbf16> to vector<2000x128xbf16>
    %convert_element_type3A = arith.extf %get3A_11 : vector<2000x128xbf16> to vector<2000x128xf32>
    %get3A_12 = arith.constant 1 : index
    %get3A_13 = arith.constant 0 : index
    %get3A_14 = arith.constant 0 : index
    %get3A_15 = vector.load %arg2[%get3A_12, %get3A_13, %get3A_14] : memref<2x2000x128xbf16, #tpu.memory_space<vmem>>, vector<1x2000x128xbf16>
    %get3A_16 = vector.shape_cast %get3A_15 : vector<1x2000x128xbf16> to vector<2000x128xbf16>
    %convert_element_type3A_17 = arith.extf %get3A_16 : vector<2000x128xbf16> to vector<2000x128xf32>
    %add3A_18 = arith.addf %convert_element_type3A, %convert_element_type3A_17 : vector<2000x128xf32>
    %get3A_19 = arith.constant 0 : index
    %get3A_20 = arith.constant 0 : index
    %get3A_21 = vector.load %arg3[%get3A_19, %get3A_20] : memref<2000x128xbf16, #tpu.memory_space<vmem>>, vector<2000x128xbf16>
    %convert_element_type3A_22 = arith.extf %get3A_21 : vector<2000x128xbf16> to vector<2000x128xf32>
    %sub3A = arith.subf %add3A_18, %convert_element_type3A_22 : vector<2000x128xf32>
    %mul3A_23 = vector.broadcast %rsqrt3A : vector<2000x1xf32> to vector<2000x128xf32>
    %mul3A_24 = arith.mulf %sub3A, %mul3A_23 : vector<2000x128xf32>
    %get3A_25 = arith.constant 0 : index
    %get3A_26 = arith.constant 0 : index
    %get3A_27 = vector.load %arg4[%get3A_25, %get3A_26] : memref<1x128xf32, #tpu.memory_space<vmem>>, vector<1x128xf32>
    %add3A_28 = vector.broadcast %get3A_27 : vector<1x128xf32> to vector<2000x128xf32>
    %add3A_29 = arith.addf %mul3A_24, %add3A_28 : vector<2000x128xf32>
    %reduce_max3A = arith.constant dense<0xFF800000> : vector<2000xf32>
    %reduce_max3A_30 = vector.multi_reduction <maximumf>, %add3A_29, %reduce_max3A [1] : vector<2000x128xf32> to vector<2000xf32>
    %broadcast_in_dim3A = vector.shape_cast %reduce_max3A_30 : vector<2000xf32> to vector<2000x1xf32>
    %sub3A_31 = vector.broadcast %broadcast_in_dim3A : vector<2000x1xf32> to vector<2000x128xf32>
    %sub3A_32 = arith.subf %add3A_29, %sub3A_31 : vector<2000x128xf32>
    %exp3A = math.exp %sub3A_32 : vector<2000x128xf32>
    %reduce_sum3A = arith.constant dense<0.000000e+00> : vector<2000xf32>
    %reduce_sum3A_33 = vector.multi_reduction <add>, %exp3A, %reduce_sum3A [1] : vector<2000x128xf32> to vector<2000xf32>
    %broadcast_in_dim3A_34 = vector.shape_cast %reduce_sum3A_33 : vector<2000xf32> to vector<2000x1xf32>
    %log3A = math.log %broadcast_in_dim3A_34 : vector<2000x1xf32>
    %sub3A_35 = vector.broadcast %broadcast_in_dim3A : vector<2000x1xf32> to vector<2000x128xf32>
    %sub3A_36 = arith.subf %add3A_29, %sub3A_35 : vector<2000x128xf32>
    %sub3A_37 = vector.broadcast %log3A : vector<2000x1xf32> to vector<2000x128xf32>
    %sub3A_38 = arith.subf %sub3A_36, %sub3A_37 : vector<2000x128xf32>
    %swap3A = arith.constant 0 : index
    %swap3A_39 = arith.constant 0 : index
    %swap3A_40 = vector.load %arg5[%swap3A, %swap3A_39] : memref<2000x128xf32, #tpu.memory_space<vmem>>, vector<2000x128xf32>
    tpu.vector_store %arg5[%swap3A, %swap3A_39], %sub3A_38 {strides = array<i32>} : memref<2000x128xf32, #tpu.memory_space<vmem>>, vector<2000x128xf32>,
    return
  }
  func.func @transform_0(%arg0: i32) -> (i32, i32) {
    %c0_i32 = arith.constant 0 : i32
    %c0_i32_0 = arith.constant 0 : i32
    %c0_i32_1 = arith.constant 0 : i32
    return %c0_i32, %c0_i32_0 : i32, i32
  }
  func.func @transform_1(%arg0: i32) -> (i32, i32, i32) {
    %c0_i32 = arith.constant 0 : i32
    %c0_i32_0 = arith.constant 0 : i32
    %c0_i32_1 = arith.constant 0 : i32
    return %c0_i32, %arg0, %c0_i32_0 : i32, i32, i32
  }
  func.func @transform_2(%arg0: i32) -> (i32, i32) {
    %c0_i32 = arith.constant 0 : i32
    %c0_i32_0 = arith.constant 0 : i32
    return %arg0, %c0_i32 : i32, i32
  }
  func.func @transform_3(%arg0: i32) -> (i32, i32) {
    %c0_i32 = arith.constant 0 : i32
    %c0_i32_0 = arith.constant 0 : i32
    %c0_i32_1 = arith.constant 0 : i32
    return %c0_i32, %c0_i32_0 : i32, i32
  }
  func.func @transform_4(%arg0: i32) -> (i32, i32) {
    %c0_i32 = arith.constant 0 : i32
    %c0_i32_0 = arith.constant 0 : i32
    return %arg0, %c0_i32 : i32, i32
  }
}

</mosaic_0001>

<sc_bundles>
// kernel: kernel.11.cloned.1.call-start
scs
__scs_entry_jumppad:
0x0: {  	(pc) =	sbr.rel $0x88, $3  }
0x1: {  	(tag) =	ssettag $0x0;
	lr =	simm.s32 $0x1  }
0x2: {  	[smem:$0x3F9B] =	sst lr;
	_ =	strace $0xD0000000  }
0x3: {  	_ = 	snop  }
0x4: {  	_ = 	snop  }
0x5: {  	_ = 	snop  }
0x6: {  	_ = 	snop  }
0x7: {  	_ = 	snop  }
__scs_overlays_trampoline_lowered:
0x8: {  	[smem:$0x3FAA] =	sst s0  }
0x9: {  	[smem:$0x3FAB] =	sst s1  }
0xa: {  	[smem:$0x3FAC] =	sst s2  }
0xb: {  	[smem:$0x3FAD] =	sst s3  }
0xc: {  	[smem:$0x3FAE] =	sst s4  }
0xd: {  	[smem:$0x3FAF] =	sst s5  }
0xe: {  	[smem:$0x3FB0] =	sst s6  }
0xf: {  	[smem:$0x3FB1] =	sst s7  }
0x10: {  	[smem:$0x3FB2] =	sst s8  }
0x11: {  	[smem:$0x3FB3] =	sst s9;
	s0 =	simm.s32 @!p0 $0x0  }
0x12: {  	s1 =	sld [smem:$0x3F99];
	s0 =	simm.s32 @p0 $0x1  }
0x13: {  	[smem:$0x3FB4] =	sst s0;
	s0 =	simm.s32 @!p1 $0x0  }
0x14: {  	s2 =	sld [smem:$0x3F98];
	s0 =	simm.s32 @p1 $0x1  }
0x15: {  	[smem:$0x3FB5] =	sst s0;
	s0 =	simm.s32 @!p2 $0x0  }
0x16: {  	s3 =	sld [smem:$0x3FDB];
	s0 =	simm.s32 @p2 $0x1  }
0x17: {  	s4 =	simm.s32 $0x1BF5;
	[smem:$0x3FB7] =	sst s0  }
0x18: {  	s0 =	sld [smem:$0x3F9A];
	_ =	swait.ge [sflag:s4], $0x0  }
0x19: {  	s7 =	sld [smem:$0x3F9B]  }
0x1a: {  	s8 =	sadd.s32 $0xFFFFE003, lr  }
0x1b: {  	s9 =	sadd.s32 $0xFFFFFEF7, lr;
	s5 =	simm.s32 $0xFFFFFFFF;
	p2 =	slt.u32 s8, $0xFFFFF086  }
0x1c: {  	p1 =	slt.u32 s9, $0xF7A;
	s5 =	simm.s32 @!p2 $0x0  }
0x1d: {  	s5 =	simm.s32 @p1 $0x1;
	p0 =	seq.s32 s7, s2  }
0x1e: {  	s7 =	smul.u32 @!p0 $0xF7A, s2;
	p2 =	seq.s32 @!p0 s5, $0x0  }
0x1f: {  	s9 =	smul.u32 $0xF7A, s1;
	s8 =	simm.s32 @!p0 $0x1BF5;
	p2 =	por !p2, p0  }
0x20: {  	[sflag:s8] =	ssyncset.s32 @!p0 $0xFFFFF086;
	s6 =	sadd.s32 @!p0 s3, s7;
	s7 =	simm.s32 @!p0 $0x108  }
0x21: {  	s3 =	sadd.s32 s3, s9;
	s6 =	sadd.s32 @!p0 $0x88, s6;
	s7 =	simm.s32 @p2 $0x1082  }
0x22: {  	[simem:s7], [sflag:s8] =	dma.local @!p0 [hbm:s6], $0xF7A  }
0x23: {  	s9 =	sor.u32 $0xD0000000, s2;
	s6 =	simm.s32 $0x108;
	_ =	swait.ge @!p0 [sflag:s8], $0x0  }
0x24: {  	s3 =	sadd.s32 $0x88, s3;
	s6 =	simm.s32 @!p1 $0x1082;
	[sflag:s4] =	ssyncset.s32 $0xFFFFF086  }
0x25: {  	[simem:s6], [sflag:s4] =	dma.local [hbm:s3], $0xF7A  }
0x26: {  	[smem:$0x3F9B] =	sst s1;
	(tag) =	ssettag s2;
	_ =	strace s9  }
0x27: {  	s1 =	sld [smem:$0x3FAB]  }
0x28: {  	s2 =	sld [smem:$0x3FAC]  }
0x29: {  	s4 =	sld [smem:$0x3FAE]  }
0x2a: {  	p0 =	seq.s32 s5, $0x0;
	s5 =	sld [smem:$0x3FAF]  }
0x2b: {  	s6 =	sld [smem:$0x3FB0]  }
0x2c: {  	s7 =	sld [smem:$0x3FB1]  }
0x2d: {  	s3 =	simm.s32 $0x108;
	s8 =	sld [smem:$0x3FB2]  }
0x2e: {  	s3 =	simm.s32 @!p0 $0x1082;
	s9 =	sld [smem:$0x3FB3]  }
0x2f: {  	lr =	sadd.s32 s0, s3;
	s0 =	sld [smem:$0x3FAA]  }
0x30: {  	s3 =	sld [smem:$0x3FAD]  }
0x31: {  	[smem:$0x3FB6] =	sst s10  }
0x32: {  	s10 =	sld [smem:$0x3FB4];
	_ =	sdelay $0x3  }
0x33: {  	p0 =	seq.s32 s10, $0x1;
	s10 =	sld [smem:$0x3FB6];
	_ =	sdelay $0x3  }
0x34: {  	[smem:$0x3FB6] =	sst s10  }
0x35: {  	s10 =	sld [smem:$0x3FB5];
	_ =	sdelay $0x3  }
0x36: {  	p1 =	seq.s32 s10, $0x1;
	s10 =	sld [smem:$0x3FB6];
	_ =	sdelay $0x3  }
0x37: {  	[smem:$0x3FB6] =	sst s10  }
0x38: {  	s10 =	sld [smem:$0x3FB7]  }
0x39: {  	_ = 	snop;
	(pc) =	sbr.ind lr, $3  }
0x3a: {  	_ = 	snop  }
0x3b: {  	_ = 	snop  }
0x3c: {  	p2 =	seq.s32 s10, $0x1;
	s10 =	sld [smem:$0x3FB6]  }
0x3d: {  	_ =	shalt  }
0x3e: {  	_ =	shalt  }
0x3f: {  	_ =	shalt  }
0x40: {  	_ =	shalt  }
0x41: {  	_ =	shalt  }
0x42: {  	_ =	shalt  }
0x43: {  	_ =	shalt  }
0x44: {  	_ =	shalt  }
0x45: {  	_ =	shalt  }
0x46: {  	_ =	shalt  }
0x47: {  	_ =	shalt  }
0x48: {  	_ =	shalt  }
0x49: {  	_ =	shalt  }
0x4a: {  	_ =	shalt  }
0x4b: {  	_ =	shalt  }
0x4c: {  	_ =	shalt  }
0x4d: {  	_ =	shalt  }
0x4e: {  	_ =	shalt  }
0x4f: {  	_ =	shalt  }
0x50: {  	_ =	shalt  }
0x51: {  	_ =	shalt  }
0x52: {  	_ =	shalt  }
0x53: {  	_ =	shalt  }
0x54: {  	_ =	shalt  }
0x55: {  	_ =	shalt  }
0x56: {  	_ =	shalt  }
0x57: {  	_ =	shalt  }
0x58: {  	_ =	shalt  }
0x59: {  	_ =	shalt  }
0x5a: {  	_ =	shalt  }
0x5b: {  	_ =	shalt  }
0x5c: {  	_ =	shalt  }
0x5d: {  	_ =	shalt  }
0x5e: {  	_ =	shalt  }
0x5f: {  	_ =	shalt  }
0x60: {  	_ =	shalt  }
0x61: {  	_ =	shalt  }
0x62: {  	_ =	shalt  }
0x63: {  	_ =	shalt  }
0x64: {  	_ =	shalt  }
0x65: {  	_ =	shalt  }
0x66: {  	_ =	shalt  }
0x67: {  	_ =	shalt  }
0x68: {  	_ =	shalt  }
0x69: {  	_ =	shalt  }
0x6a: {  	_ =	shalt  }
0x6b: {  	_ =	shalt  }
0x6c: {  	_ =	shalt  }
0x6d: {  	_ =	shalt  }
0x6e: {  	_ =	shalt  }
0x6f: {  	_ =	shalt  }
0x70: {  	_ =	shalt  }
0x71: {  	_ =	shalt  }
0x72: {  	_ =	shalt  }
0x73: {  	_ =	shalt  }
0x74: {  	_ =	shalt  }
0x75: {  	_ =	shalt  }
0x76: {  	_ =	shalt  }
0x77: {  	_ =	shalt  }
0x78: {  	_ =	shalt  }
0x79: {  	_ =	shalt  }
0x7a: {  	_ =	shalt  }
0x7b: {  	_ =	shalt  }
0x7c: {  	_ =	shalt  }
0x7d: {  	_ =	shalt  }
0x7e: {  	_ =	shalt  }
0x7f: {  	_ =	shalt  }
0x80: {  	_ =	shalt  }
0x81: {  	_ =	shalt  }
0x82: {  	_ =	shalt  }
0x83: {  	_ =	shalt  }
0x84: {  	_ =	shalt  }
0x85: {  	_ =	shalt  }
0x86: {  	_ =	shalt  }
0x87: {  	_ =	shalt  }
.Lfunc_end0:
.L_simem_size_0:
called_computation.1_lowered:
.L_overlay_start_0:
0x88: {  	s2 =	sld [smem:$0x3FD9]  }
0x89: {  	s3 =	sld [smem:$0x3FFE];
	_ =	sdelay $0x1  }
0x8a: {  	s1 =	srdreg.scid  }
0x8b: {  	s0 =	sand.u32 $0x1, s1  }
0x8c: {  	s17 =	sshll.u32 s0, $0xA;
	s2 =	sadd.s32 s3, s2  }
0x8d: {  	s2 =	sadd.s32 s2, s17  }
0x8e: {  	[smem:$0x3FC2] =	sst s2  }
0x8f: {  	_ = 	snop  }
0x90: {  	s2 =	sld [smem:$0x3FD0];
	(tm) =	ssettm $0x1  }
0x91: {  	s18 =	sld [smem:$0x3FFB];
	_ =	sdelay $0x3  }
0x92: {  	_ =	strace s18  }
0x93: {  	s3 =	sld [smem:$0x3FFC];
	_ =	sdelay $0x3  }
0x94: {  	_ =	strace s3  }
0x95: {  	s3 =	sld [smem:$0x3FFD];
	_ =	sdelay $0x3  }
0x96: {  	_ =	strace s3  }
0x97: {  	_ =	strace $0x8FFFFFFF  }
0x98: {  	s19 =	sld [smem:$0x3FDB];
	_ =	sdelay $0x1  }
0x99: {  	s4 =	simm.s32 $_scs_section_size  }
0x9a: {  	s5 =	simm.s32 $_size__tile_overlayer_lowered;
	s6 =	simm.s32 $_tile_overlayer_lowered  }
0x9b: {  	s22 =	simm.s32 $0x1BFF;
	s21 =	sshll.u32 s6, $0x1;
	s3 =	sadd.s32 s4, s19  }
0x9c: {  	s7 =	simm.s32 $0x0;
	s20 =	sshll.u32 s5, $0x1;
	s5 =	sadd.s32 s21, s3  }
0x9d: {  	[timem:s7], [sflag:s22] =	dma.local [hbm:s5], s20  }
0x9e: {  	_ =	swait.ge [sflag:s22], s20  }
0x9f: {  	s4 =	ssub.s32 $0x0, s20;
	[sflag:s22] =	ssyncset.done $0x0  }
0xa0: {  	[sflag:s22] =	ssyncadd.s32 s4;
	_ =	sdelay $0x1  }
0xa1: {  	s23 =	simm.s32 $0x1B8B  }
0xa2: {  	_ =	swait.ge [sflag:s23], $0x1  }
0xa3: {  	[sflag:s23] =	ssyncset.done $0x0  }
0xa4: {  	s25 =	simm.s32 $0x1B8E;
	s24 =	sld [smem:$0x3FFE];
	[sflag:s23] =	ssyncadd.s32 $0xFFFFFFFF  }
0xa5: {  	s26 =	simm.s32 $execute0_lowered;
	[smem:$0x3FD2] =	sst s25  }
0xa6: {  	s5 =	sshll.u32 s26, $0x1;
	_ =	strace $0x80000049;
	[dreg:$0x1] =	wrdreg $0xFFFFFFFF  }
0xa7: {  	s28 =	simm.s32 $_size_execute0_lowered;
	s3 =	sadd.s32 s3, s5;
	[dreg:$0x0] =	wrdreg $0x0  }
0xa8: {  	s5 =	sshll.u32 s28, $0x1;
	[dreg:$0x2] =	wrdreg s3  }
0xa9: {  	[dreg:$0x3] =	wrdreg s5  }
0xaa: {  	[dreg:$0x4] =	wrdreg $0xC0  }
0xab: {  	_ =	task [dreg:s7], $0x5FFFF  }
0xac: {  	[dreg:$0x1] =	wrdreg $0xFFFFFFFF  }
0xad: {  	[dreg:$0x0] =	wrdreg $0x60  }
0xae: {  	[dreg:$0x2] =	wrdreg s2  }
0xaf: {  	[dreg:$0x3] =	wrdreg s24  }
0xb0: {  	[dreg:$0x4] =	wrdreg $0xB2200  }
0xb1: {  	[dreg:$0x5] =	wrdreg $0x9  }
0xb2: {  	_ =	task.clear_ibuf [dreg:s7], $0x6FFFF;
	_ =	strace $0x90000049  }
0xb3: {  	s29 =	simm.s32 $0x9;
	_ =	strace $0x8000004B  }
0xb4: {  	_ =	swait.ge [sflag:s29], $0x1  }
0xb5: {  	[sflag:s29] =	ssyncadd.s32 $0xFFFFFFFF  }
0xb6: {  	_ =	strace $0x9000004B  }
0xb7: {  	_ =	sfence  }
0xb8: {  	s30 =	sld [smem:$0x0];
	_ =	sdelay $0x2  }
0xb9: {  	s31 =	sshll.u32 s1, $0xD;
	s1 =	sshrl.u32 s1, $0x2  }
0xba: {  	s3 =	sand.u32 $0x4000, s31;
	s1 =	sadd.s32 s1, s30  }
0xbb: {  	s0 =	sor.u32 s3, s0;
	s1 =	sshll.u32 s1, $0x11  }
0xbc: {  	s0 =	sor.u32 s1, s0  }
0xbd: {  	s0 =	sadd.s32 $0x8F2B, s0  }
0xbe: {  	[sflag:s0] =	ssyncadd.remote.s32 $0x1  }
0xbf: {  	_ =	sfence.sel $0xFFFF  }
0xc0: {  	[dreg:$0x0] =	wrdreg $0xFFFFFFFF;
	(pc) =	sbr.abs _section_cstart, $3  }
0xc1: {  	[dreg:$0x1] =	wrdreg $0xFFFFFFFF  }
0xc2: {  	_ =	task.clear_ibuf [dreg:s7], $0x2FFFF;
	_ =	strace $0x9FFFFFFF  }
0xc3: {  	(tm) =	ssettm $0x7FFFFFFF  }
tec
execute0_lowered:
.L_overlay_start_1:
0x0: {  	(tag) =	ssettag $0x1  }
0x1: {  	s2 =	rddreg [dreg:$0x0]  }
0x2: {  	s0 =	rddreg [dreg:$0x1]  }
0x3: {  	s3 =	rddreg [dreg:$0x2]  }
0x4: {  	s1 =	srdreg.scid;
	s10 =	stileid.u32  }
0x5: {  	s4 =	simm.s32 $0x0;
	s14 =	simm.s32 $0x50;
	s15 =	simm.s32 $0x4E20  }
0x6: {  	s16 =	simm.s32 $0x6220;
	s18 =	simm.s32 $0x7620;
	s20 =	simm.s32 $0x8A20  }
0x7: {  	s22 =	simm.s32 $0x9E20;
	s23 =	simm.s32 $0x1;
	s28 =	simm.s32 $0x5  }
0x8: {  	s29 =	simm.s32 $0x4C90;
	s30 =	simm.s32 $0x4CE0;
	s31 =	simm.s32 $0x4D30  }
0x9: {  	s1 =	sand.u32 $0x1, s1;
	s6 =	smul.u32 $0x14000, s10;
	[smem:$0x7FF] =	sst s4  }
0xa: {  	s26 =	sshll.u32 s10, $0x6;
	s5 =	sshll.u32 s1, $0x4;
	s7 =	smul.u32 $0x140000, s1  }
0xb: {  	s1 =	ssub.s32 $0x2, s1;
	_ =	strace $0x8000004A;
	s12 =	sor.u32 $0x1C06, s26  }
0xc: {  	s26 =	simm.s32 $0x4;
	s5 =	sor.u32 s10, s5;
	s8 =	sshrl.u32 s1, $0x1  }
0xd: {  	s24 =	sshrl.u32 s6, $0x1;
	s25 =	sshrl.u32 s6, $0x4;
	s10 =	simm.s32 $0x6  }
0xe: {  	s5 =	smul.u32 $0x4E2, s5;
	s7 =	sadd.s32 s6, s7;
	s1 =	ssub.s32 s1, s8  }
0xf: {  	s11 =	sadd.s32 s24, s3;
	s24 =	simm.s32 $0x2;
	s7 =	sshrl.u32 s7, $0x4  }
0x10: {  	s13 =	sshrl.u32 s11, $0x3;
	s11 =	simm.s32 $0x0;
	s9 =	sadd.s32 s5, s0  }
0x11: {  	s0 =	sadd.s32 s7, s0;
	s7 =	sadd.s32 s2, s25;
	s25 =	simm.s32 $0x3  }
0x12: {  	s5 =	sadd.s32 $0x1400, s9;
	s6 =	sadd.s32 $0xB200, s9;
	s8 =	sadd.s32 $0x15000, s0  }
0x13: {  	s9 =	smax.u32 s1, $0x1;
	s0 =	simm.s32 $0x4D80;
	s1 =	simm.s32 $0x4DD0  }
.LBB2_1:
0x14: {  	[tilespmem:s4], [sflag:$0x6] =	stream.linear.gather [hbm4b:s5+s4], $0x2710, $0x38;
	[tilespmem:$0x15220] =	vst v63  }
0x15: {  	_ =	swait.ge [sflag:s10], $0x2710  }
0x16: {  	[sflag:s10] =	ssyncset.done $0x0  }
0x17: {  	s17 =	simm.s32 $0x2710;
	[sflag:s10] =	ssyncadd.s32 $0xFFFFD8F0  }
0x18: {  	[tilespmem:s17], [sflag:$0x6] =	stream.linear.gather [hbm4b:s6+s4], $0x2710, $0x38;
	[tilespmem:$0x15220] =	vst v63  }
0x19: {  	_ =	swait.ge [sflag:s10], $0x2710  }
0x1a: {  	[sflag:s10] =	ssyncset.done $0x0  }
0x1b: {  	[sflag:s10] =	ssyncadd.s32 $0xFFFFD8F0  }
0x1c: {  	[spmem:s13], [sflag:s12] =	dma.local [hbm:s7], $0x1400  }
0x1d: {  	_ =	swait.ge [sflag:s10], $0x1400  }
0x1e: {  	[sflag:s10] =	ssyncset.done $0x0  }
0x1f: {  	[sflag:s10] =	ssyncadd.s32 $0xFFFFEC00  }
0x20: {  	[bflag:$0x0] =	sbarrier.arrive $0xFFFF  }
0x21: {  	[tilespmem:s15], [sflag:$0x1] =	stream.indirect.gather [hbm4b:s2+s14], $0x40, s4, s14, $0xb8;
	[tilespmem:$0x15220] =	vst v63  }
0x22: {  	_ = 	snop  }
0x23: {  	[tilespmem:s16], [sflag:$0x2] =	stream.indirect.gather [hbm4b:s2+s14], $0x40, s14, s14, $0xb8;
	[tilespmem:$0x15220] =	vst v63  }
0x24: {  	s19 =	simm.s32 $0xA0  }
0x25: {  	[tilespmem:s18], [sflag:$0x3] =	stream.indirect.gather [hbm4b:s2+s14], $0x40, s19, s14, $0xb8;
	[tilespmem:$0x15220] =	vst v63  }
0x26: {  	s21 =	simm.s32 $0xF0  }
0x27: {  	[tilespmem:s20], [sflag:$0x4] =	stream.indirect.gather [hbm4b:s2+s14], $0x40, s21, s14, $0xb8;
	[tilespmem:$0x15220] =	vst v63  }
0x28: {  	s19 =	simm.s32 $0x140  }
0x29: {  	[tilespmem:s22], [sflag:$0x5] =	stream.indirect.gather [hbm4b:s2+s14], $0x40, s19, s14, $0xb8;
	[tilespmem:$0x15220] =	vst v63  }
0x2a: {  	_ =	swait.ge [sflag:s23], $0x1400  }
0x2b: {  	[sflag:s23] =	ssyncset.done $0x0  }
0x2c: {  	s21 =	simm.s32 $0x2710;
	[sflag:s23] =	ssyncadd.s32 $0xFFFFEC00  }
0x2d: {  	[spmem:s3] =	stream.indirect.scatter.add.bf16 [tilespmem:s15], [sflag:$0x6], $0x40, s21, s14, $0xb8;
	[tilespmem:$0x15220] =	vst v63  }
0x2e: {  	_ =	swait.ge [sflag:s10], $0x1400  }
0x2f: {  	[sflag:s10] =	ssyncset.done $0x0  }
0x30: {  	s19 =	simm.s32 $0x190;
	[sflag:s10] =	ssyncadd.s32 $0xFFFFEC00  }
0x31: {  	[tilespmem:s15], [sflag:$0x1] =	stream.indirect.gather [hbm4b:s2+s14], $0x40, s19, s14, $0xb8;
	[tilespmem:$0x15220] =	vst v63  }
0x32: {  	_ =	swait.ge [sflag:s24], $0x1400  }
0x33: {  	[sflag:s24] =	ssyncset.done $0x0  }
0x34: {  	s21 =	simm.s32 $0x2760;
	[sflag:s24] =	ssyncadd.s32 $0xFFFFEC00  }
0x35: {  	[spmem:s3] =	stream.indirect.scatter.add.bf16 [tilespmem:s16], [sflag:$0x6], $0x40, s21, s14, $0xb8;
	[tilespmem:$0x15220] =	vst v63  }
0x36: {  	_ =	swait.ge [sflag:s10], $0x1400  }
0x37: {  	[sflag:s10] =	ssyncset.done $0x0  }
0x38: {  	s19 =	simm.s32 $0x1E0;
	[sflag:s10] =	ssyncadd.s32 $0xFFFFEC00  }
0x39: {  	[tilespmem:s16], [sflag:$0x2] =	stream.indirect.gather [hbm4b:s2+s14], $0x40, s19, s14, $0xb8;
	[tilespmem:$0x15220] =	vst v63  }
0x3a: {  	_ =	swait.ge [sflag:s25], $0x1400  }
0x3b: {  	[sflag:s25] =	ssyncset.done $0x0  }
0x3c: {  	s21 =	simm.s32 $0x27B0;
	[sflag:s25] =	ssyncadd.s32 $0xFFFFEC00  }
0x3d: {  	[spmem:s3] =	stream.indirect.scatter.add.bf16 [tilespmem:s18], [sflag:$0x6], $0x40, s21, s14, $0xb8;
	[tilespmem:$0x15220] =	vst v63  }
0x3e: {  	_ =	swait.ge [sflag:s10], $0x1400  }
0x3f: {  	[sflag:s10] =	ssyncset.done $0x0  }
0x40: {  	s19 =	simm.s32 $0x230;
	[sflag:s10] =	ssyncadd.s32 $0xFFFFEC00  }
0x41: {  	[tilespmem:s18], [sflag:$0x3] =	stream.indirect.gather [hbm4b:s2+s14], $0x40, s19, s14, $0xb8;
	[tilespmem:$0x15220] =	vst v63  }
0x42: {  	_ =	swait.ge [sflag:s26], $0x1400  }
0x43: {  	[sflag:s26] =	ssyncset.done $0x0  }
0x44: {  	s21 =	simm.s32 $0x2800;
	[sflag:s26] =	ssyncadd.s32 $0xFFFFEC00  }
0x45: {  	[spmem:s3] =	stream.indirect.scatter.add.bf16 [tilespmem:s20], [sflag:$0x6], $0x40, s21, s14, $0xb8;
	[tilespmem:$0x15220] =	vst v63  }
0x46: {  	_ =	swait.ge [sflag:s10], $0x1400  }
0x47: {  	[sflag:s10] =	ssyncset.done $0x0  }
0x48: {  	s19 =	simm.s32 $0x280;
	[sflag:s10] =	ssyncadd.s32 $0xFFFFEC00  }
0x49: {  	[tilespmem:s20], [sflag:$0x4] =	stream.indirect.gather [hbm4b:s2+s14], $0x40, s19, s14, $0xb8;
	[tilespmem:$0x15220] =	vst v63  }
0x4a: {  	_ =	swait.ge [sflag:s28], $0x1400  }
0x4b: {  	[sflag:s28] =	ssyncset.done $0x0  }
0x4c: {  	s21 =	simm.s32 $0x2850;
	[sflag:s28] =	ssyncadd.s32 $0xFFFFEC00  }
0x4d: {  	[spmem:s3] =	stream.indirect.scatter.add.bf16 [tilespmem:s22], [sflag:$0x6], $0x40, s21, s14, $0xb8;
	[tilespmem:$0x15220] =	vst v63  }
0x4e: {  	_ =	swait.ge [sflag:s10], $0x1400  }
0x4f: {  	[sflag:s10] =	ssyncset.done $0x0  }
0x50: {  	s17 =	simm.s32 $0x640;
	s19 =	simm.s32 $0x2D0;
	[sflag:s10] =	ssyncadd.s32 $0xFFFFEC00  }
.LBB2_2:
0x51: {  	[tilespmem:s22], [sflag:$0x5] =	stream.indirect.gather [hbm4b:s2+s14], $0x40, s19, s14, $0xb8;
	[tilespmem:$0x15220] =	vst v63  }
0x52: {  	s19 =	smov.u32 s17  }
0x53: {  	p0 =	sne.s32 s17, $0x8FC0;
	s17 =	sadd.s32 $0x640, s17;
	_ =	swait.ge [sflag:s23], $0x1400  }
0x54: {  	s19 =	sshra.s32 s19, $0x2;
	[sflag:s23] =	ssyncset.done $0x0  }
0x55: {  	s21 =	sadd.s32 $0x2710, s19;
	[sflag:s23] =	ssyncadd.s32 $0xFFFFEC00  }
0x56: {  	[spmem:s3] =	stream.indirect.scatter.add.bf16 [tilespmem:s15], [sflag:$0x6], $0x40, s21, s14, $0xb8;
	[tilespmem:$0x15220] =	vst v63  }
0x57: {  	_ =	swait.ge [sflag:s10], $0x1400  }
0x58: {  	[sflag:s10] =	ssyncset.done $0x0  }
0x59: {  	s21 =	sadd.s32 $0x190, s19;
	[sflag:s10] =	ssyncadd.s32 $0xFFFFEC00  }
0x5a: {  	[tilespmem:s15], [sflag:$0x1] =	stream.indirect.gather [hbm4b:s2+s14], $0x40, s21, s14, $0xb8;
	[tilespmem:$0x15220] =	vst v63  }
0x5b: {  	_ =	swait.ge [sflag:s24], $0x1400  }
0x5c: {  	[sflag:s24] =	ssyncset.done $0x0  }
0x5d: {  	s21 =	sadd.s32 $0x2760, s19;
	[sflag:s24] =	ssyncadd.s32 $0xFFFFEC00  }
0x5e: {  	[spmem:s3] =	stream.indirect.scatter.add.bf16 [tilespmem:s16], [sflag:$0x6], $0x40, s21, s14, $0xb8;
	[tilespmem:$0x15220] =	vst v63  }
0x5f: {  	_ =	swait.ge [sflag:s10], $0x1400  }
0x60: {  	[sflag:s10] =	ssyncset.done $0x0  }
0x61: {  	s21 =	sadd.s32 $0x1E0, s19;
	[sflag:s10] =	ssyncadd.s32 $0xFFFFEC00  }
0x62: {  	[tilespmem:s16], [sflag:$0x2] =	stream.indirect.gather [hbm4b:s2+s14], $0x40, s21, s14, $0xb8;
	[tilespmem:$0x15220] =	vst v63  }
0x63: {  	_ =	swait.ge [sflag:s25], $0x1400  }
0x64: {  	[sflag:s25] =	ssyncset.done $0x0  }
0x65: {  	s21 =	sadd.s32 $0x27B0, s19;
	[sflag:s25] =	ssyncadd.s32 $0xFFFFEC00  }
0x66: {  	[spmem:s3] =	stream.indirect.scatter.add.bf16 [tilespmem:s18], [sflag:$0x6], $0x40, s21, s14, $0xb8;
	[tilespmem:$0x15220] =	vst v63  }
0x67: {  	_ =	swait.ge [sflag:s10], $0x1400  }
0x68: {  	[sflag:s10] =	ssyncset.done $0x0  }
0x69: {  	s21 =	sadd.s32 $0x230, s19;
	[sflag:s10] =	ssyncadd.s32 $0xFFFFEC00  }
0x6a: {  	[tilespmem:s18], [sflag:$0x3] =	stream.indirect.gather [hbm4b:s2+s14], $0x40, s21, s14, $0xb8;
	[tilespmem:$0x15220] =	vst v63  }
0x6b: {  	_ =	swait.ge [sflag:s26], $0x1400  }
0x6c: {  	[sflag:s26] =	ssyncset.done $0x0  }
0x6d: {  	s21 =	sadd.s32 $0x2800, s19;
	[sflag:s26] =	ssyncadd.s32 $0xFFFFEC00  }
0x6e: {  	[spmem:s3] =	stream.indirect.scatter.add.bf16 [tilespmem:s20], [sflag:$0x6], $0x40, s21, s14, $0xb8;
	[tilespmem:$0x15220] =	vst v63  }
0x6f: {  	_ =	swait.ge [sflag:s10], $0x1400  }
0x70: {  	[sflag:s10] =	ssyncset.done $0x0  }
0x71: {  	s21 =	sadd.s32 $0x280, s19;
	[sflag:s10] =	ssyncadd.s32 $0xFFFFEC00  }
0x72: {  	[tilespmem:s20], [sflag:$0x4] =	stream.indirect.gather [hbm4b:s2+s14], $0x40, s21, s14, $0xb8;
	[tilespmem:$0x15220] =	vst v63  }
0x73: {  	_ =	swait.ge [sflag:s28], $0x1400  }
0x74: {  	[sflag:s28] =	ssyncset.done $0x0  }
.Ltmp0:
0x75: {  	s21 =	sadd.s32 $0x2850, s19;
	[sflag:s28] =	ssyncadd.s32 $0xFFFFEC00;
	(pc) =	sbr.rel @p0 .LBB2_2-.Ltmp0, $4  }
0x76: {  	[spmem:s3] =	stream.indirect.scatter.add.bf16 [tilespmem:s22], [sflag:$0x6], $0x40, s21, s14, $0xb8;
	[tilespmem:$0x15220] =	vst v63  }
0x77: {  	_ =	swait.ge [sflag:s10], $0x1400  }
0x78: {  	[sflag:s10] =	ssyncset.done $0x0  }
0x79: {  	s19 =	sadd.s32 $0x2D0, s19;
	[sflag:s10] =	ssyncadd.s32 $0xFFFFEC00  }
0x7a: {  	[tilespmem:s22], [sflag:$0x5] =	stream.indirect.gather [hbm4b:s2+s14], $0x40, s19, s14, $0xb8;
	[tilespmem:$0x15220] =	vst v63  }
0x7b: {  	_ =	swait.ge [sflag:s23], $0x1400  }
0x7c: {  	[sflag:s23] =	ssyncset.done $0x0  }
0x7d: {  	[sflag:s23] =	ssyncadd.s32 $0xFFFFEC00  }
0x7e: {  	[spmem:s3] =	stream.indirect.scatter.add.bf16 [tilespmem:s15], [sflag:$0x6], $0x40, s29, s14, $0xb8;
	[tilespmem:$0x15220] =	vst v63  }
0x7f: {  	_ =	swait.ge [sflag:s10], $0x1400  }
0x80: {  	[sflag:s10] =	ssyncset.done $0x0  }
0x81: {  	[sflag:s10] =	ssyncadd.s32 $0xFFFFEC00  }
0x82: {  	_ =	swait.ge [sflag:s24], $0x1400  }
0x83: {  	[sflag:s24] =	ssyncset.done $0x0  }
0x84: {  	[sflag:s24] =	ssyncadd.s32 $0xFFFFEC00  }
0x85: {  	[spmem:s3] =	stream.indirect.scatter.add.bf16 [tilespmem:s16], [sflag:$0x6], $0x40, s30, s14, $0xb8;
	[tilespmem:$0x15220] =	vst v63  }
0x86: {  	_ =	swait.ge [sflag:s10], $0x1400  }
0x87: {  	[sflag:s10] =	ssyncset.done $0x0  }
0x88: {  	[sflag:s10] =	ssyncadd.s32 $0xFFFFEC00  }
0x89: {  	_ =	swait.ge [sflag:s25], $0x1400  }
0x8a: {  	[sflag:s25] =	ssyncset.done $0x0  }
0x8b: {  	[sflag:s25] =	ssyncadd.s32 $0xFFFFEC00  }
0x8c: {  	[spmem:s3] =	stream.indirect.scatter.add.bf16 [tilespmem:s18], [sflag:$0x6], $0x40, s31, s14, $0xb8;
	[tilespmem:$0x15220] =	vst v63  }
0x8d: {  	_ =	swait.ge [sflag:s10], $0x1400  }
0x8e: {  	[sflag:s10] =	ssyncset.done $0x0  }
0x8f: {  	[sflag:s10] =	ssyncadd.s32 $0xFFFFEC00  }
0x90: {  	_ =	swait.ge [sflag:s26], $0x1400  }
0x91: {  	[sflag:s26] =	ssyncset.done $0x0  }
0x92: {  	[sflag:s26] =	ssyncadd.s32 $0xFFFFEC00  }
0x93: {  	[spmem:s3] =	stream.indirect.scatter.add.bf16 [tilespmem:s20], [sflag:$0x6], $0x40, s0, s14, $0xb8;
	[tilespmem:$0x15220] =	vst v63  }
0x94: {  	_ =	swait.ge [sflag:s10], $0x1400  }
0x95: {  	[sflag:s10] =	ssyncset.done $0x0  }
0x96: {  	[sflag:s10] =	ssyncadd.s32 $0xFFFFEC00  }
0x97: {  	_ =	swait.ge [sflag:s28], $0x1400  }
0x98: {  	[sflag:s28] =	ssyncset.done $0x0  }
0x99: {  	[sflag:s28] =	ssyncadd.s32 $0xFFFFEC00  }
0x9a: {  	[spmem:s3] =	stream.indirect.scatter.add.bf16 [tilespmem:s22], [sflag:$0x6], $0x40, s1, s14, $0xb8;
	[tilespmem:$0x15220] =	vst v63  }
0x9b: {  	_ =	swait.ge [sflag:s10], $0x1400  }
0x9c: {  	s11 =	sadd.s32 $0x1, s11;
	[sflag:s10] =	ssyncset.done $0x0  }
0x9d: {  	p0 =	sne.s32 s11, s9;
	[sflag:s10] =	ssyncadd.s32 $0xFFFFEC00  }
.Ltmp1:
0x9e: {  	[bflag:$0x0] =	sbarrier.arrive $0xFFFF;
	(pc) =	sbr.rel @p0 .LBB2_1-.Ltmp1, $4  }
0x9f: {  	[hbm:s8], [sflag:s12] =	dma.local [spmem:s13], $0x1400  }
0xa0: {  	_ =	swait.ge [sflag:s10], $0x1400  }
0xa1: {  	[sflag:s10] =	ssyncset.done $0x0  }
0xa2: {  	[sflag:s10] =	ssyncadd.s32 $0xFFFFEC00  }
0xa3: {  	_ =	sfence.sel $0x180000  }
0xa4: {  	[bflag:$0x0] =	sbarrier.arrive $0xFFFF  }
0xa5: {  	_ =	strace $0x9000004A  }
0xa6: {  	s0 =	stileid.u32;
	[bflag:$0x2] =	sbarrier.arrive $0xFFFF  }
0xa7: {  	p0 =	sne.s32 s0, $0x0;
	s0 =	rddreg [dreg:$0x3]  }
0xa8: {  	s0 =	sadd.s32 @!p0 $0x100000, s0  }
0xa9: {  	[sflag:s0] =	ssyncadd.tile.s32 @!p0 $0x1;
	_ =	shalt  }
.Lfunc_end2:
_tile_overlayer_lowered:
.L_overlay_start_2:
0xaa: {  	(tag) =	ssettag $0x2  }
0xab: {  	s0 =	rddreg [dreg:$0x0];
	s2 =	stileid.u32  }
0xac: {  	s1 =	rddreg [dreg:$0x1];
	p0 =	sne.s32 s2, $0x0  }
0xad: {  	s3 =	rddreg [dreg:$0x2];
	[bflag:$0x3] =	sbarrier.arrive $0xFFFF;
	s2 =	simm.s32 @!p0 $0x1C06  }
0xae: {  	[timem:s3], [sflag:s2] =	dma.local @!p0 [hbm:s0], s1  }
0xaf: {  	s0 =	simm.s32 @!p0 $0x6  }
0xb0: {  	_ =	swait.ge @!p0 [sflag:s0], s1  }
0xb1: {  	s1 =	ssub.s32 @!p0 $0x0, s1;
	[sflag:s0] =	ssyncset.done @!p0 $0x0  }
0xb2: {  	[sflag:s0] =	ssyncadd.s32 @!p0 s1  }
0xb3: {  	[bflag:$0x3] =	sbarrier.arrive $0xFFFF  }
0xb4: {  	_ =	shalt  }

// kernel: kernel.14.cloned.1.call-start
scs
__scs_entry_jumppad:
0x0: {  	(pc) =	sbr.rel $0x88, $3  }
0x1: {  	(tag) =	ssettag $0x0;
	lr =	simm.s32 $0x1  }
0x2: {  	[smem:$0x3F9B] =	sst lr;
	_ =	strace $0xD0000000  }
0x3: {  	_ = 	snop  }
0x4: {  	_ = 	snop  }
0x5: {  	_ = 	snop  }
0x6: {  	_ = 	snop  }
0x7: {  	_ = 	snop  }
__scs_overlays_trampoline_lowered:
0x8: {  	[smem:$0x3FAA] =	sst s0  }
0x9: {  	[smem:$0x3FAB] =	sst s1  }
0xa: {  	[smem:$0x3FAC] =	sst s2  }
0xb: {  	[smem:$0x3FAD] =	sst s3  }
0xc: {  	[smem:$0x3FAE] =	sst s4  }
0xd: {  	[smem:$0x3FAF] =	sst s5  }
0xe: {  	[smem:$0x3FB0] =	sst s6  }
0xf: {  	[smem:$0x3FB1] =	sst s7  }
0x10: {  	[smem:$0x3FB2] =	sst s8  }
0x11: {  	[smem:$0x3FB3] =	sst s9;
	s0 =	simm.s32 @!p0 $0x0  }
0x12: {  	s1 =	sld [smem:$0x3F99];
	s0 =	simm.s32 @p0 $0x1  }
0x13: {  	[smem:$0x3FB4] =	sst s0;
	s0 =	simm.s32 @!p1 $0x0  }
0x14: {  	s2 =	sld [smem:$0x3F98];
	s0 =	simm.s32 @p1 $0x1  }
0x15: {  	[smem:$0x3FB5] =	sst s0;
	s0 =	simm.s32 @!p2 $0x0  }
0x16: {  	s3 =	sld [smem:$0x3FDB];
	s0 =	simm.s32 @p2 $0x1  }
0x17: {  	s4 =	simm.s32 $0x1BF5;
	[smem:$0x3FB7] =	sst s0  }
0x18: {  	s0 =	sld [smem:$0x3F9A];
	_ =	swait.ge [sflag:s4], $0x0  }
0x19: {  	s7 =	sld [smem:$0x3F9B]  }
0x1a: {  	s8 =	sadd.s32 $0xFFFFE003, lr  }
0x1b: {  	s9 =	sadd.s32 $0xFFFFFEF7, lr;
	s5 =	simm.s32 $0xFFFFFFFF;
	p2 =	slt.u32 s8, $0xFFFFF086  }
0x1c: {  	p1 =	slt.u32 s9, $0xF7A;
	s5 =	simm.s32 @!p2 $0x0  }
0x1d: {  	s5 =	simm.s32 @p1 $0x1;
	p0 =	seq.s32 s7, s2  }
0x1e: {  	s7 =	smul.u32 @!p0 $0xF7A, s2;
	p2 =	seq.s32 @!p0 s5, $0x0  }
0x1f: {  	s9 =	smul.u32 $0xF7A, s1;
	s8 =	simm.s32 @!p0 $0x1BF5;
	p2 =	por !p2, p0  }
0x20: {  	[sflag:s8] =	ssyncset.s32 @!p0 $0xFFFFF086;
	s6 =	sadd.s32 @!p0 s3, s7;
	s7 =	simm.s32 @!p0 $0x108  }
0x21: {  	s3 =	sadd.s32 s3, s9;
	s6 =	sadd.s32 @!p0 $0x88, s6;
	s7 =	simm.s32 @p2 $0x1082  }
0x22: {  	[simem:s7], [sflag:s8] =	dma.local @!p0 [hbm:s6], $0xF7A  }
0x23: {  	s9 =	sor.u32 $0xD0000000, s2;
	s6 =	simm.s32 $0x108;
	_ =	swait.ge @!p0 [sflag:s8], $0x0  }
0x24: {  	s3 =	sadd.s32 $0x88, s3;
	s6 =	simm.s32 @!p1 $0x1082;
	[sflag:s4] =	ssyncset.s32 $0xFFFFF086  }
0x25: {  	[simem:s6], [sflag:s4] =	dma.local [hbm:s3], $0xF7A  }
0x26: {  	[smem:$0x3F9B] =	sst s1;
	(tag) =	ssettag s2;
	_ =	strace s9  }
0x27: {  	s1 =	sld [smem:$0x3FAB]  }
0x28: {  	s2 =	sld [smem:$0x3FAC]  }
0x29: {  	s4 =	sld [smem:$0x3FAE]  }
0x2a: {  	p0 =	seq.s32 s5, $0x0;
	s5 =	sld [smem:$0x3FAF]  }
0x2b: {  	s6 =	sld [smem:$0x3FB0]  }
0x2c: {  	s7 =	sld [smem:$0x3FB1]  }
0x2d: {  	s3 =	simm.s32 $0x108;
	s8 =	sld [smem:$0x3FB2]  }
0x2e: {  	s3 =	simm.s32 @!p0 $0x1082;
	s9 =	sld [smem:$0x3FB3]  }
0x2f: {  	lr =	sadd.s32 s0, s3;
	s0 =	sld [smem:$0x3FAA]  }
0x30: {  	s3 =	sld [smem:$0x3FAD]  }
0x31: {  	[smem:$0x3FB6] =	sst s10  }
0x32: {  	s10 =	sld [smem:$0x3FB4];
	_ =	sdelay $0x3  }
0x33: {  	p0 =	seq.s32 s10, $0x1;
	s10 =	sld [smem:$0x3FB6];
	_ =	sdelay $0x3  }
0x34: {  	[smem:$0x3FB6] =	sst s10  }
0x35: {  	s10 =	sld [smem:$0x3FB5];
	_ =	sdelay $0x3  }
0x36: {  	p1 =	seq.s32 s10, $0x1;
	s10 =	sld [smem:$0x3FB6];
	_ =	sdelay $0x3  }
0x37: {  	[smem:$0x3FB6] =	sst s10  }
0x38: {  	s10 =	sld [smem:$0x3FB7]  }
0x39: {  	_ = 	snop;
	(pc) =	sbr.ind lr, $3  }
0x3a: {  	_ = 	snop  }
0x3b: {  	_ = 	snop  }
0x3c: {  	p2 =	seq.s32 s10, $0x1;
	s10 =	sld [smem:$0x3FB6]  }
0x3d: {  	_ =	shalt  }
0x3e: {  	_ =	shalt  }
0x3f: {  	_ =	shalt  }
0x40: {  	_ =	shalt  }
0x41: {  	_ =	shalt  }
0x42: {  	_ =	shalt  }
0x43: {  	_ =	shalt  }
0x44: {  	_ =	shalt  }
0x45: {  	_ =	shalt  }
0x46: {  	_ =	shalt  }
0x47: {  	_ =	shalt  }
0x48: {  	_ =	shalt  }
0x49: {  	_ =	shalt  }
0x4a: {  	_ =	shalt  }
0x4b: {  	_ =	shalt  }
0x4c: {  	_ =	shalt  }
0x4d: {  	_ =	shalt  }
0x4e: {  	_ =	shalt  }
0x4f: {  	_ =	shalt  }
0x50: {  	_ =	shalt  }
0x51: {  	_ =	shalt  }
0x52: {  	_ =	shalt  }
0x53: {  	_ =	shalt  }
0x54: {  	_ =	shalt  }
0x55: {  	_ =	shalt  }
0x56: {  	_ =	shalt  }
0x57: {  	_ =	shalt  }
0x58: {  	_ =	shalt  }
0x59: {  	_ =	shalt  }
0x5a: {  	_ =	shalt  }
0x5b: {  	_ =	shalt  }
0x5c: {  	_ =	shalt  }
0x5d: {  	_ =	shalt  }
0x5e: {  	_ =	shalt  }
0x5f: {  	_ =	shalt  }
0x60: {  	_ =	shalt  }
0x61: {  	_ =	shalt  }
0x62: {  	_ =	shalt  }
0x63: {  	_ =	shalt  }
0x64: {  	_ =	shalt  }
0x65: {  	_ =	shalt  }
0x66: {  	_ =	shalt  }
0x67: {  	_ =	shalt  }
0x68: {  	_ =	shalt  }
0x69: {  	_ =	shalt  }
0x6a: {  	_ =	shalt  }
0x6b: {  	_ =	shalt  }
0x6c: {  	_ =	shalt  }
0x6d: {  	_ =	shalt  }
0x6e: {  	_ =	shalt  }
0x6f: {  	_ =	shalt  }
0x70: {  	_ =	shalt  }
0x71: {  	_ =	shalt  }
0x72: {  	_ =	shalt  }
0x73: {  	_ =	shalt  }
0x74: {  	_ =	shalt  }
0x75: {  	_ =	shalt  }
0x76: {  	_ =	shalt  }
0x77: {  	_ =	shalt  }
0x78: {  	_ =	shalt  }
0x79: {  	_ =	shalt  }
0x7a: {  	_ =	shalt  }
0x7b: {  	_ =	shalt  }
0x7c: {  	_ =	shalt  }
0x7d: {  	_ =	shalt  }
0x7e: {  	_ =	shalt  }
0x7f: {  	_ =	shalt  }
0x80: {  	_ =	shalt  }
0x81: {  	_ =	shalt  }
0x82: {  	_ =	shalt  }
0x83: {  	_ =	shalt  }
0x84: {  	_ =	shalt  }
0x85: {  	_ =	shalt  }
0x86: {  	_ =	shalt  }
0x87: {  	_ =	shalt  }
.Lfunc_end0:
.L_simem_size_0:
called_computation.2_lowered:
.L_overlay_start_0:
0x88: {  	s2 =	sld [smem:$0x3FD9]  }
0x89: {  	s3 =	sld [smem:$0x3FFE];
	_ =	sdelay $0x1  }
0x8a: {  	s1 =	srdreg.scid  }
0x8b: {  	s0 =	sand.u32 $0x1, s1  }
0x8c: {  	s17 =	sshll.u32 s0, $0xA;
	s2 =	sadd.s32 s3, s2  }
0x8d: {  	s2 =	sadd.s32 s2, s17  }
0x8e: {  	[smem:$0x3FC2] =	sst s2  }
0x8f: {  	_ = 	snop  }
0x90: {  	s2 =	sld [smem:$0x3FD0];
	(tm) =	ssettm $0x1  }
0x91: {  	s18 =	sld [smem:$0x3FFB];
	_ =	sdelay $0x3  }
0x92: {  	_ =	strace s18  }
0x93: {  	s3 =	sld [smem:$0x3FFC];
	_ =	sdelay $0x3  }
0x94: {  	_ =	strace s3  }
0x95: {  	s3 =	sld [smem:$0x3FFD];
	_ =	sdelay $0x3  }
0x96: {  	_ =	strace s3  }
0x97: {  	_ =	strace $0x8FFFFFFF  }
0x98: {  	s19 =	sld [smem:$0x3FDB];
	_ =	sdelay $0x1  }
0x99: {  	s4 =	simm.s32 $_scs_section_size  }
0x9a: {  	s5 =	simm.s32 $_size__tile_overlayer_lowered;
	s6 =	simm.s32 $_tile_overlayer_lowered  }
0x9b: {  	s22 =	simm.s32 $0x1BFF;
	s21 =	sshll.u32 s6, $0x1;
	s3 =	sadd.s32 s4, s19  }
0x9c: {  	s7 =	simm.s32 $0x0;
	s20 =	sshll.u32 s5, $0x1;
	s5 =	sadd.s32 s21, s3  }
0x9d: {  	[timem:s7], [sflag:s22] =	dma.local [hbm:s5], s20  }
0x9e: {  	_ =	swait.ge [sflag:s22], s20  }
0x9f: {  	s4 =	ssub.s32 $0x0, s20;
	[sflag:s22] =	ssyncset.done $0x0  }
0xa0: {  	[sflag:s22] =	ssyncadd.s32 s4;
	_ =	sdelay $0x1  }
0xa1: {  	s23 =	simm.s32 $0x1B8B  }
0xa2: {  	_ =	swait.ge [sflag:s23], $0x1  }
0xa3: {  	[sflag:s23] =	ssyncset.done $0x0  }
0xa4: {  	s25 =	simm.s32 $0x1B8E;
	s24 =	sld [smem:$0x3FFE];
	[sflag:s23] =	ssyncadd.s32 $0xFFFFFFFF  }
0xa5: {  	s26 =	simm.s32 $execute0_lowered;
	[smem:$0x3FD2] =	sst s25  }
0xa6: {  	s5 =	sshll.u32 s26, $0x1;
	_ =	strace $0x8000004C;
	[dreg:$0x1] =	wrdreg $0xFFFFFFFF  }
0xa7: {  	s28 =	simm.s32 $_size_execute0_lowered;
	s3 =	sadd.s32 s3, s5;
	[dreg:$0x0] =	wrdreg $0x0  }
0xa8: {  	s5 =	sshll.u32 s28, $0x1;
	[dreg:$0x2] =	wrdreg s3  }
0xa9: {  	[dreg:$0x3] =	wrdreg s5  }
0xaa: {  	[dreg:$0x4] =	wrdreg $0xC0  }
0xab: {  	_ =	task [dreg:s7], $0x5FFFF  }
0xac: {  	[dreg:$0x1] =	wrdreg $0xFFFFFFFF  }
0xad: {  	[dreg:$0x0] =	wrdreg $0x60  }
0xae: {  	[dreg:$0x2] =	wrdreg s2  }
0xaf: {  	[dreg:$0x3] =	wrdreg s24  }
0xb0: {  	[dreg:$0x4] =	wrdreg $0xB2200  }
0xb1: {  	[dreg:$0x5] =	wrdreg $0x9  }
0xb2: {  	_ =	task.clear_ibuf [dreg:s7], $0x6FFFF;
	_ =	strace $0x9000004C  }
0xb3: {  	s29 =	simm.s32 $0x9;
	_ =	strace $0x8000004E  }
0xb4: {  	_ =	swait.ge [sflag:s29], $0x1  }
0xb5: {  	[sflag:s29] =	ssyncadd.s32 $0xFFFFFFFF  }
0xb6: {  	_ =	strace $0x9000004E  }
0xb7: {  	_ =	sfence  }
0xb8: {  	s30 =	sld [smem:$0x0];
	_ =	sdelay $0x2  }
0xb9: {  	s31 =	sshll.u32 s1, $0xD;
	s1 =	sshrl.u32 s1, $0x2  }
0xba: {  	s3 =	sand.u32 $0x4000, s31;
	s1 =	sadd.s32 s1, s30  }
0xbb: {  	s0 =	sor.u32 s3, s0;
	s1 =	sshll.u32 s1, $0x11  }
0xbc: {  	s0 =	sor.u32 s1, s0  }
0xbd: {  	s0 =	sadd.s32 $0x8F2B, s0  }
0xbe: {  	[sflag:s0] =	ssyncadd.remote.s32 $0x1  }
0xbf: {  	_ =	sfence.sel $0xFFFF  }
0xc0: {  	[dreg:$0x0] =	wrdreg $0xFFFFFFFF;
	(pc) =	sbr.abs _section_cstart, $3  }
0xc1: {  	[dreg:$0x1] =	wrdreg $0xFFFFFFFF  }
0xc2: {  	_ =	task.clear_ibuf [dreg:s7], $0x2FFFF;
	_ =	strace $0x9FFFFFFF  }
0xc3: {  	(tm) =	ssettm $0x7FFFFFFF  }
tec
execute0_lowered:
.L_overlay_start_1:
0x0: {  	(tag) =	ssettag $0x1  }
0x1: {  	s2 =	rddreg [dreg:$0x0]  }
0x2: {  	s0 =	rddreg [dreg:$0x1]  }
0x3: {  	s3 =	rddreg [dreg:$0x2]  }
0x4: {  	s1 =	srdreg.scid;
	s10 =	stileid.u32  }
0x5: {  	s4 =	simm.s32 $0x0;
	s14 =	simm.s32 $0x50;
	s15 =	simm.s32 $0x4E20  }
0x6: {  	s16 =	simm.s32 $0x6220;
	s18 =	simm.s32 $0x7620;
	s20 =	simm.s32 $0x8A20  }
0x7: {  	s22 =	simm.s32 $0x9E20;
	s23 =	simm.s32 $0x1;
	s28 =	simm.s32 $0x5  }
0x8: {  	s29 =	simm.s32 $0x4C90;
	s30 =	simm.s32 $0x4CE0;
	s31 =	simm.s32 $0x4D30  }
0x9: {  	s1 =	sand.u32 $0x1, s1;
	s6 =	smul.u32 $0x14000, s10;
	[smem:$0x7FF] =	sst s4  }
0xa: {  	s26 =	sshll.u32 s10, $0x6;
	s5 =	sshll.u32 s1, $0x4;
	s7 =	smul.u32 $0x140000, s1  }
0xb: {  	s1 =	ssub.s32 $0x2, s1;
	_ =	strace $0x8000004D;
	s12 =	sor.u32 $0x1C06, s26  }
0xc: {  	s26 =	simm.s32 $0x4;
	s5 =	sor.u32 s10, s5;
	s8 =	sshrl.u32 s1, $0x1  }
0xd: {  	s24 =	sshrl.u32 s6, $0x1;
	s25 =	sshrl.u32 s6, $0x4;
	s10 =	simm.s32 $0x6  }
0xe: {  	s5 =	smul.u32 $0x4E2, s5;
	s7 =	sadd.s32 s6, s7;
	s1 =	ssub.s32 s1, s8  }
0xf: {  	s11 =	sadd.s32 s24, s3;
	s24 =	simm.s32 $0x2;
	s7 =	sshrl.u32 s7, $0x4  }
0x10: {  	s13 =	sshrl.u32 s11, $0x3;
	s11 =	simm.s32 $0x0;
	s9 =	sadd.s32 s5, s0  }
0x11: {  	s0 =	sadd.s32 s7, s0;
	s7 =	sadd.s32 s2, s25;
	s25 =	simm.s32 $0x3  }
0x12: {  	s5 =	sadd.s32 $0x1400, s9;
	s6 =	sadd.s32 $0xB200, s9;
	s8 =	sadd.s32 $0x15000, s0  }
0x13: {  	s9 =	smax.u32 s1, $0x1;
	s0 =	simm.s32 $0x4D80;
	s1 =	simm.s32 $0x4DD0  }
.LBB2_1:
0x14: {  	[tilespmem:s4], [sflag:$0x6] =	stream.linear.gather [hbm4b:s5+s4], $0x2710, $0x38;
	[tilespmem:$0x15220] =	vst v63  }
0x15: {  	_ =	swait.ge [sflag:s10], $0x2710  }
0x16: {  	[sflag:s10] =	ssyncset.done $0x0  }
0x17: {  	s17 =	simm.s32 $0x2710;
	[sflag:s10] =	ssyncadd.s32 $0xFFFFD8F0  }
0x18: {  	[tilespmem:s17], [sflag:$0x6] =	stream.linear.gather [hbm4b:s6+s4], $0x2710, $0x38;
	[tilespmem:$0x15220] =	vst v63  }
0x19: {  	_ =	swait.ge [sflag:s10], $0x2710  }
0x1a: {  	[sflag:s10] =	ssyncset.done $0x0  }
0x1b: {  	[sflag:s10] =	ssyncadd.s32 $0xFFFFD8F0  }
0x1c: {  	[spmem:s13], [sflag:s12] =	dma.local [hbm:s7], $0x1400  }
0x1d: {  	_ =	swait.ge [sflag:s10], $0x1400  }
0x1e: {  	[sflag:s10] =	ssyncset.done $0x0  }
0x1f: {  	[sflag:s10] =	ssyncadd.s32 $0xFFFFEC00  }
0x20: {  	[bflag:$0x0] =	sbarrier.arrive $0xFFFF  }
0x21: {  	[tilespmem:s15], [sflag:$0x1] =	stream.indirect.gather [hbm4b:s2+s14], $0x40, s4, s14, $0xb8;
	[tilespmem:$0x15220] =	vst v63  }
0x22: {  	_ = 	snop  }
0x23: {  	[tilespmem:s16], [sflag:$0x2] =	stream.indirect.gather [hbm4b:s2+s14], $0x40, s14, s14, $0xb8;
	[tilespmem:$0x15220] =	vst v63  }
0x24: {  	s19 =	simm.s32 $0xA0  }
0x25: {  	[tilespmem:s18], [sflag:$0x3] =	stream.indirect.gather [hbm4b:s2+s14], $0x40, s19, s14, $0xb8;
	[tilespmem:$0x15220] =	vst v63  }
0x26: {  	s21 =	simm.s32 $0xF0  }
0x27: {  	[tilespmem:s20], [sflag:$0x4] =	stream.indirect.gather [hbm4b:s2+s14], $0x40, s21, s14, $0xb8;
	[tilespmem:$0x15220] =	vst v63  }
0x28: {  	s19 =	simm.s32 $0x140  }
0x29: {  	[tilespmem:s22], [sflag:$0x5] =	stream.indirect.gather [hbm4b:s2+s14], $0x40, s19, s14, $0xb8;
	[tilespmem:$0x15220] =	vst v63  }
0x2a: {  	_ =	swait.ge [sflag:s23], $0x1400  }
0x2b: {  	[sflag:s23] =	ssyncset.done $0x0  }
0x2c: {  	s21 =	simm.s32 $0x2710;
	[sflag:s23] =	ssyncadd.s32 $0xFFFFEC00  }
0x2d: {  	[spmem:s3] =	stream.indirect.scatter.add.bf16 [tilespmem:s15], [sflag:$0x6], $0x40, s21, s14, $0xb8;
	[tilespmem:$0x15220] =	vst v63  }
0x2e: {  	_ =	swait.ge [sflag:s10], $0x1400  }
0x2f: {  	[sflag:s10] =	ssyncset.done $0x0  }
0x30: {  	s19 =	simm.s32 $0x190;
	[sflag:s10] =	ssyncadd.s32 $0xFFFFEC00  }
0x31: {  	[tilespmem:s15], [sflag:$0x1] =	stream.indirect.gather [hbm4b:s2+s14], $0x40, s19, s14, $0xb8;
	[tilespmem:$0x15220] =	vst v63  }
0x32: {  	_ =	swait.ge [sflag:s24], $0x1400  }
0x33: {  	[sflag:s24] =	ssyncset.done $0x0  }
0x34: {  	s21 =	simm.s32 $0x2760;
	[sflag:s24] =	ssyncadd.s32 $0xFFFFEC00  }
0x35: {  	[spmem:s3] =	stream.indirect.scatter.add.bf16 [tilespmem:s16], [sflag:$0x6], $0x40, s21, s14, $0xb8;
	[tilespmem:$0x15220] =	vst v63  }
0x36: {  	_ =	swait.ge [sflag:s10], $0x1400  }
0x37: {  	[sflag:s10] =	ssyncset.done $0x0  }
0x38: {  	s19 =	simm.s32 $0x1E0;
	[sflag:s10] =	ssyncadd.s32 $0xFFFFEC00  }
0x39: {  	[tilespmem:s16], [sflag:$0x2] =	stream.indirect.gather [hbm4b:s2+s14], $0x40, s19, s14, $0xb8;
	[tilespmem:$0x15220] =	vst v63  }
0x3a: {  	_ =	swait.ge [sflag:s25], $0x1400  }
0x3b: {  	[sflag:s25] =	ssyncset.done $0x0  }
0x3c: {  	s21 =	simm.s32 $0x27B0;
	[sflag:s25] =	ssyncadd.s32 $0xFFFFEC00  }
0x3d: {  	[spmem:s3] =	stream.indirect.scatter.add.bf16 [tilespmem:s18], [sflag:$0x6], $0x40, s21, s14, $0xb8;
	[tilespmem:$0x15220] =	vst v63  }
0x3e: {  	_ =	swait.ge [sflag:s10], $0x1400  }
0x3f: {  	[sflag:s10] =	ssyncset.done $0x0  }
0x40: {  	s19 =	simm.s32 $0x230;
	[sflag:s10] =	ssyncadd.s32 $0xFFFFEC00  }
0x41: {  	[tilespmem:s18], [sflag:$0x3] =	stream.indirect.gather [hbm4b:s2+s14], $0x40, s19, s14, $0xb8;
	[tilespmem:$0x15220] =	vst v63  }
0x42: {  	_ =	swait.ge [sflag:s26], $0x1400  }
0x43: {  	[sflag:s26] =	ssyncset.done $0x0  }
0x44: {  	s21 =	simm.s32 $0x2800;
	[sflag:s26] =	ssyncadd.s32 $0xFFFFEC00  }
0x45: {  	[spmem:s3] =	stream.indirect.scatter.add.bf16 [tilespmem:s20], [sflag:$0x6], $0x40, s21, s14, $0xb8;
	[tilespmem:$0x15220] =	vst v63  }
0x46: {  	_ =	swait.ge [sflag:s10], $0x1400  }
0x47: {  	[sflag:s10] =	ssyncset.done $0x0  }
0x48: {  	s19 =	simm.s32 $0x280;
	[sflag:s10] =	ssyncadd.s32 $0xFFFFEC00  }
0x49: {  	[tilespmem:s20], [sflag:$0x4] =	stream.indirect.gather [hbm4b:s2+s14], $0x40, s19, s14, $0xb8;
	[tilespmem:$0x15220] =	vst v63  }
0x4a: {  	_ =	swait.ge [sflag:s28], $0x1400  }
0x4b: {  	[sflag:s28] =	ssyncset.done $0x0  }
0x4c: {  	s21 =	simm.s32 $0x2850;
	[sflag:s28] =	ssyncadd.s32 $0xFFFFEC00  }
0x4d: {  	[spmem:s3] =	stream.indirect.scatter.add.bf16 [tilespmem:s22], [sflag:$0x6], $0x40, s21, s14, $0xb8;
	[tilespmem:$0x15220] =	vst v63  }
0x4e: {  	_ =	swait.ge [sflag:s10], $0x1400  }
0x4f: {  	[sflag:s10] =	ssyncset.done $0x0  }
0x50: {  	s17 =	simm.s32 $0x640;
	s19 =	simm.s32 $0x2D0;
	[sflag:s10] =	ssyncadd.s32 $0xFFFFEC00  }
.LBB2_2:
0x51: {  	[tilespmem:s22], [sflag:$0x5] =	stream.indirect.gather [hbm4b:s2+s14], $0x40, s19, s14, $0xb8;
	[tilespmem:$0x15220] =	vst v63  }
0x52: {  	s19 =	smov.u32 s17  }
0x53: {  	p0 =	sne.s32 s17, $0x8FC0;
	s17 =	sadd.s32 $0x640, s17;
	_ =	swait.ge [sflag:s23], $0x1400  }
0x54: {  	s19 =	sshra.s32 s19, $0x2;
	[sflag:s23] =	ssyncset.done $0x0  }
0x55: {  	s21 =	sadd.s32 $0x2710, s19;
	[sflag:s23] =	ssyncadd.s32 $0xFFFFEC00  }
0x56: {  	[spmem:s3] =	stream.indirect.scatter.add.bf16 [tilespmem:s15], [sflag:$0x6], $0x40, s21, s14, $0xb8;
	[tilespmem:$0x15220] =	vst v63  }
0x57: {  	_ =	swait.ge [sflag:s10], $0x1400  }
0x58: {  	[sflag:s10] =	ssyncset.done $0x0  }
0x59: {  	s21 =	sadd.s32 $0x190, s19;
	[sflag:s10] =	ssyncadd.s32 $0xFFFFEC00  }
0x5a: {  	[tilespmem:s15], [sflag:$0x1] =	stream.indirect.gather [hbm4b:s2+s14], $0x40, s21, s14, $0xb8;
	[tilespmem:$0x15220] =	vst v63  }
0x5b: {  	_ =	swait.ge [sflag:s24], $0x1400  }
0x5c: {  	[sflag:s24] =	ssyncset.done $0x0  }
0x5d: {  	s21 =	sadd.s32 $0x2760, s19;
	[sflag:s24] =	ssyncadd.s32 $0xFFFFEC00  }
0x5e: {  	[spmem:s3] =	stream.indirect.scatter.add.bf16 [tilespmem:s16], [sflag:$0x6], $0x40, s21, s14, $0xb8;
	[tilespmem:$0x15220] =	vst v63  }
0x5f: {  	_ =	swait.ge [sflag:s10], $0x1400  }
0x60: {  	[sflag:s10] =	ssyncset.done $0x0  }
0x61: {  	s21 =	sadd.s32 $0x1E0, s19;
	[sflag:s10] =	ssyncadd.s32 $0xFFFFEC00  }
0x62: {  	[tilespmem:s16], [sflag:$0x2] =	stream.indirect.gather [hbm4b:s2+s14], $0x40, s21, s14, $0xb8;
	[tilespmem:$0x15220] =	vst v63  }
0x63: {  	_ =	swait.ge [sflag:s25], $0x1400  }
0x64: {  	[sflag:s25] =	ssyncset.done $0x0  }
0x65: {  	s21 =	sadd.s32 $0x27B0, s19;
	[sflag:s25] =	ssyncadd.s32 $0xFFFFEC00  }
0x66: {  	[spmem:s3] =	stream.indirect.scatter.add.bf16 [tilespmem:s18], [sflag:$0x6], $0x40, s21, s14, $0xb8;
	[tilespmem:$0x15220] =	vst v63  }
0x67: {  	_ =	swait.ge [sflag:s10], $0x1400  }
0x68: {  	[sflag:s10] =	ssyncset.done $0x0  }
0x69: {  	s21 =	sadd.s32 $0x230, s19;
	[sflag:s10] =	ssyncadd.s32 $0xFFFFEC00  }
0x6a: {  	[tilespmem:s18], [sflag:$0x3] =	stream.indirect.gather [hbm4b:s2+s14], $0x40, s21, s14, $0xb8;
	[tilespmem:$0x15220] =	vst v63  }
0x6b: {  	_ =	swait.ge [sflag:s26], $0x1400  }
0x6c: {  	[sflag:s26] =	ssyncset.done $0x0  }
0x6d: {  	s21 =	sadd.s32 $0x2800, s19;
	[sflag:s26] =	ssyncadd.s32 $0xFFFFEC00  }
0x6e: {  	[spmem:s3] =	stream.indirect.scatter.add.bf16 [tilespmem:s20], [sflag:$0x6], $0x40, s21, s14, $0xb8;
	[tilespmem:$0x15220] =	vst v63  }
0x6f: {  	_ =	swait.ge [sflag:s10], $0x1400  }
0x70: {  	[sflag:s10] =	ssyncset.done $0x0  }
0x71: {  	s21 =	sadd.s32 $0x280, s19;
	[sflag:s10] =	ssyncadd.s32 $0xFFFFEC00  }
0x72: {  	[tilespmem:s20], [sflag:$0x4] =	stream.indirect.gather [hbm4b:s2+s14], $0x40, s21, s14, $0xb8;
	[tilespmem:$0x15220] =	vst v63  }
0x73: {  	_ =	swait.ge [sflag:s28], $0x1400  }
0x74: {  	[sflag:s28] =	ssyncset.done $0x0  }
.Ltmp0:
0x75: {  	s21 =	sadd.s32 $0x2850, s19;
	[sflag:s28] =	ssyncadd.s32 $0xFFFFEC00;
	(pc) =	sbr.rel @p0 .LBB2_2-.Ltmp0, $4  }
0x76: {  	[spmem:s3] =	stream.indirect.scatter.add.bf16 [tilespmem:s22], [sflag:$0x6], $0x40, s21, s14, $0xb8;
	[tilespmem:$0x15220] =	vst v63  }
0x77: {  	_ =	swait.ge [sflag:s10], $0x1400  }
0x78: {  	[sflag:s10] =	ssyncset.done $0x0  }
0x79: {  	s19 =	sadd.s32 $0x2D0, s19;
	[sflag:s10] =	ssyncadd.s32 $0xFFFFEC00  }
0x7a: {  	[tilespmem:s22], [sflag:$0x5] =	stream.indirect.gather [hbm4b:s2+s14], $0x40, s19, s14, $0xb8;
	[tilespmem:$0x15220] =	vst v63  }
0x7b: {  	_ =	swait.ge [sflag:s23], $0x1400  }
0x7c: {  	[sflag:s23] =	ssyncset.done $0x0  }
0x7d: {  	[sflag:s23] =	ssyncadd.s32 $0xFFFFEC00  }
0x7e: {  	[spmem:s3] =	stream.indirect.scatter.add.bf16 [tilespmem:s15], [sflag:$0x6], $0x40, s29, s14, $0xb8;
	[tilespmem:$0x15220] =	vst v63  }
0x7f: {  	_ =	swait.ge [sflag:s10], $0x1400  }
0x80: {  	[sflag:s10] =	ssyncset.done $0x0  }
0x81: {  	[sflag:s10] =	ssyncadd.s32 $0xFFFFEC00  }
0x82: {  	_ =	swait.ge [sflag:s24], $0x1400  }
0x83: {  	[sflag:s24] =	ssyncset.done $0x0  }
0x84: {  	[sflag:s24] =	ssyncadd.s32 $0xFFFFEC00  }
0x85: {  	[spmem:s3] =	stream.indirect.scatter.add.bf16 [tilespmem:s16], [sflag:$0x6], $0x40, s30, s14, $0xb8;
	[tilespmem:$0x15220] =	vst v63  }
0x86: {  	_ =	swait.ge [sflag:s10], $0x1400  }
0x87: {  	[sflag:s10] =	ssyncset.done $0x0  }
0x88: {  	[sflag:s10] =	ssyncadd.s32 $0xFFFFEC00  }
0x89: {  	_ =	swait.ge [sflag:s25], $0x1400  }
0x8a: {  	[sflag:s25] =	ssyncset.done $0x0  }
0x8b: {  	[sflag:s25] =	ssyncadd.s32 $0xFFFFEC00  }
0x8c: {  	[spmem:s3] =	stream.indirect.scatter.add.bf16 [tilespmem:s18], [sflag:$0x6], $0x40, s31, s14, $0xb8;
	[tilespmem:$0x15220] =	vst v63  }
0x8d: {  	_ =	swait.ge [sflag:s10], $0x1400  }
0x8e: {  	[sflag:s10] =	ssyncset.done $0x0  }
0x8f: {  	[sflag:s10] =	ssyncadd.s32 $0xFFFFEC00  }
0x90: {  	_ =	swait.ge [sflag:s26], $0x1400  }
0x91: {  	[sflag:s26] =	ssyncset.done $0x0  }
0x92: {  	[sflag:s26] =	ssyncadd.s32 $0xFFFFEC00  }
0x93: {  	[spmem:s3] =	stream.indirect.scatter.add.bf16 [tilespmem:s20], [sflag:$0x6], $0x40, s0, s14, $0xb8;
	[tilespmem:$0x15220] =	vst v63  }
0x94: {  	_ =	swait.ge [sflag:s10], $0x1400  }
0x95: {  	[sflag:s10] =	ssyncset.done $0x0  }
0x96: {  	[sflag:s10] =	ssyncadd.s32 $0xFFFFEC00  }
0x97: {  	_ =	swait.ge [sflag:s28], $0x1400  }
0x98: {  	[sflag:s28] =	ssyncset.done $0x0  }
0x99: {  	[sflag:s28] =	ssyncadd.s32 $0xFFFFEC00  }
0x9a: {  	[spmem:s3] =	stream.indirect.scatter.add.bf16 [tilespmem:s22], [sflag:$0x6], $0x40, s1, s14, $0xb8;
	[tilespmem:$0x15220] =	vst v63  }
0x9b: {  	_ =	swait.ge [sflag:s10], $0x1400  }
0x9c: {  	s11 =	sadd.s32 $0x1, s11;
	[sflag:s10] =	ssyncset.done $0x0  }
0x9d: {  	p0 =	sne.s32 s11, s9;
	[sflag:s10] =	ssyncadd.s32 $0xFFFFEC00  }
.Ltmp1:
0x9e: {  	[bflag:$0x0] =	sbarrier.arrive $0xFFFF;
	(pc) =	sbr.rel @p0 .LBB2_1-.Ltmp1, $4  }
0x9f: {  	[hbm:s8], [sflag:s12] =	dma.local [spmem:s13], $0x1400  }
0xa0: {  	_ =	swait.ge [sflag:s10], $0x1400  }
0xa1: {  	[sflag:s10] =	ssyncset.done $0x0  }
0xa2: {  	[sflag:s10] =	ssyncadd.s32 $0xFFFFEC00  }
0xa3: {  	_ =	sfence.sel $0x180000  }
0xa4: {  	[bflag:$0x0] =	sbarrier.arrive $0xFFFF  }
0xa5: {  	_ =	strace $0x9000004D  }
0xa6: {  	s0 =	stileid.u32;
	[bflag:$0x2] =	sbarrier.arrive $0xFFFF  }
0xa7: {  	p0 =	sne.s32 s0, $0x0;
	s0 =	rddreg [dreg:$0x3]  }
0xa8: {  	s0 =	sadd.s32 @!p0 $0x100000, s0  }
0xa9: {  	[sflag:s0] =	ssyncadd.tile.s32 @!p0 $0x1;
	_ =	shalt  }
.Lfunc_end2:
_tile_overlayer_lowered:
.L_overlay_start_2:
0xaa: {  	(tag) =	ssettag $0x2  }
0xab: {  	s0 =	rddreg [dreg:$0x0];
	s2 =	stileid.u32  }
0xac: {  	s1 =	rddreg [dreg:$0x1];
	p0 =	sne.s32 s2, $0x0  }
0xad: {  	s3 =	rddreg [dreg:$0x2];
	[bflag:$0x3] =	sbarrier.arrive $0xFFFF;
	s2 =	simm.s32 @!p0 $0x1C06  }
0xae: {  	[timem:s3], [sflag:s2] =	dma.local @!p0 [hbm:s0], s1  }
0xaf: {  	s0 =	simm.s32 @!p0 $0x6  }
0xb0: {  	_ =	swait.ge @!p0 [sflag:s0], s1  }
0xb1: {  	s1 =	ssub.s32 @!p0 $0x0, s1;
	[sflag:s0] =	ssyncset.done @!p0 $0x0  }
0xb2: {  	[sflag:s0] =	ssyncadd.s32 @!p0 s1  }
0xb3: {  	[bflag:$0x3] =	sbarrier.arrive $0xFFFF  }
0xb4: {  	_ =	shalt  }

// kernel: kernel.8.cloned.1.call-start
scs
__scs_entry_jumppad:
0x0: {  	(pc) =	sbr.rel $0x88, $3  }
0x1: {  	(tag) =	ssettag $0x0;
	lr =	simm.s32 $0x1  }
0x2: {  	[smem:$0x3F9B] =	sst lr;
	_ =	strace $0xD0000000  }
0x3: {  	_ = 	snop  }
0x4: {  	_ = 	snop  }
0x5: {  	_ = 	snop  }
0x6: {  	_ = 	snop  }
0x7: {  	_ = 	snop  }
__scs_overlays_trampoline_lowered:
0x8: {  	[smem:$0x3FAA] =	sst s0  }
0x9: {  	[smem:$0x3FAB] =	sst s1  }
0xa: {  	[smem:$0x3FAC] =	sst s2  }
0xb: {  	[smem:$0x3FAD] =	sst s3  }
0xc: {  	[smem:$0x3FAE] =	sst s4  }
0xd: {  	[smem:$0x3FAF] =	sst s5  }
0xe: {  	[smem:$0x3FB0] =	sst s6  }
0xf: {  	[smem:$0x3FB1] =	sst s7  }
0x10: {  	[smem:$0x3FB2] =	sst s8  }
0x11: {  	[smem:$0x3FB3] =	sst s9;
	s0 =	simm.s32 @!p0 $0x0  }
0x12: {  	s1 =	sld [smem:$0x3F99];
	s0 =	simm.s32 @p0 $0x1  }
0x13: {  	[smem:$0x3FB4] =	sst s0;
	s0 =	simm.s32 @!p1 $0x0  }
0x14: {  	s2 =	sld [smem:$0x3F98];
	s0 =	simm.s32 @p1 $0x1  }
0x15: {  	[smem:$0x3FB5] =	sst s0;
	s0 =	simm.s32 @!p2 $0x0  }
0x16: {  	s3 =	sld [smem:$0x3FDB];
	s0 =	simm.s32 @p2 $0x1  }
0x17: {  	s4 =	simm.s32 $0x1BF5;
	[smem:$0x3FB7] =	sst s0  }
0x18: {  	s0 =	sld [smem:$0x3F9A];
	_ =	swait.ge [sflag:s4], $0x0  }
0x19: {  	s7 =	sld [smem:$0x3F9B]  }
0x1a: {  	s8 =	sadd.s32 $0xFFFFE003, lr  }
0x1b: {  	s9 =	sadd.s32 $0xFFFFFEF7, lr;
	s5 =	simm.s32 $0xFFFFFFFF;
	p2 =	slt.u32 s8, $0xFFFFF086  }
0x1c: {  	p1 =	slt.u32 s9, $0xF7A;
	s5 =	simm.s32 @!p2 $0x0  }
0x1d: {  	s5 =	simm.s32 @p1 $0x1;
	p0 =	seq.s32 s7, s2  }
0x1e: {  	s7 =	smul.u32 @!p0 $0xF7A, s2;
	p2 =	seq.s32 @!p0 s5, $0x0  }
0x1f: {  	s9 =	smul.u32 $0xF7A, s1;
	s8 =	simm.s32 @!p0 $0x1BF5;
	p2 =	por !p2, p0  }
0x20: {  	[sflag:s8] =	ssyncset.s32 @!p0 $0xFFFFF086;
	s6 =	sadd.s32 @!p0 s3, s7;
	s7 =	simm.s32 @!p0 $0x108  }
0x21: {  	s3 =	sadd.s32 s3, s9;
	s6 =	sadd.s32 @!p0 $0x88, s6;
	s7 =	simm.s32 @p2 $0x1082  }
0x22: {  	[simem:s7], [sflag:s8] =	dma.local @!p0 [hbm:s6], $0xF7A  }
0x23: {  	s9 =	sor.u32 $0xD0000000, s2;
	s6 =	simm.s32 $0x108;
	_ =	swait.ge @!p0 [sflag:s8], $0x0  }
0x24: {  	s3 =	sadd.s32 $0x88, s3;
	s6 =	simm.s32 @!p1 $0x1082;
	[sflag:s4] =	ssyncset.s32 $0xFFFFF086  }
0x25: {  	[simem:s6], [sflag:s4] =	dma.local [hbm:s3], $0xF7A  }
0x26: {  	[smem:$0x3F9B] =	sst s1;
	(tag) =	ssettag s2;
	_ =	strace s9  }
0x27: {  	s1 =	sld [smem:$0x3FAB]  }
0x28: {  	s2 =	sld [smem:$0x3FAC]  }
0x29: {  	s4 =	sld [smem:$0x3FAE]  }
0x2a: {  	p0 =	seq.s32 s5, $0x0;
	s5 =	sld [smem:$0x3FAF]  }
0x2b: {  	s6 =	sld [smem:$0x3FB0]  }
0x2c: {  	s7 =	sld [smem:$0x3FB1]  }
0x2d: {  	s3 =	simm.s32 $0x108;
	s8 =	sld [smem:$0x3FB2]  }
0x2e: {  	s3 =	simm.s32 @!p0 $0x1082;
	s9 =	sld [smem:$0x3FB3]  }
0x2f: {  	lr =	sadd.s32 s0, s3;
	s0 =	sld [smem:$0x3FAA]  }
0x30: {  	s3 =	sld [smem:$0x3FAD]  }
0x31: {  	[smem:$0x3FB6] =	sst s10  }
0x32: {  	s10 =	sld [smem:$0x3FB4];
	_ =	sdelay $0x3  }
0x33: {  	p0 =	seq.s32 s10, $0x1;
	s10 =	sld [smem:$0x3FB6];
	_ =	sdelay $0x3  }
0x34: {  	[smem:$0x3FB6] =	sst s10  }
0x35: {  	s10 =	sld [smem:$0x3FB5];
	_ =	sdelay $0x3  }
0x36: {  	p1 =	seq.s32 s10, $0x1;
	s10 =	sld [smem:$0x3FB6];
	_ =	sdelay $0x3  }
0x37: {  	[smem:$0x3FB6] =	sst s10  }
0x38: {  	s10 =	sld [smem:$0x3FB7]  }
0x39: {  	_ = 	snop;
	(pc) =	sbr.ind lr, $3  }
0x3a: {  	_ = 	snop  }
0x3b: {  	_ = 	snop  }
0x3c: {  	p2 =	seq.s32 s10, $0x1;
	s10 =	sld [smem:$0x3FB6]  }
0x3d: {  	_ =	shalt  }
0x3e: {  	_ =	shalt  }
0x3f: {  	_ =	shalt  }
0x40: {  	_ =	shalt  }
0x41: {  	_ =	shalt  }
0x42: {  	_ =	shalt  }
0x43: {  	_ =	shalt  }
0x44: {  	_ =	shalt  }
0x45: {  	_ =	shalt  }
0x46: {  	_ =	shalt  }
0x47: {  	_ =	shalt  }
0x48: {  	_ =	shalt  }
0x49: {  	_ =	shalt  }
0x4a: {  	_ =	shalt  }
0x4b: {  	_ =	shalt  }
0x4c: {  	_ =	shalt  }
0x4d: {  	_ =	shalt  }
0x4e: {  	_ =	shalt  }
0x4f: {  	_ =	shalt  }
0x50: {  	_ =	shalt  }
0x51: {  	_ =	shalt  }
0x52: {  	_ =	shalt  }
0x53: {  	_ =	shalt  }
0x54: {  	_ =	shalt  }
0x55: {  	_ =	shalt  }
0x56: {  	_ =	shalt  }
0x57: {  	_ =	shalt  }
0x58: {  	_ =	shalt  }
0x59: {  	_ =	shalt  }
0x5a: {  	_ =	shalt  }
0x5b: {  	_ =	shalt  }
0x5c: {  	_ =	shalt  }
0x5d: {  	_ =	shalt  }
0x5e: {  	_ =	shalt  }
0x5f: {  	_ =	shalt  }
0x60: {  	_ =	shalt  }
0x61: {  	_ =	shalt  }
0x62: {  	_ =	shalt  }
0x63: {  	_ =	shalt  }
0x64: {  	_ =	shalt  }
0x65: {  	_ =	shalt  }
0x66: {  	_ =	shalt  }
0x67: {  	_ =	shalt  }
0x68: {  	_ =	shalt  }
0x69: {  	_ =	shalt  }
0x6a: {  	_ =	shalt  }
0x6b: {  	_ =	shalt  }
0x6c: {  	_ =	shalt  }
0x6d: {  	_ =	shalt  }
0x6e: {  	_ =	shalt  }
0x6f: {  	_ =	shalt  }
0x70: {  	_ =	shalt  }
0x71: {  	_ =	shalt  }
0x72: {  	_ =	shalt  }
0x73: {  	_ =	shalt  }
0x74: {  	_ =	shalt  }
0x75: {  	_ =	shalt  }
0x76: {  	_ =	shalt  }
0x77: {  	_ =	shalt  }
0x78: {  	_ =	shalt  }
0x79: {  	_ =	shalt  }
0x7a: {  	_ =	shalt  }
0x7b: {  	_ =	shalt  }
0x7c: {  	_ =	shalt  }
0x7d: {  	_ =	shalt  }
0x7e: {  	_ =	shalt  }
0x7f: {  	_ =	shalt  }
0x80: {  	_ =	shalt  }
0x81: {  	_ =	shalt  }
0x82: {  	_ =	shalt  }
0x83: {  	_ =	shalt  }
0x84: {  	_ =	shalt  }
0x85: {  	_ =	shalt  }
0x86: {  	_ =	shalt  }
0x87: {  	_ =	shalt  }
.Lfunc_end0:
.L_simem_size_0:
called_computation_lowered:
.L_overlay_start_0:
0x88: {  	s2 =	sld [smem:$0x3FD9]  }
0x89: {  	s3 =	sld [smem:$0x3FFE];
	_ =	sdelay $0x1  }
0x8a: {  	s1 =	srdreg.scid  }
0x8b: {  	s0 =	sand.u32 $0x1, s1  }
0x8c: {  	s17 =	sshll.u32 s0, $0xA;
	s2 =	sadd.s32 s3, s2  }
0x8d: {  	s2 =	sadd.s32 s2, s17  }
0x8e: {  	[smem:$0x3FC2] =	sst s2  }
0x8f: {  	_ = 	snop  }
0x90: {  	s2 =	sld [smem:$0x3FD0];
	(tm) =	ssettm $0x1  }
0x91: {  	s18 =	sld [smem:$0x3FFB];
	_ =	sdelay $0x3  }
0x92: {  	_ =	strace s18  }
0x93: {  	s3 =	sld [smem:$0x3FFC];
	_ =	sdelay $0x3  }
0x94: {  	_ =	strace s3  }
0x95: {  	s3 =	sld [smem:$0x3FFD];
	_ =	sdelay $0x3  }
0x96: {  	_ =	strace s3  }
0x97: {  	_ =	strace $0x8FFFFFFF  }
0x98: {  	s19 =	sld [smem:$0x3FDB];
	_ =	sdelay $0x1  }
0x99: {  	s4 =	simm.s32 $_scs_section_size  }
0x9a: {  	s5 =	simm.s32 $_size__tile_overlayer_lowered;
	s6 =	simm.s32 $_tile_overlayer_lowered  }
0x9b: {  	s22 =	simm.s32 $0x1BFF;
	s21 =	sshll.u32 s6, $0x1;
	s3 =	sadd.s32 s4, s19  }
0x9c: {  	s7 =	simm.s32 $0x0;
	s20 =	sshll.u32 s5, $0x1;
	s5 =	sadd.s32 s21, s3  }
0x9d: {  	[timem:s7], [sflag:s22] =	dma.local [hbm:s5], s20  }
0x9e: {  	_ =	swait.ge [sflag:s22], s20  }
0x9f: {  	s4 =	ssub.s32 $0x0, s20;
	[sflag:s22] =	ssyncset.done $0x0  }
0xa0: {  	[sflag:s22] =	ssyncadd.s32 s4;
	_ =	sdelay $0x1  }
0xa1: {  	s23 =	simm.s32 $0x1B8B  }
0xa2: {  	_ =	swait.ge [sflag:s23], $0x1  }
0xa3: {  	[sflag:s23] =	ssyncset.done $0x0  }
0xa4: {  	s25 =	simm.s32 $0x1B8E;
	s24 =	sld [smem:$0x3FFE];
	[sflag:s23] =	ssyncadd.s32 $0xFFFFFFFF  }
0xa5: {  	s26 =	simm.s32 $execute0_lowered;
	[smem:$0x3FD2] =	sst s25  }
0xa6: {  	s5 =	sshll.u32 s26, $0x1;
	_ =	strace $0x80000046;
	[dreg:$0x1] =	wrdreg $0xFFFFFFFF  }
0xa7: {  	s28 =	simm.s32 $_size_execute0_lowered;
	s3 =	sadd.s32 s3, s5;
	[dreg:$0x0] =	wrdreg $0x0  }
0xa8: {  	s5 =	sshll.u32 s28, $0x1;
	[dreg:$0x2] =	wrdreg s3  }
0xa9: {  	[dreg:$0x3] =	wrdreg s5  }
0xaa: {  	[dreg:$0x4] =	wrdreg $0xC0  }
0xab: {  	_ =	task [dreg:s7], $0x5FFFF  }
0xac: {  	[dreg:$0x1] =	wrdreg $0xFFFFFFFF  }
0xad: {  	[dreg:$0x0] =	wrdreg $0x60  }
0xae: {  	[dreg:$0x2] =	wrdreg s24  }
0xaf: {  	[dreg:$0x3] =	wrdreg s2  }
0xb0: {  	[dreg:$0x4] =	wrdreg $0x29E00  }
0xb1: {  	[dreg:$0x5] =	wrdreg $0x9  }
0xb2: {  	_ =	task.clear_ibuf [dreg:s7], $0x6FFFF;
	_ =	strace $0x90000046  }
0xb3: {  	s29 =	simm.s32 $0x9;
	_ =	strace $0x80000048  }
0xb4: {  	_ =	swait.ge [sflag:s29], $0x1  }
0xb5: {  	[sflag:s29] =	ssyncadd.s32 $0xFFFFFFFF  }
0xb6: {  	_ =	strace $0x90000048  }
0xb7: {  	_ =	sfence  }
0xb8: {  	s30 =	sld [smem:$0x0];
	_ =	sdelay $0x2  }
0xb9: {  	s31 =	sshll.u32 s1, $0xD;
	s1 =	sshrl.u32 s1, $0x2  }
0xba: {  	s3 =	sand.u32 $0x4000, s31;
	s1 =	sadd.s32 s1, s30  }
0xbb: {  	s0 =	sor.u32 s3, s0;
	s1 =	sshll.u32 s1, $0x11  }
0xbc: {  	s0 =	sor.u32 s1, s0  }
0xbd: {  	s0 =	sadd.s32 $0x8F2B, s0  }
0xbe: {  	[sflag:s0] =	ssyncadd.remote.s32 $0x1  }
0xbf: {  	_ =	sfence.sel $0xFFFF  }
0xc0: {  	[dreg:$0x0] =	wrdreg $0xFFFFFFFF;
	(pc) =	sbr.abs _section_cstart, $3  }
0xc1: {  	[dreg:$0x1] =	wrdreg $0xFFFFFFFF  }
0xc2: {  	_ =	task.clear_ibuf [dreg:s7], $0x2FFFF;
	_ =	strace $0x9FFFFFFF  }
0xc3: {  	(tm) =	ssettm $0x7FFFFFFF  }
tec
execute0_lowered:
.L_overlay_start_1:
0x0: {  	(tag) =	ssettag $0x1  }
0x1: {  	s4 =	rddreg [dreg:$0x0]  }
0x2: {  	s6 =	rddreg [dreg:$0x1];
	s0 =	srdreg.scid  }
0x3: {  	s2 =	rddreg [dreg:$0x2];
	s1 =	stileid.u32;
	s3 =	simm.s32 $0x0  }
0x4: {  	s11 =	simm.s32 $0x2710;
	s5 =	sand.u32 $0x1, s0;
	s0 =	rddreg [dreg:$0x3]  }
0x5: {  	s14 =	simm.s32 $0x0;
	s8 =	smul.u32 $0x280, s1;
	[smem:$0x7FF] =	sst s3  }
0x6: {  	s12 =	sshll.u32 s1, $0x6;
	s7 =	sshll.u32 s5, $0x4;
	s9 =	smul.u32 $0x2800, s5  }
0x7: {  	s5 =	ssub.s32 $0x2, s5;
	_ =	strace $0x80000047;
	s7 =	sor.u32 s1, s7  }
0x8: {  	s12 =	sor.u32 $0x1C01, s12;
	s10 =	sshrl.u32 s5, $0x1;
	s7 =	smul.u32 $0x4E2, s7  }
0x9: {  	s9 =	sadd.s32 s8, s9;
	s31 =	ssub.s32 s5, s10;
	s5 =	sadd.s32 s8, s2  }
0xa: {  	s8 =	simm.s32 $0x1;
	s10 =	simm.s32 $0x50;
	s9 =	sshrl.u32 s9, $0x3  }
0xb: {  	s13 =	sshrl.u32 s5, $0x3;
	s4 =	sadd.s32 s7, s4;
	s6 =	sadd.s32 s6, s9  }
0xc: {  	v0 =	vimm.f32 $1.000000000e+00;
	v1 =	vimm.f32 $0.0e+00;
	s7 =	smax.u32 s31, $0x1;
	s9 =	simm.s32 $0x2760;
	s4 =	sadd.s32 $0xB200, s4  }
.LBB2_1:
0xd: {  	[tilespmem:s3], [sflag:$0x1] =	stream.linear.gather [hbm4b:s4+s3], $0x2710, $0x38;
	[tilespmem:$0x2C60] =	vst v63  }
0xe: {  	_ =	swait.ge [sflag:s8], $0x2710  }
0xf: {  	[sflag:s8] =	ssyncset.done $0x0  }
0x10: {  	[sflag:s8] =	ssyncadd.s32 $0xFFFFD8F0  }
0x11: {  	[tilespmem:$0x2710] =	vst v0  }
0x12: {  	[tilespmem:$0x2720] =	vst v0  }
0x13: {  	[tilespmem:$0x2730] =	vst v0  }
0x14: {  	[tilespmem:$0x2740] =	vst v0  }
0x15: {  	[tilespmem:$0x2750] =	vst v0  }
0x16: {  	[tilespmem:$0x2760] =	vst v1  }
0x17: {  	[tilespmem:$0x2770] =	vst v1  }
0x18: {  	[tilespmem:$0x2780] =	vst v1  }
0x19: {  	[tilespmem:$0x2790] =	vst v1  }
0x1a: {  	[tilespmem:$0x27A0] =	vst v1  }
0x1b: {  	[tilespmem:$0x27B0] =	vst v1  }
0x1c: {  	[tilespmem:$0x27C0] =	vst v1  }
0x1d: {  	[tilespmem:$0x27D0] =	vst v1  }
0x1e: {  	[tilespmem:$0x27E0] =	vst v1  }
0x1f: {  	[tilespmem:$0x27F0] =	vst v1  }
0x20: {  	[tilespmem:$0x2800] =	vst v1  }
0x21: {  	[tilespmem:$0x2810] =	vst v1  }
0x22: {  	[tilespmem:$0x2820] =	vst v1  }
0x23: {  	[tilespmem:$0x2830] =	vst v1  }
0x24: {  	[tilespmem:$0x2840] =	vst v1  }
0x25: {  	[tilespmem:$0x2850] =	vst v1  }
0x26: {  	[tilespmem:$0x2860] =	vst v1  }
0x27: {  	[tilespmem:$0x2870] =	vst v1  }
0x28: {  	[tilespmem:$0x2880] =	vst v1  }
0x29: {  	[tilespmem:$0x2890] =	vst v1  }
0x2a: {  	[tilespmem:$0x28A0] =	vst v1  }
0x2b: {  	[tilespmem:$0x28B0] =	vst v1  }
0x2c: {  	[tilespmem:$0x28C0] =	vst v1  }
0x2d: {  	[tilespmem:$0x28D0] =	vst v1  }
0x2e: {  	[tilespmem:$0x28E0] =	vst v1  }
0x2f: {  	[tilespmem:$0x28F0] =	vst v1  }
0x30: {  	[tilespmem:$0x2900] =	vst v1  }
0x31: {  	[tilespmem:$0x2910] =	vst v1  }
0x32: {  	[tilespmem:$0x2920] =	vst v1  }
0x33: {  	[tilespmem:$0x2930] =	vst v1  }
0x34: {  	[tilespmem:$0x2940] =	vst v1  }
0x35: {  	[tilespmem:$0x2950] =	vst v1  }
0x36: {  	[tilespmem:$0x2960] =	vst v1  }
0x37: {  	[tilespmem:$0x2970] =	vst v1  }
0x38: {  	[tilespmem:$0x2980] =	vst v1  }
0x39: {  	[tilespmem:$0x2990] =	vst v1  }
0x3a: {  	[tilespmem:$0x29A0] =	vst v1  }
0x3b: {  	[tilespmem:$0x29B0] =	vst v1  }
0x3c: {  	[tilespmem:$0x29C0] =	vst v1  }
0x3d: {  	[tilespmem:$0x29D0] =	vst v1  }
0x3e: {  	[spmem:s5] =	stream.linear.scatter [tilespmem:s9], [sflag:$0x1], $0x280, $0x38;
	[tilespmem:$0x2C60] =	vst v63  }
0x3f: {  	_ =	swait.ge [sflag:s8], $0x280  }
0x40: {  	[sflag:s8] =	ssyncset.done $0x0  }
0x41: {  	[sflag:s8] =	ssyncadd.s32 $0xFFFFFD80  }
0x42: {  	s15 =	simm.s32 $0x0;
	[bflag:$0x0] =	sbarrier.arrive $0xFFFF  }
0x43: {  	[spmem:s2] =	stream.indirect.scatter.add.f32 [tilespmem:s11], [sflag:$0x1], $0x1, s15, s10, $0xb8;
	[tilespmem:$0x2C60] =	vst v63  }
0x44: {  	_ =	swait.ge [sflag:s8], $0x50  }
0x45: {  	s15 =	simm.s32 $0x140;
	[sflag:s8] =	ssyncset.done $0x0  }
.LBB2_2:
0x46: {  	s16 =	sshra.s32 s15, $0x2;
	[sflag:s8] =	ssyncadd.s32 $0xFFFFFFB0;
	p0 =	sne.s32 s15, $0x9B00  }
0x47: {  	[spmem:s2] =	stream.indirect.scatter.add.f32 [tilespmem:s11], [sflag:$0x1], $0x1, s16, s10, $0xb8;
	[tilespmem:$0x2C60] =	vst v63  }
.Ltmp0:
0x48: {  	_ = 	snop;
	(pc) =	sbr.rel @p0 .LBB2_2-.Ltmp0, $4  }
0x49: {  	_ = 	snop  }
0x4a: {  	s15 =	sadd.s32 $0x140, s15  }
0x4b: {  	_ =	swait.ge [sflag:s8], $0x50  }
0x4c: {  	[sflag:s8] =	ssyncset.done $0x0  }
0x4d: {  	s14 =	sadd.s32 $0x1, s14  }
0x4e: {  	[sflag:s8] =	ssyncadd.s32 $0xFFFFFFB0;
	p0 =	sne.s32 s14, s7  }
.Ltmp1:
0x4f: {  	[bflag:$0x0] =	sbarrier.arrive $0xFFFF;
	(pc) =	sbr.rel @p0 .LBB2_1-.Ltmp1, $4  }
0x50: {  	[hbm:s6], [sflag:s12] =	dma.local [spmem:s13], $0x50  }
0x51: {  	_ =	swait.ge [sflag:s8], $0x50  }
0x52: {  	[sflag:s8] =	ssyncset.done $0x0  }
0x53: {  	[sflag:s8] =	ssyncadd.s32 $0xFFFFFFB0  }
0x54: {  	_ =	sfence.sel $0x180000  }
0x55: {  	[bflag:$0x0] =	sbarrier.arrive $0xFFFF  }
0x56: {  	p0 =	sne.s32 s1, $0x0;
	_ =	strace $0x90000047  }
0x57: {  	s0 =	sadd.s32 @!p0 $0x100000, s0;
	[bflag:$0x2] =	sbarrier.arrive $0xFFFF  }
0x58: {  	[sflag:s0] =	ssyncadd.tile.s32 @!p0 $0x1;
	_ =	shalt  }
.Lfunc_end2:
_tile_overlayer_lowered:
.L_overlay_start_2:
0x59: {  	(tag) =	ssettag $0x2  }
0x5a: {  	s0 =	rddreg [dreg:$0x0];
	s2 =	stileid.u32  }
0x5b: {  	s1 =	rddreg [dreg:$0x1];
	p0 =	sne.s32 s2, $0x0  }
0x5c: {  	s3 =	rddreg [dreg:$0x2];
	[bflag:$0x3] =	sbarrier.arrive $0xFFFF;
	s2 =	simm.s32 @!p0 $0x1C01  }
0x5d: {  	[timem:s3], [sflag:s2] =	dma.local @!p0 [hbm:s0], s1  }
0x5e: {  	s0 =	simm.s32 @!p0 $0x1  }
0x5f: {  	_ =	swait.ge @!p0 [sflag:s0], s1  }
0x60: {  	s1 =	ssub.s32 @!p0 $0x0, s1;
	[sflag:s0] =	ssyncset.done @!p0 $0x0  }
0x61: {  	[sflag:s0] =	ssyncadd.s32 @!p0 s1  }
0x62: {  	[bflag:$0x3] =	sbarrier.arrive $0xFFFF  }
0x63: {  	_ =	shalt  }

</sc_bundles>
